<compile_context>
chip_gen: v7x
topology: tpu7x:2x2x1
jax: 0.10.2.dev20260603
libtpu: 0.0.44.dev20260713+nightly
codegen_flags: <defaults>
</compile_context>

<pallas_src>
import functools

import jax
import jax.numpy as jnp
from jax import lax
from jax.experimental import pallas as pl
from jax.experimental.pallas import tpu as pltpu
from jax.experimental.pallas import tpu_sc as plsc

_N = 10000
_D = 128
_H = 32
_T = 4
_O = 5
_E = 320000

_NC = 2
_NS = 16
_NW = _NC * _NS
_NPAD = 10240
_RPS = _NPAD // _NS
_CHUNK = 128
_EPAD = 327680
_NCH = _EPAD // (_NW * _CHUNK)



def _make_sc_scatter(nrel, width):
    mesh = plsc.VectorSubcoreMesh(core_axis_name="c", subcore_axis_name="s")
    scratch = [pltpu.VMEM_SHARED((_NPAD, width), jnp.float32)
               for _ in range(nrel)]
    scratch += [
        pltpu.VMEM((_NCH, _CHUNK), jnp.int32),
        pltpu.VMEM((_NCH, _CHUNK), jnp.int32),
        pltpu.VMEM((_CHUNK, width), jnp.float32),
        pltpu.SemaphoreType.DMA,
    ]

    @functools.partial(
        pl.kernel,
        mesh=mesh,
        out_type=jax.ShapeDtypeStruct((_NC, nrel, _NPAD, width), jnp.float32),
        scratch_types=scratch,
        compiler_params=pltpu.CompilerParams(use_tc_tiling_on_sc=False),
    )
    def sc_kernel(*refs):
        tables = refs[:nrel]
        src_hbm, dst_hbm, zeros_hbm, out_hbm = refs[nrel:nrel + 4]
        accs = refs[nrel + 4:2 * nrel + 4]
        src_v, dst_v, rows_v, sem = refs[2 * nrel + 4:]

        c = lax.axis_index("c")
        s = lax.axis_index("s")
        wid = c * _NS + s

        for acc in accs:
            pltpu.sync_copy(zeros_hbm.at[pl.ds(s * _RPS, _RPS)],
                            acc.at[pl.ds(s * _RPS, _RPS)])
        plsc.subcore_barrier()

        for r in range(nrel):
            pltpu.sync_copy(src_hbm.at[r, wid], src_v)
            pltpu.sync_copy(dst_hbm.at[r, wid], dst_v)
            table = tables[r]
            acc = accs[r]

            def body(j, carry, table=table, acc=acc):
                pltpu.async_copy(table.at[src_v.at[j]], rows_v, sem).wait()
                pltpu.sync_copy(rows_v, acc.at[dst_v.at[j]], add=True)
                return carry

            lax.fori_loop(0, _NCH, body, 0)
        plsc.subcore_barrier()

        for r in range(nrel):
            pltpu.sync_copy(accs[r].at[pl.ds(s * _RPS, _RPS)],
                            out_hbm.at[c, r, pl.ds(s * _RPS, _RPS)])

    return sc_kernel


_sc_scatter3_16 = _make_sc_scatter(3, 16)
_sc_scatter3_32 = _make_sc_scatter(3, _H)
_sc_scatter1_32 = _make_sc_scatter(1, _H)



def _elu(v):
    return jnp.where(v > 0, v, jnp.exp(v) - 1.0)


def _softmax(v):
    m = jnp.max(v, axis=-1, keepdims=True)
    e = jnp.exp(v - m)
    return e / jnp.sum(e, axis=-1, keepdims=True)


def _layernorm(h, w, b):
    mu = jnp.mean(h, axis=-1, keepdims=True)
    var = jnp.mean((h - mu) ** 2, axis=-1, keepdims=True)
    return (h - mu) * lax.rsqrt(var + 1e-5) * w + b


def _dot(a, b):
    return jnp.dot(a, b, preferred_element_type=jnp.float32)


def _row(ref):
    return ref[...].reshape(1, -1)



_BR = 1280


def _bs(shape):
    nd = len(shape)
    return pl.BlockSpec((_BR,) + tuple(shape[1:]),
                        lambda i: (i,) + (0,) * (nd - 1))


def _full(shape):
    nd = len(shape)
    return pl.BlockSpec(tuple(shape), lambda i: (0,) * nd)


def _tc1_body(x_ref, a0c_ref, a1c_ref, a0a_ref, a1a_ref, a0t_ref, a1t_ref,
              Wc_ref, bc_ref, Wa_ref, ba_ref, Wt_ref, bt_ref,
              Wl1_ref, bl1_ref, Wl2_ref, bl2_ref,
              Wh1_ref, bh1_ref, Wh2_ref, bh2_ref,
              Pc_ref, Pa_ref, Pt_ref, self_ref, dis_ref, expo_ref, yl_ref):
    x = x_ref[...]
    st = jnp.zeros((_BR, _H), jnp.float32) + _row(bc_ref) + _row(ba_ref) + _row(bt_ref)
    expos = []
    disl = []
    rels = [(a0c_ref, a1c_ref, Wc_ref, Pc_ref),
            (a0a_ref, a1a_ref, Wa_ref, Pa_ref),
            (a0t_ref, a1t_ref, Wt_ref, Pt_ref)]
    for a0_ref, a1_ref, W_ref, P_ref in rels:
        acc = a0_ref[...] + a1_ref[...]
        deg = acc[:, _T:_T + 1]
        dis = lax.rsqrt(deg + 1.0)
        xw = _dot(x, W_ref[...])
        P_ref[...] = xw * dis
        st = st + xw * (dis * dis)
        expos.append(acc[:, :_T] / jnp.maximum(deg, 1.0))
        disl.append(dis)
    self_ref[...] = st
    dis_ref[...] = jnp.concatenate(disl, axis=-1)
    expo_ref[...] = jnp.concatenate(expos, axis=-1)

    t = x[:, :_T]
    hl = _elu(_dot(x, Wl1_ref[...]) + _row(bl1_ref))
    hl = _elu(_dot(hl, Wl2_ref[...]) + _row(bl2_ref))
    zl = _elu(_dot(hl, Wh1_ref[:_H]) + _dot(t, Wh1_ref[_H:]) + _row(bh1_ref))
    yl_ref[...] = _softmax(_dot(zl, Wh2_ref[...]) + _row(bh2_ref))


def _tc1(xpad, parts, Wc, bc, Wa, ba, Wt, bt, Wl1, bl1, Wl2, bl2,
         Wh1, bh1, Wh2, bh2):
    args = (xpad, parts[0, 0], parts[1, 0], parts[0, 1], parts[1, 1],
            parts[0, 2], parts[1, 2],
            Wc, bc, Wa, ba, Wt, bt, Wl1, bl1, Wl2, bl2, Wh1, bh1, Wh2, bh2)
    out_shapes = [
        jax.ShapeDtypeStruct((_NPAD, _H), jnp.float32),
        jax.ShapeDtypeStruct((_NPAD, _H), jnp.float32),
        jax.ShapeDtypeStruct((_NPAD, _H), jnp.float32),
        jax.ShapeDtypeStruct((_NPAD, _H), jnp.float32),
        jax.ShapeDtypeStruct((_NPAD, 3), jnp.float32),
        jax.ShapeDtypeStruct((_NPAD, 3 * _T), jnp.float32),
        jax.ShapeDtypeStruct((_NPAD, _O), jnp.float32),
    ]
    in_specs = [_bs(a.shape) if a.shape[0] == _NPAD else _full(a.shape)
                for a in args]
    out_specs = [_bs(o.shape) for o in out_shapes]
    return pl.pallas_call(
        _tc1_body,
        grid=(_NPAD // _BR,),
        in_specs=in_specs,
        out_specs=out_specs,
        out_shape=out_shapes,
    )(*args)



def _tc2_body(a0c_ref, a1c_ref, a0a_ref, a1a_ref, a0t_ref, a1t_ref,
              self_ref, dis_ref, Wc2_ref, ln1w_ref, ln1b_ref,
              P2_ref, hw_ref):
    hpre = self_ref[...]
    rels = [(a0c_ref, a1c_ref, 0), (a0a_ref, a1a_ref, 1), (a0t_ref, a1t_ref, 2)]
    for a0_ref, a1_ref, r in rels:
        agg = a0_ref[...] + a1_ref[...]
        hpre = hpre + agg * dis_ref[:, r:r + 1]
    h = _elu(_layernorm(hpre, _row(ln1w_ref), _row(ln1b_ref)))
    hw = _dot(h, Wc2_ref[...])
    hw_ref[...] = hw
    P2_ref[...] = hw * dis_ref[:, 0:1]


def _tc2(parts, selfterm, dis, Wc2, ln1w, ln1b):
    args = (parts[0, 0], parts[1, 0], parts[0, 1], parts[1, 1], parts[0, 2],
            parts[1, 2], selfterm, dis, Wc2, ln1w, ln1b)
    out_shapes = [
        jax.ShapeDtypeStruct((_NPAD, _H), jnp.float32),
        jax.ShapeDtypeStruct((_NPAD, _H), jnp.float32),
    ]
    in_specs = [_bs(a.shape) if a.shape[0] == _NPAD else _full(a.shape)
                for a in args]
    return pl.pallas_call(
        _tc2_body,
        grid=(_NPAD // _BR,),
        in_specs=in_specs,
        out_specs=[_bs(o.shape) for o in out_shapes],
        out_shape=out_shapes,
    )(*args)



def _tc3_body(a0_ref, a1_ref, hw_ref, dis_ref, bc2_ref, ln2w_ref, ln2b_ref,
              x_ref, expo_ref, Wf1_ref, bf1_ref, Wf2_ref, bf2_ref, yf_ref):
    agg2 = a0_ref[...] + a1_ref[...]
    dis = dis_ref[:, 0:1]
    g = agg2 * dis + hw_ref[...] * dis * dis + _row(bc2_ref)
    h2 = _elu(_layernorm(g, _row(ln2w_ref), _row(ln2b_ref)))
    t = x_ref[:, :_T]
    expo = expo_ref[...]
    z = _elu(_dot(h2, Wf1_ref[:_H]) + _dot(t, Wf1_ref[_H:_H + _T])
             + _dot(expo, Wf1_ref[_H + _T:]) + _row(bf1_ref))
    yf_ref[...] = _softmax(_dot(z, Wf2_ref[...]) + _row(bf2_ref))


def _tc3(parts2, hw, dis, bc2, ln2w, ln2b, xpad, expo, Wf1, bf1, Wf2, bf2):
    args = (parts2[0, 0], parts2[1, 0], hw, dis, bc2, ln2w, ln2b, xpad, expo,
            Wf1, bf1, Wf2, bf2)
    out_shape = jax.ShapeDtypeStruct((_NPAD, _O), jnp.float32)
    in_specs = [_bs(a.shape) if a.shape[0] == _NPAD else _full(a.shape)
                for a in args]
    return pl.pallas_call(
        _tc3_body,
        grid=(_NPAD // _BR,),
        in_specs=in_specs,
        out_specs=_bs(out_shape.shape),
        out_shape=out_shape,
    )(*args)



def kernel(x, contig_ei, alliance_ei, trade_ei, W_contig, b_contig,
           W_alliance, b_alliance, W_trade, b_trade, ln1_w, ln1_b,
           W_conv2, b_conv2, ln2_w, ln2_b, Wl1, bl1, Wl2, bl2,
           Wf1, bf1, Wf2, bf2, Wh1, bh1, Wh2, bh2):
    f32 = jnp.float32
    xpad = jnp.pad(x.astype(f32), ((0, _NPAD - _N), (0, 0)))
    t = xpad[:, :_T]
    ones = jnp.concatenate(
        [jnp.ones((_N, 1), f32), jnp.zeros((_NPAD - _N, 1), f32)], axis=0)
    texp = jnp.concatenate([t, ones, jnp.zeros((_NPAD, 11), f32)], axis=-1)

    def prep(ei):
        pad = jnp.full((2, _EPAD - _E), _N, jnp.int32)
        e = jnp.concatenate([ei.astype(jnp.int32), pad], axis=1)
        return e.reshape(2, _NW, _NCH, _CHUNK)

    e_c, e_a, e_t = prep(contig_ei), prep(alliance_ei), prep(trade_ei)
    src3 = jnp.stack([e_c[0], e_a[0], e_t[0]])
    dst3 = jnp.stack([e_c[1], e_a[1], e_t[1]])
    zeros16 = jnp.zeros((_NPAD, 16), f32)
    zeros32 = jnp.zeros((_NPAD, _H), f32)

    acc1 = _sc_scatter3_16(texp, texp, texp, src3, dst3, zeros16)

    Pc, Pa, Pt, selfterm, dis, expo, y_local = _tc1(
        xpad, acc1, W_contig, b_contig, W_alliance, b_alliance, W_trade,
        b_trade, Wl1, bl1, Wl2, bl2, Wh1, bh1, Wh2, bh2)

    agg = _sc_scatter3_32(Pc, Pa, Pt, src3, dst3, zeros32)

    P2, hw = _tc2(agg, selfterm, dis, W_conv2, ln1_w, ln1_b)

    agg2 = _sc_scatter1_32(P2, src3[0:1], dst3[0:1], zeros32)

    y_full = _tc3(agg2, hw, dis, b_conv2, ln2_w, ln2_b, xpad, expo,
                  Wf1, bf1, Wf2, bf2)

    return (y_full[:_N], y_local[:_N], expo[:_N])

# --- scband reference (transcript-rebuilt; emitter-appended) ---
"""Pipeline reference for scband-contagion-net-30966714204827 (READ-ONLY COPY).

The authoritative reference and input builder live on the scoring server;
editing this copy changes nothing except your own understanding.
"""

import jax, jax.numpy as jnp
import numpy as np

N = 10000
E = 320000
D = 128
H = 32
T = 4
O = 5

def setup_inputs(seed: int = 0):
    key = jax.random.key(seed)
    ks = jax.random.split(key, 20)
    p = {}
    p["x"] = jax.random.normal(ks[0], (N, D), dtype=jnp.float32)
    p["contig_ei"] = jax.random.randint(ks[1], (2, E), 0, N)
    p["alliance_ei"] = jax.random.randint(ks[2], (2, E), 0, N)
    p["trade_ei"] = jax.random.randint(ks[3], (2, E), 0, N)
    def w(k, shape):
        return jax.random.normal(k, shape, dtype=jnp.float32) * 0.05
    p["W_contig"] = w(ks[4], (D, H)); p["b_contig"] = jnp.zeros((H,), jnp.float32)
    p["W_alliance"] = w(ks[5], (D, H)); p["b_alliance"] = jnp.zeros((H,), jnp.float32)
    p["W_trade"] = w(ks[6], (D, H)); p["b_trade"] = jnp.zeros((H,), jnp.float32)
    p["ln1_w"] = jnp.ones((H,), jnp.float32); p["ln1_b"] = jnp.zeros((H,), jnp.float32)
    p["W_conv2"] = w(ks[7], (H, H)); p["b_conv2"] = jnp.zeros((H,), jnp.float32)
    p["ln2_w"] = jnp.ones((H,), jnp.float32); p["ln2_b"] = jnp.zeros((H,), jnp.float32)
    p["Wl1"] = w(ks[8], (D, H)); p["bl1"] = jnp.zeros((H,), jnp.float32)
    p["Wl2"] = w(ks[9], (H, H)); p["bl2"] = jnp.zeros((H,), jnp.float32)
    p["Wf1"] = w(ks[10], (H + T + 3 * T, H)); p["bf1"] = jnp.zeros((H,), jnp.float32)
    p["Wf2"] = w(ks[11], (H, O)); p["bf2"] = jnp.zeros((O,), jnp.float32)
    p["Wh1"] = w(ks[12], (H + T, H)); p["bh1"] = jnp.zeros((H,), jnp.float32)
    p["Wh2"] = w(ks[13], (H, O)); p["bh2"] = jnp.zeros((O,), jnp.float32)
    return p

def _gcn(x, ei, W, b):
    n = x.shape[0]
    src = jnp.concatenate([ei[0], jnp.arange(n)])
    dst = jnp.concatenate([ei[1], jnp.arange(n)])
    deg = jax.ops.segment_sum(jnp.ones(src.shape[0], x.dtype), dst, num_segments=n)
    dis = jnp.where(deg > 0, 1.0 / jnp.sqrt(deg), 0.0)
    norm = dis[src] * dis[dst]
    xw = x @ W
    out = jax.ops.segment_sum(xw[src] * norm[:, None], dst, num_segments=n)
    return out + b

def _ln(h, w, b):
    mu = jnp.mean(h, axis=-1, keepdims=True)
    var = jnp.mean((h - mu) ** 2, axis=-1, keepdims=True)
    return (h - mu) / jnp.sqrt(var + 1e-5) * w + b

def _exposure(t, ei):
    n = t.shape[0]
    expo = jax.ops.segment_sum(t[ei[0]], ei[1], num_segments=n)
    deg = jax.ops.segment_sum(jnp.ones(ei.shape[1], t.dtype), ei[1], num_segments=n)
    deg = jnp.maximum(deg, 1.0)
    return expo / deg[:, None]

def reference(x, contig_ei, alliance_ei, trade_ei, W_contig, b_contig, W_alliance, b_alliance, W_trade, b_trade, ln1_w, ln1_b, W_conv2, b_conv2, ln2_w, ln2_b, Wl1, bl1, Wl2, bl2, Wf1, bf1, Wf2, bf2, Wh1, bh1, Wh2, bh2):
    treatment = x[:, :T]
    h1 = _gcn(x, contig_ei, W_contig, b_contig)
    h2 = _gcn(x, alliance_ei, W_alliance, b_alliance)
    h3 = _gcn(x, trade_ei, W_trade, b_trade)
    h = jax.nn.elu(_ln(h1 + h2 + h3, ln1_w, ln1_b))
    h = jax.nn.elu(_ln(_gcn(h, contig_ei, W_conv2, b_conv2), ln2_w, ln2_b))
    exposure = jnp.concatenate([_exposure(treatment, contig_ei), _exposure(treatment, alliance_ei), _exposure(treatment, trade_ei)], axis=-1)
    zf = jnp.concatenate([h, treatment, exposure], axis=-1)
    y_full = jax.nn.softmax(jax.nn.elu(zf @ Wf1 + bf1) @ Wf2 + bf2, axis=-1)
    h_local = jax.nn.elu(jax.nn.elu(x @ Wl1 + bl1) @ Wl2 + bl2)
    zl = jnp.concatenate([h_local, treatment], axis=-1)
    y_local = jax.nn.softmax(jax.nn.elu(zl @ Wh1 + bh1) @ Wh2 + bh2, axis=-1)
    return (y_full, y_local, exposure)

if __name__ == "__main__":
    import jax
    _d = setup_inputs()
    print(jax.jit(kernel)(*tuple(_d.values())))

</pallas_src>

<mosaic_0001>
#map = affine_map<(d0, d1) -> (0, 0)>
#map1 = affine_map<(d0, d1) -> (0, 0, 0, 0)>
module attributes {stable_mosaic.version = 14 : i64} {
  func.func @sc_kernel(%arg0: i32, %arg1: i32, %arg2: memref<10240x16xf32, #tpu.memory_space<hbm>>, %arg3: memref<10240x16xf32, #tpu.memory_space<hbm>>, %arg4: memref<10240x16xf32, #tpu.memory_space<hbm>>, %arg5: memref<3x32x80x128xi32, #tpu.memory_space<hbm>>, %arg6: memref<3x32x80x128xi32, #tpu.memory_space<hbm>>, %arg7: memref<10240x16xf32, #tpu.memory_space<hbm>>, %arg8: memref<2x3x10240x16xf32, #tpu.memory_space<hbm>>, %arg9: memref<10240x16xf32, #tpu.memory_space<vmem_shared>>, %arg10: memref<10240x16xf32, #tpu.memory_space<vmem_shared>>, %arg11: memref<10240x16xf32, #tpu.memory_space<vmem_shared>>, %arg12: memref<80x128xi32, #tpu.memory_space<vmem>>, %arg13: memref<80x128xi32, #tpu.memory_space<vmem>>, %arg14: memref<128x16xf32, #tpu.memory_space<vmem>>, %arg15: memref<!tpu.dma_semaphore, #tpu.memory_space<semaphore_mem>>) attributes {dimension_semantics = [#tpu.dimension_semantics<core_parallel>, #tpu.dimension_semantics<subcore_parallel>], iteration_bounds = array<i64: 2, 16>, scalar_prefetch = 0 : i64, scratch_operands = 7 : i64, tpu.core_type = #tpu.core_type<sc_vector_subcore>, window_params = [{transform_indices = #map}, {transform_indices = #map}, {transform_indices = #map}, {transform_indices = #map1}, {transform_indices = #map1}, {transform_indices = #map}, {transform_indices = #map1}]} {
    %mul3A = arith.constant 16 : i32
    %mul3A_0 = arith.muli %arg0, %mul3A : i32
    %add3A = arith.addi %mul3A_0, %arg1 : i32
    %mul3A_1 = arith.constant 640 : i32
    %mul3A_2 = arith.muli %arg1, %mul3A_1 : i32
    %mul3A_3 = arith.constant 640 : i32
    %mul3A_4 = arith.muli %arg1, %mul3A_3 : i32
    "tpu.region"() ({
      %run_scoped3A_51 = tpu.sem_alloc : memref<!tpu.dma_semaphore, #tpu.memory_space<semaphore_mem>>
      %dma_start3A = arith.constant 0 : i32
      %dma_start3A_52 = tpu.memref_slice %arg9[%mul3A_4, %dma_start3A] : memref<10240x16xf32, #tpu.memory_space<vmem_shared>> -> memref<640x16xf32, #tpu.memory_space<vmem_shared>>
      %dma_start3A_53 = arith.constant 0 : i32
      %dma_start3A_54 = tpu.memref_slice %arg7[%mul3A_2, %dma_start3A_53] : memref<10240x16xf32, #tpu.memory_space<hbm>> -> memref<640x16xf32, #tpu.memory_space<hbm>>
      tpu.enqueue_dma source(%dma_start3A_54 : memref<640x16xf32, #tpu.memory_space<hbm>>) target(%dma_start3A_52 : memref<640x16xf32, #tpu.memory_space<vmem_shared>>) target_semaphore(%run_scoped3A_51 : memref<!tpu.dma_semaphore, #tpu.memory_space<semaphore_mem>>)
      %dma_wait3A = arith.constant 0 : i32
      %dma_wait3A_55 = tpu.memref_slice %arg9[%mul3A_4, %dma_wait3A] : memref<10240x16xf32, #tpu.memory_space<vmem_shared>> -> memref<640x16xf32, #tpu.memory_space<vmem_shared>>
      %dma_wait3A_56 = arith.constant 0 : i32
      %dma_wait3A_57 = tpu.memref_slice %arg7[%mul3A_2, %dma_wait3A_56] : memref<10240x16xf32, #tpu.memory_space<hbm>> -> memref<640x16xf32, #tpu.memory_space<hbm>>
      tpu.wait_dma2 semaphore(%run_scoped3A_51 : memref<!tpu.dma_semaphore, #tpu.memory_space<semaphore_mem>>) src(%dma_wait3A_57 : memref<640x16xf32, #tpu.memory_space<hbm>>) dst(%dma_wait3A_55 : memref<640x16xf32, #tpu.memory_space<vmem_shared>>)
      tpu.yield
    }) : () -> ()
    %mul3A_5 = arith.constant 640 : i32
    %mul3A_6 = arith.muli %arg1, %mul3A_5 : i32
    %mul3A_7 = arith.constant 640 : i32
    %mul3A_8 = arith.muli %arg1, %mul3A_7 : i32
    "tpu.region"() ({
      %run_scoped3A_51 = tpu.sem_alloc : memref<!tpu.dma_semaphore, #tpu.memory_space<semaphore_mem>>
      %dma_start3A = arith.constant 0 : i32
      %dma_start3A_52 = tpu.memref_slice %arg10[%mul3A_8, %dma_start3A] : memref<10240x16xf32, #tpu.memory_space<vmem_shared>> -> memref<640x16xf32, #tpu.memory_space<vmem_shared>>
      %dma_start3A_53 = arith.constant 0 : i32
      %dma_start3A_54 = tpu.memref_slice %arg7[%mul3A_6, %dma_start3A_53] : memref<10240x16xf32, #tpu.memory_space<hbm>> -> memref<640x16xf32, #tpu.memory_space<hbm>>
      tpu.enqueue_dma source(%dma_start3A_54 : memref<640x16xf32, #tpu.memory_space<hbm>>) target(%dma_start3A_52 : memref<640x16xf32, #tpu.memory_space<vmem_shared>>) target_semaphore(%run_scoped3A_51 : memref<!tpu.dma_semaphore, #tpu.memory_space<semaphore_mem>>)
      %dma_wait3A = arith.constant 0 : i32
      %dma_wait3A_55 = tpu.memref_slice %arg10[%mul3A_8, %dma_wait3A] : memref<10240x16xf32, #tpu.memory_space<vmem_shared>> -> memref<640x16xf32, #tpu.memory_space<vmem_shared>>
      %dma_wait3A_56 = arith.constant 0 : i32
      %dma_wait3A_57 = tpu.memref_slice %arg7[%mul3A_6, %dma_wait3A_56] : memref<10240x16xf32, #tpu.memory_space<hbm>> -> memref<640x16xf32, #tpu.memory_space<hbm>>
      tpu.wait_dma2 semaphore(%run_scoped3A_51 : memref<!tpu.dma_semaphore, #tpu.memory_space<semaphore_mem>>) src(%dma_wait3A_57 : memref<640x16xf32, #tpu.memory_space<hbm>>) dst(%dma_wait3A_55 : memref<640x16xf32, #tpu.memory_space<vmem_shared>>)
      tpu.yield
    }) : () -> ()
    %mul3A_9 = arith.constant 640 : i32
    %mul3A_10 = arith.muli %arg1, %mul3A_9 : i32
    %mul3A_11 = arith.constant 640 : i32
    %mul3A_12 = arith.muli %arg1, %mul3A_11 : i32
    "tpu.region"() ({
      %run_scoped3A_51 = tpu.sem_alloc : memref<!tpu.dma_semaphore, #tpu.memory_space<semaphore_mem>>
      %dma_start3A = arith.constant 0 : i32
      %dma_start3A_52 = tpu.memref_slice %arg11[%mul3A_12, %dma_start3A] : memref<10240x16xf32, #tpu.memory_space<vmem_shared>> -> memref<640x16xf32, #tpu.memory_space<vmem_shared>>
      %dma_start3A_53 = arith.constant 0 : i32
      %dma_start3A_54 = tpu.memref_slice %arg7[%mul3A_10, %dma_start3A_53] : memref<10240x16xf32, #tpu.memory_space<hbm>> -> memref<640x16xf32, #tpu.memory_space<hbm>>
      tpu.enqueue_dma source(%dma_start3A_54 : memref<640x16xf32, #tpu.memory_space<hbm>>) target(%dma_start3A_52 : memref<640x16xf32, #tpu.memory_space<vmem_shared>>) target_semaphore(%run_scoped3A_51 : memref<!tpu.dma_semaphore, #tpu.memory_space<semaphore_mem>>)
      %dma_wait3A = arith.constant 0 : i32
      %dma_wait3A_55 = tpu.memref_slice %arg11[%mul3A_12, %dma_wait3A] : memref<10240x16xf32, #tpu.memory_space<vmem_shared>> -> memref<640x16xf32, #tpu.memory_space<vmem_shared>>
      %dma_wait3A_56 = arith.constant 0 : i32
      %dma_wait3A_57 = tpu.memref_slice %arg7[%mul3A_10, %dma_wait3A_56] : memref<10240x16xf32, #tpu.memory_space<hbm>> -> memref<640x16xf32, #tpu.memory_space<hbm>>
      tpu.wait_dma2 semaphore(%run_scoped3A_51 : memref<!tpu.dma_semaphore, #tpu.memory_space<semaphore_mem>>) src(%dma_wait3A_57 : memref<640x16xf32, #tpu.memory_space<hbm>>) dst(%dma_wait3A_55 : memref<640x16xf32, #tpu.memory_space<vmem_shared>>)
      tpu.yield
    }) : () -> ()
    %barrier3A = arith.constant 0 : index
    tpu.barrier barrier_id(%barrier3A)
    %run_scoped3A = arith.constant 0 : i32
    "tpu.region"() ({
      %run_scoped3A_51 = tpu.sem_alloc : memref<!tpu.dma_semaphore, #tpu.memory_space<semaphore_mem>>
      %dma_start3A = arith.constant 0 : i32
      %dma_start3A_52 = arith.constant 0 : i32
      %dma_start3A_53 = tpu.memref_slice %arg5[%run_scoped3A, %add3A, %dma_start3A, %dma_start3A_52] : memref<3x32x80x128xi32, #tpu.memory_space<hbm>> -> memref<1x1x80x128xi32, #tpu.memory_space<hbm>>
      %dma_start3A_54 = tpu.memref_squeeze %dma_start3A_53 : memref<1x1x80x128xi32, #tpu.memory_space<hbm>> -> memref<80x128xi32, #tpu.memory_space<hbm>>
      %dma_start3A_55 = arith.constant 0 : i32
      %dma_start3A_56 = arith.constant 0 : i32
      %dma_start3A_57 = tpu.memref_slice %arg5[%run_scoped3A, %add3A, %dma_start3A_55, %dma_start3A_56] : memref<3x32x80x128xi32, #tpu.memory_space<hbm>> -> memref<1x1x80x128xi32, #tpu.memory_space<hbm>>
      %dma_start3A_58 = tpu.memref_squeeze %dma_start3A_57 : memref<1x1x80x128xi32, #tpu.memory_space<hbm>> -> memref<80x128xi32, #tpu.memory_space<hbm>>
      tpu.enqueue_dma source(%dma_start3A_58 : memref<80x128xi32, #tpu.memory_space<hbm>>) target(%arg12 : memref<80x128xi32, #tpu.memory_space<vmem>>) target_semaphore(%run_scoped3A_51 : memref<!tpu.dma_semaphore, #tpu.memory_space<semaphore_mem>>)
      %dma_wait3A = arith.constant 0 : i32
      %dma_wait3A_59 = arith.constant 0 : i32
      %dma_wait3A_60 = tpu.memref_slice %arg5[%run_scoped3A, %add3A, %dma_wait3A, %dma_wait3A_59] : memref<3x32x80x128xi32, #tpu.memory_space<hbm>> -> memref<1x1x80x128xi32, #tpu.memory_space<hbm>>
      %dma_wait3A_61 = tpu.memref_squeeze %dma_wait3A_60 : memref<1x1x80x128xi32, #tpu.memory_space<hbm>> -> memref<80x128xi32, #tpu.memory_space<hbm>>
      %dma_wait3A_62 = arith.constant 0 : i32
      %dma_wait3A_63 = arith.constant 0 : i32
      %dma_wait3A_64 = tpu.memref_slice %arg5[%run_scoped3A, %add3A, %dma_wait3A_62, %dma_wait3A_63] : memref<3x32x80x128xi32, #tpu.memory_space<hbm>> -> memref<1x1x80x128xi32, #tpu.memory_space<hbm>>
      %dma_wait3A_65 = tpu.memref_squeeze %dma_wait3A_64 : memref<1x1x80x128xi32, #tpu.memory_space<hbm>> -> memref<80x128xi32, #tpu.memory_space<hbm>>
      tpu.wait_dma2 semaphore(%run_scoped3A_51 : memref<!tpu.dma_semaphore, #tpu.memory_space<semaphore_mem>>) src(%dma_wait3A_65 : memref<80x128xi32, #tpu.memory_space<hbm>>) dst(%arg12 : memref<80x128xi32, #tpu.memory_space<vmem>>)
      tpu.yield
    }) : () -> ()
    %run_scoped3A_13 = arith.constant 0 : i32
    "tpu.region"() ({
      %run_scoped3A_51 = tpu.sem_alloc : memref<!tpu.dma_semaphore, #tpu.memory_space<semaphore_mem>>
      %dma_start3A = arith.constant 0 : i32
      %dma_start3A_52 = arith.constant 0 : i32
      %dma_start3A_53 = tpu.memref_slice %arg6[%run_scoped3A_13, %add3A, %dma_start3A, %dma_start3A_52] : memref<3x32x80x128xi32, #tpu.memory_space<hbm>> -> memref<1x1x80x128xi32, #tpu.memory_space<hbm>>
      %dma_start3A_54 = tpu.memref_squeeze %dma_start3A_53 : memref<1x1x80x128xi32, #tpu.memory_space<hbm>> -> memref<80x128xi32, #tpu.memory_space<hbm>>
      %dma_start3A_55 = arith.constant 0 : i32
      %dma_start3A_56 = arith.constant 0 : i32
      %dma_start3A_57 = tpu.memref_slice %arg6[%run_scoped3A_13, %add3A, %dma_start3A_55, %dma_start3A_56] : memref<3x32x80x128xi32, #tpu.memory_space<hbm>> -> memref<1x1x80x128xi32, #tpu.memory_space<hbm>>
      %dma_start3A_58 = tpu.memref_squeeze %dma_start3A_57 : memref<1x1x80x128xi32, #tpu.memory_space<hbm>> -> memref<80x128xi32, #tpu.memory_space<hbm>>
      tpu.enqueue_dma source(%dma_start3A_58 : memref<80x128xi32, #tpu.memory_space<hbm>>) target(%arg13 : memref<80x128xi32, #tpu.memory_space<vmem>>) target_semaphore(%run_scoped3A_51 : memref<!tpu.dma_semaphore, #tpu.memory_space<semaphore_mem>>)
      %dma_wait3A = arith.constant 0 : i32
      %dma_wait3A_59 = arith.constant 0 : i32
      %dma_wait3A_60 = tpu.memref_slice %arg6[%run_scoped3A_13, %add3A, %dma_wait3A, %dma_wait3A_59] : memref<3x32x80x128xi32, #tpu.memory_space<hbm>> -> memref<1x1x80x128xi32, #tpu.memory_space<hbm>>
      %dma_wait3A_61 = tpu.memref_squeeze %dma_wait3A_60 : memref<1x1x80x128xi32, #tpu.memory_space<hbm>> -> memref<80x128xi32, #tpu.memory_space<hbm>>
      %dma_wait3A_62 = arith.constant 0 : i32
      %dma_wait3A_63 = arith.constant 0 : i32
      %dma_wait3A_64 = tpu.memref_slice %arg6[%run_scoped3A_13, %add3A, %dma_wait3A_62, %dma_wait3A_63] : memref<3x32x80x128xi32, #tpu.memory_space<hbm>> -> memref<1x1x80x128xi32, #tpu.memory_space<hbm>>
      %dma_wait3A_65 = tpu.memref_squeeze %dma_wait3A_64 : memref<1x1x80x128xi32, #tpu.memory_space<hbm>> -> memref<80x128xi32, #tpu.memory_space<hbm>>
      tpu.wait_dma2 semaphore(%run_scoped3A_51 : memref<!tpu.dma_semaphore, #tpu.memory_space<semaphore_mem>>) src(%dma_wait3A_65 : memref<80x128xi32, #tpu.memory_space<hbm>>) dst(%arg13 : memref<80x128xi32, #tpu.memory_space<vmem>>)
      tpu.yield
    }) : () -> ()
    %scan3A = arith.constant 0 : i32
    %scan3A_14 = arith.constant 0 : i32
    %scan3A_15 = arith.constant 80 : i32
    %scan3A_16 = arith.addi %scan3A_14, %scan3A_15 : i32
    %scan3A_17 = arith.constant 1 : i32
    scf.for %scan3A_51 = %scan3A_14 to %scan3A_16 step %scan3A_17  : i32 {
      %dma_start3A = arith.constant 0 : i32
      %dma_start3A_52 = tpu.memref_slice %arg12[%scan3A_51, %dma_start3A] : memref<80x128xi32, #tpu.memory_space<vmem>> -> memref<1x128xi32, #tpu.memory_space<vmem>>
      %dma_start3A_53 = tpu.memref_squeeze %dma_start3A_52 : memref<1x128xi32, #tpu.memory_space<vmem>> -> memref<128xi32, #tpu.memory_space<vmem>>
      %dma_start3A_54 = arith.constant 0 : i32
      %dma_start3A_55 = arith.constant 0 : i32
      %dma_start3A_56 = tpu.memref_slice %arg2[%dma_start3A_54, %dma_start3A_55] : memref<10240x16xf32, #tpu.memory_space<hbm>> -> memref<10240x16xf32, #tpu.memory_space<hbm>>
      tpu.enqueue_indirect_dma source(%dma_start3A_56 : memref<10240x16xf32, #tpu.memory_space<hbm>>) target(%arg14 : memref<128x16xf32, #tpu.memory_space<vmem>>) offsets(%dma_start3A_53 : memref<128xi32, #tpu.memory_space<vmem>>) semaphore(%arg15 : memref<!tpu.dma_semaphore, #tpu.memory_space<semaphore_mem>>)
      %dma_wait3A = arith.constant 0 : i32
      %dma_wait3A_57 = tpu.memref_slice %arg12[%scan3A_51, %dma_wait3A] : memref<80x128xi32, #tpu.memory_space<vmem>> -> memref<1x128xi32, #tpu.memory_space<vmem>>
      %dma_wait3A_58 = tpu.memref_squeeze %dma_wait3A_57 : memref<1x128xi32, #tpu.memory_space<vmem>> -> memref<128xi32, #tpu.memory_space<vmem>>
      %dma_wait3A_59 = arith.constant 0 : i32
      %dma_wait3A_60 = arith.constant 0 : i32
      %dma_wait3A_61 = tpu.memref_slice %arg2[%dma_wait3A_59, %dma_wait3A_60] : memref<10240x16xf32, #tpu.memory_space<hbm>> -> memref<10240x16xf32, #tpu.memory_space<hbm>>
      tpu.wait_indirect_dma semaphore(%arg15 : memref<!tpu.dma_semaphore, #tpu.memory_space<semaphore_mem>>) src(%dma_wait3A_61 : memref<10240x16xf32, #tpu.memory_space<hbm>>) dst(%arg14 : memref<128x16xf32, #tpu.memory_space<vmem>>)
      "tpu.region"() ({
        %run_scoped3A_62 = tpu.sem_alloc : memref<!tpu.dma_semaphore, #tpu.memory_space<semaphore_mem>>
        %dma_start3A_63 = arith.constant 0 : i32
        %dma_start3A_64 = tpu.memref_slice %arg13[%scan3A_51, %dma_start3A_63] : memref<80x128xi32, #tpu.memory_space<vmem>> -> memref<1x128xi32, #tpu.memory_space<vmem>>
        %dma_start3A_65 = tpu.memref_squeeze %dma_start3A_64 : memref<1x128xi32, #tpu.memory_space<vmem>> -> memref<128xi32, #tpu.memory_space<vmem>>
        %dma_start3A_66 = arith.constant 0 : i32
        %dma_start3A_67 = arith.constant 0 : i32
        %dma_start3A_68 = tpu.memref_slice %arg9[%dma_start3A_66, %dma_start3A_67] : memref<10240x16xf32, #tpu.memory_space<vmem_shared>> -> memref<10240x16xf32, #tpu.memory_space<vmem_shared>>
        tpu.enqueue_indirect_dma source(%arg14 : memref<128x16xf32, #tpu.memory_space<vmem>>) target(%dma_start3A_68 : memref<10240x16xf32, #tpu.memory_space<vmem_shared>>) offsets(%dma_start3A_65 : memref<128xi32, #tpu.memory_space<vmem>>) semaphore(%run_scoped3A_62 : memref<!tpu.dma_semaphore, #tpu.memory_space<semaphore_mem>>) {add = true}
        %dma_wait3A_69 = arith.constant 0 : i32
        %dma_wait3A_70 = tpu.memref_slice %arg13[%scan3A_51, %dma_wait3A_69] : memref<80x128xi32, #tpu.memory_space<vmem>> -> memref<1x128xi32, #tpu.memory_space<vmem>>
        %dma_wait3A_71 = tpu.memref_squeeze %dma_wait3A_70 : memref<1x128xi32, #tpu.memory_space<vmem>> -> memref<128xi32, #tpu.memory_space<vmem>>
        %dma_wait3A_72 = arith.constant 0 : i32
        %dma_wait3A_73 = arith.constant 0 : i32
        %dma_wait3A_74 = tpu.memref_slice %arg9[%dma_wait3A_72, %dma_wait3A_73] : memref<10240x16xf32, #tpu.memory_space<vmem_shared>> -> memref<10240x16xf32, #tpu.memory_space<vmem_shared>>
        tpu.wait_indirect_dma semaphore(%run_scoped3A_62 : memref<!tpu.dma_semaphore, #tpu.memory_space<semaphore_mem>>) src(%arg14 : memref<128x16xf32, #tpu.memory_space<vmem>>) dst(%dma_wait3A_74 : memref<10240x16xf32, #tpu.memory_space<vmem_shared>>)
        tpu.yield
      }) : () -> ()
    }
    %scan3A_18 = arith.constant 80 : i32
    %run_scoped3A_19 = arith.constant 1 : i32
    "tpu.region"() ({
      %run_scoped3A_51 = tpu.sem_alloc : memref<!tpu.dma_semaphore, #tpu.memory_space<semaphore_mem>>
      %dma_start3A = arith.constant 0 : i32
      %dma_start3A_52 = arith.constant 0 : i32
      %dma_start3A_53 = tpu.memref_slice %arg5[%run_scoped3A_19, %add3A, %dma_start3A, %dma_start3A_52] : memref<3x32x80x128xi32, #tpu.memory_space<hbm>> -> memref<1x1x80x128xi32, #tpu.memory_space<hbm>>
      %dma_start3A_54 = tpu.memref_squeeze %dma_start3A_53 : memref<1x1x80x128xi32, #tpu.memory_space<hbm>> -> memref<80x128xi32, #tpu.memory_space<hbm>>
      %dma_start3A_55 = arith.constant 0 : i32
      %dma_start3A_56 = arith.constant 0 : i32
      %dma_start3A_57 = tpu.memref_slice %arg5[%run_scoped3A_19, %add3A, %dma_start3A_55, %dma_start3A_56] : memref<3x32x80x128xi32, #tpu.memory_space<hbm>> -> memref<1x1x80x128xi32, #tpu.memory_space<hbm>>
      %dma_start3A_58 = tpu.memref_squeeze %dma_start3A_57 : memref<1x1x80x128xi32, #tpu.memory_space<hbm>> -> memref<80x128xi32, #tpu.memory_space<hbm>>
      tpu.enqueue_dma source(%dma_start3A_58 : memref<80x128xi32, #tpu.memory_space<hbm>>) target(%arg12 : memref<80x128xi32, #tpu.memory_space<vmem>>) target_semaphore(%run_scoped3A_51 : memref<!tpu.dma_semaphore, #tpu.memory_space<semaphore_mem>>)
      %dma_wait3A = arith.constant 0 : i32
      %dma_wait3A_59 = arith.constant 0 : i32
      %dma_wait3A_60 = tpu.memref_slice %arg5[%run_scoped3A_19, %add3A, %dma_wait3A, %dma_wait3A_59] : memref<3x32x80x128xi32, #tpu.memory_space<hbm>> -> memref<1x1x80x128xi32, #tpu.memory_space<hbm>>
      %dma_wait3A_61 = tpu.memref_squeeze %dma_wait3A_60 : memref<1x1x80x128xi32, #tpu.memory_space<hbm>> -> memref<80x128xi32, #tpu.memory_space<hbm>>
      %dma_wait3A_62 = arith.constant 0 : i32
      %dma_wait3A_63 = arith.constant 0 : i32
      %dma_wait3A_64 = tpu.memref_slice %arg5[%run_scoped3A_19, %add3A, %dma_wait3A_62, %dma_wait3A_63] : memref<3x32x80x128xi32, #tpu.memory_space<hbm>> -> memref<1x1x80x128xi32, #tpu.memory_space<hbm>>
      %dma_wait3A_65 = tpu.memref_squeeze %dma_wait3A_64 : memref<1x1x80x128xi32, #tpu.memory_space<hbm>> -> memref<80x128xi32, #tpu.memory_space<hbm>>
      tpu.wait_dma2 semaphore(%run_scoped3A_51 : memref<!tpu.dma_semaphore, #tpu.memory_space<semaphore_mem>>) src(%dma_wait3A_65 : memref<80x128xi32, #tpu.memory_space<hbm>>) dst(%arg12 : memref<80x128xi32, #tpu.memory_space<vmem>>)
      tpu.yield
    }) : () -> ()
    %run_scoped3A_20 = arith.constant 1 : i32
    "tpu.region"() ({
      %run_scoped3A_51 = tpu.sem_alloc : memref<!tpu.dma_semaphore, #tpu.memory_space<semaphore_mem>>
      %dma_start3A = arith.constant 0 : i32
      %dma_start3A_52 = arith.constant 0 : i32
      %dma_start3A_53 = tpu.memref_slice %arg6[%run_scoped3A_20, %add3A, %dma_start3A, %dma_start3A_52] : memref<3x32x80x128xi32, #tpu.memory_space<hbm>> -> memref<1x1x80x128xi32, #tpu.memory_space<hbm>>
      %dma_start3A_54 = tpu.memref_squeeze %dma_start3A_53 : memref<1x1x80x128xi32, #tpu.memory_space<hbm>> -> memref<80x128xi32, #tpu.memory_space<hbm>>
      %dma_start3A_55 = arith.constant 0 : i32
      %dma_start3A_56 = arith.constant 0 : i32
      %dma_start3A_57 = tpu.memref_slice %arg6[%run_scoped3A_20, %add3A, %dma_start3A_55, %dma_start3A_56] : memref<3x32x80x128xi32, #tpu.memory_space<hbm>> -> memref<1x1x80x128xi32, #tpu.memory_space<hbm>>
      %dma_start3A_58 = tpu.memref_squeeze %dma_start3A_57 : memref<1x1x80x128xi32, #tpu.memory_space<hbm>> -> memref<80x128xi32, #tpu.memory_space<hbm>>
      tpu.enqueue_dma source(%dma_start3A_58 : memref<80x128xi32, #tpu.memory_space<hbm>>) target(%arg13 : memref<80x128xi32, #tpu.memory_space<vmem>>) target_semaphore(%run_scoped3A_51 : memref<!tpu.dma_semaphore, #tpu.memory_space<semaphore_mem>>)
      %dma_wait3A = arith.constant 0 : i32
      %dma_wait3A_59 = arith.constant 0 : i32
      %dma_wait3A_60 = tpu.memref_slice %arg6[%run_scoped3A_20, %add3A, %dma_wait3A, %dma_wait3A_59] : memref<3x32x80x128xi32, #tpu.memory_space<hbm>> -> memref<1x1x80x128xi32, #tpu.memory_space<hbm>>
      %dma_wait3A_61 = tpu.memref_squeeze %dma_wait3A_60 : memref<1x1x80x128xi32, #tpu.memory_space<hbm>> -> memref<80x128xi32, #tpu.memory_space<hbm>>
      %dma_wait3A_62 = arith.constant 0 : i32
      %dma_wait3A_63 = arith.constant 0 : i32
      %dma_wait3A_64 = tpu.memref_slice %arg6[%run_scoped3A_20, %add3A, %dma_wait3A_62, %dma_wait3A_63] : memref<3x32x80x128xi32, #tpu.memory_space<hbm>> -> memref<1x1x80x128xi32, #tpu.memory_space<hbm>>
      %dma_wait3A_65 = tpu.memref_squeeze %dma_wait3A_64 : memref<1x1x80x128xi32, #tpu.memory_space<hbm>> -> memref<80x128xi32, #tpu.memory_space<hbm>>
      tpu.wait_dma2 semaphore(%run_scoped3A_51 : memref<!tpu.dma_semaphore, #tpu.memory_space<semaphore_mem>>) src(%dma_wait3A_65 : memref<80x128xi32, #tpu.memory_space<hbm>>) dst(%arg13 : memref<80x128xi32, #tpu.memory_space<vmem>>)
      tpu.yield
    }) : () -> ()
    %scan3A_21 = arith.constant 0 : i32
    %scan3A_22 = arith.constant 0 : i32
    %scan3A_23 = arith.constant 80 : i32
    %scan3A_24 = arith.addi %scan3A_22, %scan3A_23 : i32
    %scan3A_25 = arith.constant 1 : i32
    scf.for %scan3A_51 = %scan3A_22 to %scan3A_24 step %scan3A_25  : i32 {
      %dma_start3A = arith.constant 0 : i32
      %dma_start3A_52 = tpu.memref_slice %arg12[%scan3A_51, %dma_start3A] : memref<80x128xi32, #tpu.memory_space<vmem>> -> memref<1x128xi32, #tpu.memory_space<vmem>>
      %dma_start3A_53 = tpu.memref_squeeze %dma_start3A_52 : memref<1x128xi32, #tpu.memory_space<vmem>> -> memref<128xi32, #tpu.memory_space<vmem>>
      %dma_start3A_54 = arith.constant 0 : i32
      %dma_start3A_55 = arith.constant 0 : i32
      %dma_start3A_56 = tpu.memref_slice %arg3[%dma_start3A_54, %dma_start3A_55] : memref<10240x16xf32, #tpu.memory_space<hbm>> -> memref<10240x16xf32, #tpu.memory_space<hbm>>
      tpu.enqueue_indirect_dma source(%dma_start3A_56 : memref<10240x16xf32, #tpu.memory_space<hbm>>) target(%arg14 : memref<128x16xf32, #tpu.memory_space<vmem>>) offsets(%dma_start3A_53 : memref<128xi32, #tpu.memory_space<vmem>>) semaphore(%arg15 : memref<!tpu.dma_semaphore, #tpu.memory_space<semaphore_mem>>)
      %dma_wait3A = arith.constant 0 : i32
      %dma_wait3A_57 = tpu.memref_slice %arg12[%scan3A_51, %dma_wait3A] : memref<80x128xi32, #tpu.memory_space<vmem>> -> memref<1x128xi32, #tpu.memory_space<vmem>>
      %dma_wait3A_58 = tpu.memref_squeeze %dma_wait3A_57 : memref<1x128xi32, #tpu.memory_space<vmem>> -> memref<128xi32, #tpu.memory_space<vmem>>
      %dma_wait3A_59 = arith.constant 0 : i32
      %dma_wait3A_60 = arith.constant 0 : i32
      %dma_wait3A_61 = tpu.memref_slice %arg3[%dma_wait3A_59, %dma_wait3A_60] : memref<10240x16xf32, #tpu.memory_space<hbm>> -> memref<10240x16xf32, #tpu.memory_space<hbm>>
      tpu.wait_indirect_dma semaphore(%arg15 : memref<!tpu.dma_semaphore, #tpu.memory_space<semaphore_mem>>) src(%dma_wait3A_61 : memref<10240x16xf32, #tpu.memory_space<hbm>>) dst(%arg14 : memref<128x16xf32, #tpu.memory_space<vmem>>)
      "tpu.region"() ({
        %run_scoped3A_62 = tpu.sem_alloc : memref<!tpu.dma_semaphore, #tpu.memory_space<semaphore_mem>>
        %dma_start3A_63 = arith.constant 0 : i32
        %dma_start3A_64 = tpu.memref_slice %arg13[%scan3A_51, %dma_start3A_63] : memref<80x128xi32, #tpu.memory_space<vmem>> -> memref<1x128xi32, #tpu.memory_space<vmem>>
        %dma_start3A_65 = tpu.memref_squeeze %dma_start3A_64 : memref<1x128xi32, #tpu.memory_space<vmem>> -> memref<128xi32, #tpu.memory_space<vmem>>
        %dma_start3A_66 = arith.constant 0 : i32
        %dma_start3A_67 = arith.constant 0 : i32
        %dma_start3A_68 = tpu.memref_slice %arg10[%dma_start3A_66, %dma_start3A_67] : memref<10240x16xf32, #tpu.memory_space<vmem_shared>> -> memref<10240x16xf32, #tpu.memory_space<vmem_shared>>
        tpu.enqueue_indirect_dma source(%arg14 : memref<128x16xf32, #tpu.memory_space<vmem>>) target(%dma_start3A_68 : memref<10240x16xf32, #tpu.memory_space<vmem_shared>>) offsets(%dma_start3A_65 : memref<128xi32, #tpu.memory_space<vmem>>) semaphore(%run_scoped3A_62 : memref<!tpu.dma_semaphore, #tpu.memory_space<semaphore_mem>>) {add = true}
        %dma_wait3A_69 = arith.constant 0 : i32
        %dma_wait3A_70 = tpu.memref_slice %arg13[%scan3A_51, %dma_wait3A_69] : memref<80x128xi32, #tpu.memory_space<vmem>> -> memref<1x128xi32, #tpu.memory_space<vmem>>
        %dma_wait3A_71 = tpu.memref_squeeze %dma_wait3A_70 : memref<1x128xi32, #tpu.memory_space<vmem>> -> memref<128xi32, #tpu.memory_space<vmem>>
        %dma_wait3A_72 = arith.constant 0 : i32
        %dma_wait3A_73 = arith.constant 0 : i32
        %dma_wait3A_74 = tpu.memref_slice %arg10[%dma_wait3A_72, %dma_wait3A_73] : memref<10240x16xf32, #tpu.memory_space<vmem_shared>> -> memref<10240x16xf32, #tpu.memory_space<vmem_shared>>
        tpu.wait_indirect_dma semaphore(%run_scoped3A_62 : memref<!tpu.dma_semaphore, #tpu.memory_space<semaphore_mem>>) src(%arg14 : memref<128x16xf32, #tpu.memory_space<vmem>>) dst(%dma_wait3A_74 : memref<10240x16xf32, #tpu.memory_space<vmem_shared>>)
        tpu.yield
      }) : () -> ()
    }
    %scan3A_26 = arith.constant 80 : i32
    %run_scoped3A_27 = arith.constant 2 : i32
    "tpu.region"() ({
      %run_scoped3A_51 = tpu.sem_alloc : memref<!tpu.dma_semaphore, #tpu.memory_space<semaphore_mem>>
      %dma_start3A = arith.constant 0 : i32
      %dma_start3A_52 = arith.constant 0 : i32
      %dma_start3A_53 = tpu.memref_slice %arg5[%run_scoped3A_27, %add3A, %dma_start3A, %dma_start3A_52] : memref<3x32x80x128xi32, #tpu.memory_space<hbm>> -> memref<1x1x80x128xi32, #tpu.memory_space<hbm>>
      %dma_start3A_54 = tpu.memref_squeeze %dma_start3A_53 : memref<1x1x80x128xi32, #tpu.memory_space<hbm>> -> memref<80x128xi32, #tpu.memory_space<hbm>>
      %dma_start3A_55 = arith.constant 0 : i32
      %dma_start3A_56 = arith.constant 0 : i32
      %dma_start3A_57 = tpu.memref_slice %arg5[%run_scoped3A_27, %add3A, %dma_start3A_55, %dma_start3A_56] : memref<3x32x80x128xi32, #tpu.memory_space<hbm>> -> memref<1x1x80x128xi32, #tpu.memory_space<hbm>>
      %dma_start3A_58 = tpu.memref_squeeze %dma_start3A_57 : memref<1x1x80x128xi32, #tpu.memory_space<hbm>> -> memref<80x128xi32, #tpu.memory_space<hbm>>
      tpu.enqueue_dma source(%dma_start3A_58 : memref<80x128xi32, #tpu.memory_space<hbm>>) target(%arg12 : memref<80x128xi32, #tpu.memory_space<vmem>>) target_semaphore(%run_scoped3A_51 : memref<!tpu.dma_semaphore, #tpu.memory_space<semaphore_mem>>)
      %dma_wait3A = arith.constant 0 : i32
      %dma_wait3A_59 = arith.constant 0 : i32
      %dma_wait3A_60 = tpu.memref_slice %arg5[%run_scoped3A_27, %add3A, %dma_wait3A, %dma_wait3A_59] : memref<3x32x80x128xi32, #tpu.memory_space<hbm>> -> memref<1x1x80x128xi32, #tpu.memory_space<hbm>>
      %dma_wait3A_61 = tpu.memref_squeeze %dma_wait3A_60 : memref<1x1x80x128xi32, #tpu.memory_space<hbm>> -> memref<80x128xi32, #tpu.memory_space<hbm>>
      %dma_wait3A_62 = arith.constant 0 : i32
      %dma_wait3A_63 = arith.constant 0 : i32
      %dma_wait3A_64 = tpu.memref_slice %arg5[%run_scoped3A_27, %add3A, %dma_wait3A_62, %dma_wait3A_63] : memref<3x32x80x128xi32, #tpu.memory_space<hbm>> -> memref<1x1x80x128xi32, #tpu.memory_space<hbm>>
      %dma_wait3A_65 = tpu.memref_squeeze %dma_wait3A_64 : memref<1x1x80x128xi32, #tpu.memory_space<hbm>> -> memref<80x128xi32, #tpu.memory_space<hbm>>
      tpu.wait_dma2 semaphore(%run_scoped3A_51 : memref<!tpu.dma_semaphore, #tpu.memory_space<semaphore_mem>>) src(%dma_wait3A_65 : memref<80x128xi32, #tpu.memory_space<hbm>>) dst(%arg12 : memref<80x128xi32, #tpu.memory_space<vmem>>)
      tpu.yield
    }) : () -> ()
    %run_scoped3A_28 = arith.constant 2 : i32
    "tpu.region"() ({
      %run_scoped3A_51 = tpu.sem_alloc : memref<!tpu.dma_semaphore, #tpu.memory_space<semaphore_mem>>
      %dma_start3A = arith.constant 0 : i32
      %dma_start3A_52 = arith.constant 0 : i32
      %dma_start3A_53 = tpu.memref_slice %arg6[%run_scoped3A_28, %add3A, %dma_start3A, %dma_start3A_52] : memref<3x32x80x128xi32, #tpu.memory_space<hbm>> -> memref<1x1x80x128xi32, #tpu.memory_space<hbm>>
      %dma_start3A_54 = tpu.memref_squeeze %dma_start3A_53 : memref<1x1x80x128xi32, #tpu.memory_space<hbm>> -> memref<80x128xi32, #tpu.memory_space<hbm>>
      %dma_start3A_55 = arith.constant 0 : i32
      %dma_start3A_56 = arith.constant 0 : i32
      %dma_start3A_57 = tpu.memref_slice %arg6[%run_scoped3A_28, %add3A, %dma_start3A_55, %dma_start3A_56] : memref<3x32x80x128xi32, #tpu.memory_space<hbm>> -> memref<1x1x80x128xi32, #tpu.memory_space<hbm>>
      %dma_start3A_58 = tpu.memref_squeeze %dma_start3A_57 : memref<1x1x80x128xi32, #tpu.memory_space<hbm>> -> memref<80x128xi32, #tpu.memory_space<hbm>>
      tpu.enqueue_dma source(%dma_start3A_58 : memref<80x128xi32, #tpu.memory_space<hbm>>) target(%arg13 : memref<80x128xi32, #tpu.memory_space<vmem>>) target_semaphore(%run_scoped3A_51 : memref<!tpu.dma_semaphore, #tpu.memory_space<semaphore_mem>>)
      %dma_wait3A = arith.constant 0 : i32
      %dma_wait3A_59 = arith.constant 0 : i32
      %dma_wait3A_60 = tpu.memref_slice %arg6[%run_scoped3A_28, %add3A, %dma_wait3A, %dma_wait3A_59] : memref<3x32x80x128xi32, #tpu.memory_space<hbm>> -> memref<1x1x80x128xi32, #tpu.memory_space<hbm>>
      %dma_wait3A_61 = tpu.memref_squeeze %dma_wait3A_60 : memref<1x1x80x128xi32, #tpu.memory_space<hbm>> -> memref<80x128xi32, #tpu.memory_space<hbm>>
      %dma_wait3A_62 = arith.constant 0 : i32
      %dma_wait3A_63 = arith.constant 0 : i32
      %dma_wait3A_64 = tpu.memref_slice %arg6[%run_scoped3A_28, %add3A, %dma_wait3A_62, %dma_wait3A_63] : memref<3x32x80x128xi32, #tpu.memory_space<hbm>> -> memref<1x1x80x128xi32, #tpu.memory_space<hbm>>
      %dma_wait3A_65 = tpu.memref_squeeze %dma_wait3A_64 : memref<1x1x80x128xi32, #tpu.memory_space<hbm>> -> memref<80x128xi32, #tpu.memory_space<hbm>>
      tpu.wait_dma2 semaphore(%run_scoped3A_51 : memref<!tpu.dma_semaphore, #tpu.memory_space<semaphore_mem>>) src(%dma_wait3A_65 : memref<80x128xi32, #tpu.memory_space<hbm>>) dst(%arg13 : memref<80x128xi32, #tpu.memory_space<vmem>>)
      tpu.yield
    }) : () -> ()
    %scan3A_29 = arith.constant 0 : i32
    %scan3A_30 = arith.constant 0 : i32
    %scan3A_31 = arith.constant 80 : i32
    %scan3A_32 = arith.addi %scan3A_30, %scan3A_31 : i32
    %scan3A_33 = arith.constant 1 : i32
    scf.for %scan3A_51 = %scan3A_30 to %scan3A_32 step %scan3A_33  : i32 {
      %dma_start3A = arith.constant 0 : i32
      %dma_start3A_52 = tpu.memref_slice %arg12[%scan3A_51, %dma_start3A] : memref<80x128xi32, #tpu.memory_space<vmem>> -> memref<1x128xi32, #tpu.memory_space<vmem>>
      %dma_start3A_53 = tpu.memref_squeeze %dma_start3A_52 : memref<1x128xi32, #tpu.memory_space<vmem>> -> memref<128xi32, #tpu.memory_space<vmem>>
      %dma_start3A_54 = arith.constant 0 : i32
      %dma_start3A_55 = arith.constant 0 : i32
      %dma_start3A_56 = tpu.memref_slice %arg4[%dma_start3A_54, %dma_start3A_55] : memref<10240x16xf32, #tpu.memory_space<hbm>> -> memref<10240x16xf32, #tpu.memory_space<hbm>>
      tpu.enqueue_indirect_dma source(%dma_start3A_56 : memref<10240x16xf32, #tpu.memory_space<hbm>>) target(%arg14 : memref<128x16xf32, #tpu.memory_space<vmem>>) offsets(%dma_start3A_53 : memref<128xi32, #tpu.memory_space<vmem>>) semaphore(%arg15 : memref<!tpu.dma_semaphore, #tpu.memory_space<semaphore_mem>>)
      %dma_wait3A = arith.constant 0 : i32
      %dma_wait3A_57 = tpu.memref_slice %arg12[%scan3A_51, %dma_wait3A] : memref<80x128xi32, #tpu.memory_space<vmem>> -> memref<1x128xi32, #tpu.memory_space<vmem>>
      %dma_wait3A_58 = tpu.memref_squeeze %dma_wait3A_57 : memref<1x128xi32, #tpu.memory_space<vmem>> -> memref<128xi32, #tpu.memory_space<vmem>>
      %dma_wait3A_59 = arith.constant 0 : i32
      %dma_wait3A_60 = arith.constant 0 : i32
      %dma_wait3A_61 = tpu.memref_slice %arg4[%dma_wait3A_59, %dma_wait3A_60] : memref<10240x16xf32, #tpu.memory_space<hbm>> -> memref<10240x16xf32, #tpu.memory_space<hbm>>
      tpu.wait_indirect_dma semaphore(%arg15 : memref<!tpu.dma_semaphore, #tpu.memory_space<semaphore_mem>>) src(%dma_wait3A_61 : memref<10240x16xf32, #tpu.memory_space<hbm>>) dst(%arg14 : memref<128x16xf32, #tpu.memory_space<vmem>>)
      "tpu.region"() ({
        %run_scoped3A_62 = tpu.sem_alloc : memref<!tpu.dma_semaphore, #tpu.memory_space<semaphore_mem>>
        %dma_start3A_63 = arith.constant 0 : i32
        %dma_start3A_64 = tpu.memref_slice %arg13[%scan3A_51, %dma_start3A_63] : memref<80x128xi32, #tpu.memory_space<vmem>> -> memref<1x128xi32, #tpu.memory_space<vmem>>
        %dma_start3A_65 = tpu.memref_squeeze %dma_start3A_64 : memref<1x128xi32, #tpu.memory_space<vmem>> -> memref<128xi32, #tpu.memory_space<vmem>>
        %dma_start3A_66 = arith.constant 0 : i32
        %dma_start3A_67 = arith.constant 0 : i32
        %dma_start3A_68 = tpu.memref_slice %arg11[%dma_start3A_66, %dma_start3A_67] : memref<10240x16xf32, #tpu.memory_space<vmem_shared>> -> memref<10240x16xf32, #tpu.memory_space<vmem_shared>>
        tpu.enqueue_indirect_dma source(%arg14 : memref<128x16xf32, #tpu.memory_space<vmem>>) target(%dma_start3A_68 : memref<10240x16xf32, #tpu.memory_space<vmem_shared>>) offsets(%dma_start3A_65 : memref<128xi32, #tpu.memory_space<vmem>>) semaphore(%run_scoped3A_62 : memref<!tpu.dma_semaphore, #tpu.memory_space<semaphore_mem>>) {add = true}
        %dma_wait3A_69 = arith.constant 0 : i32
        %dma_wait3A_70 = tpu.memref_slice %arg13[%scan3A_51, %dma_wait3A_69] : memref<80x128xi32, #tpu.memory_space<vmem>> -> memref<1x128xi32, #tpu.memory_space<vmem>>
        %dma_wait3A_71 = tpu.memref_squeeze %dma_wait3A_70 : memref<1x128xi32, #tpu.memory_space<vmem>> -> memref<128xi32, #tpu.memory_space<vmem>>
        %dma_wait3A_72 = arith.constant 0 : i32
        %dma_wait3A_73 = arith.constant 0 : i32
        %dma_wait3A_74 = tpu.memref_slice %arg11[%dma_wait3A_72, %dma_wait3A_73] : memref<10240x16xf32, #tpu.memory_space<vmem_shared>> -> memref<10240x16xf32, #tpu.memory_space<vmem_shared>>
        tpu.wait_indirect_dma semaphore(%run_scoped3A_62 : memref<!tpu.dma_semaphore, #tpu.memory_space<semaphore_mem>>) src(%arg14 : memref<128x16xf32, #tpu.memory_space<vmem>>) dst(%dma_wait3A_74 : memref<10240x16xf32, #tpu.memory_space<vmem_shared>>)
        tpu.yield
      }) : () -> ()
    }
    %scan3A_34 = arith.constant 80 : i32
    %barrier3A_35 = arith.constant 0 : index
    tpu.barrier barrier_id(%barrier3A_35)
    %mul3A_36 = arith.constant 640 : i32
    %mul3A_37 = arith.muli %arg1, %mul3A_36 : i32
    %mul3A_38 = arith.constant 640 : i32
    %mul3A_39 = arith.muli %arg1, %mul3A_38 : i32
    %run_scoped3A_40 = arith.constant 0 : i32
    "tpu.region"() ({
      %run_scoped3A_51 = tpu.sem_alloc : memref<!tpu.dma_semaphore, #tpu.memory_space<semaphore_mem>>
      %dma_start3A = arith.constant 0 : i32
      %dma_start3A_52 = tpu.memref_slice %arg8[%arg0, %run_scoped3A_40, %mul3A_39, %dma_start3A] : memref<2x3x10240x16xf32, #tpu.memory_space<hbm>> -> memref<1x1x640x16xf32, #tpu.memory_space<hbm>>
      %dma_start3A_53 = tpu.memref_squeeze %dma_start3A_52 : memref<1x1x640x16xf32, #tpu.memory_space<hbm>> -> memref<640x16xf32, #tpu.memory_space<hbm>>
      %dma_start3A_54 = arith.constant 0 : i32
      %dma_start3A_55 = tpu.memref_slice %arg9[%mul3A_37, %dma_start3A_54] : memref<10240x16xf32, #tpu.memory_space<vmem_shared>> -> memref<640x16xf32, #tpu.memory_space<vmem_shared>>
      tpu.enqueue_dma source(%dma_start3A_55 : memref<640x16xf32, #tpu.memory_space<vmem_shared>>) target(%dma_start3A_53 : memref<640x16xf32, #tpu.memory_space<hbm>>) target_semaphore(%run_scoped3A_51 : memref<!tpu.dma_semaphore, #tpu.memory_space<semaphore_mem>>)
      %dma_wait3A = arith.constant 0 : i32
      %dma_wait3A_56 = tpu.memref_slice %arg8[%arg0, %run_scoped3A_40, %mul3A_39, %dma_wait3A] : memref<2x3x10240x16xf32, #tpu.memory_space<hbm>> -> memref<1x1x640x16xf32, #tpu.memory_space<hbm>>
      %dma_wait3A_57 = tpu.memref_squeeze %dma_wait3A_56 : memref<1x1x640x16xf32, #tpu.memory_space<hbm>> -> memref<640x16xf32, #tpu.memory_space<hbm>>
      %dma_wait3A_58 = arith.constant 0 : i32
      %dma_wait3A_59 = tpu.memref_slice %arg9[%mul3A_37, %dma_wait3A_58] : memref<10240x16xf32, #tpu.memory_space<vmem_shared>> -> memref<640x16xf32, #tpu.memory_space<vmem_shared>>
      tpu.wait_dma2 semaphore(%run_scoped3A_51 : memref<!tpu.dma_semaphore, #tpu.memory_space<semaphore_mem>>) src(%dma_wait3A_59 : memref<640x16xf32, #tpu.memory_space<vmem_shared>>) dst(%dma_wait3A_57 : memref<640x16xf32, #tpu.memory_space<hbm>>)
      tpu.yield
    }) : () -> ()
    %mul3A_41 = arith.constant 640 : i32
    %mul3A_42 = arith.muli %arg1, %mul3A_41 : i32
    %mul3A_43 = arith.constant 640 : i32
    %mul3A_44 = arith.muli %arg1, %mul3A_43 : i32
    %run_scoped3A_45 = arith.constant 1 : i32
    "tpu.region"() ({
      %run_scoped3A_51 = tpu.sem_alloc : memref<!tpu.dma_semaphore, #tpu.memory_space<semaphore_mem>>
      %dma_start3A = arith.constant 0 : i32
      %dma_start3A_52 = tpu.memref_slice %arg8[%arg0, %run_scoped3A_45, %mul3A_44, %dma_start3A] : memref<2x3x10240x16xf32, #tpu.memory_space<hbm>> -> memref<1x1x640x16xf32, #tpu.memory_space<hbm>>
      %dma_start3A_53 = tpu.memref_squeeze %dma_start3A_52 : memref<1x1x640x16xf32, #tpu.memory_space<hbm>> -> memref<640x16xf32, #tpu.memory_space<hbm>>
      %dma_start3A_54 = arith.constant 0 : i32
      %dma_start3A_55 = tpu.memref_slice %arg10[%mul3A_42, %dma_start3A_54] : memref<10240x16xf32, #tpu.memory_space<vmem_shared>> -> memref<640x16xf32, #tpu.memory_space<vmem_shared>>
      tpu.enqueue_dma source(%dma_start3A_55 : memref<640x16xf32, #tpu.memory_space<vmem_shared>>) target(%dma_start3A_53 : memref<640x16xf32, #tpu.memory_space<hbm>>) target_semaphore(%run_scoped3A_51 : memref<!tpu.dma_semaphore, #tpu.memory_space<semaphore_mem>>)
      %dma_wait3A = arith.constant 0 : i32
      %dma_wait3A_56 = tpu.memref_slice %arg8[%arg0, %run_scoped3A_45, %mul3A_44, %dma_wait3A] : memref<2x3x10240x16xf32, #tpu.memory_space<hbm>> -> memref<1x1x640x16xf32, #tpu.memory_space<hbm>>
      %dma_wait3A_57 = tpu.memref_squeeze %dma_wait3A_56 : memref<1x1x640x16xf32, #tpu.memory_space<hbm>> -> memref<640x16xf32, #tpu.memory_space<hbm>>
      %dma_wait3A_58 = arith.constant 0 : i32
      %dma_wait3A_59 = tpu.memref_slice %arg10[%mul3A_42, %dma_wait3A_58] : memref<10240x16xf32, #tpu.memory_space<vmem_shared>> -> memref<640x16xf32, #tpu.memory_space<vmem_shared>>
      tpu.wait_dma2 semaphore(%run_scoped3A_51 : memref<!tpu.dma_semaphore, #tpu.memory_space<semaphore_mem>>) src(%dma_wait3A_59 : memref<640x16xf32, #tpu.memory_space<vmem_shared>>) dst(%dma_wait3A_57 : memref<640x16xf32, #tpu.memory_space<hbm>>)
      tpu.yield
    }) : () -> ()
    %mul3A_46 = arith.constant 640 : i32
    %mul3A_47 = arith.muli %arg1, %mul3A_46 : i32
    %mul3A_48 = arith.constant 640 : i32
    %mul3A_49 = arith.muli %arg1, %mul3A_48 : i32
    %run_scoped3A_50 = arith.constant 2 : i32
    "tpu.region"() ({
      %run_scoped3A_51 = tpu.sem_alloc : memref<!tpu.dma_semaphore, #tpu.memory_space<semaphore_mem>>
      %dma_start3A = arith.constant 0 : i32
      %dma_start3A_52 = tpu.memref_slice %arg8[%arg0, %run_scoped3A_50, %mul3A_49, %dma_start3A] : memref<2x3x10240x16xf32, #tpu.memory_space<hbm>> -> memref<1x1x640x16xf32, #tpu.memory_space<hbm>>
      %dma_start3A_53 = tpu.memref_squeeze %dma_start3A_52 : memref<1x1x640x16xf32, #tpu.memory_space<hbm>> -> memref<640x16xf32, #tpu.memory_space<hbm>>
      %dma_start3A_54 = arith.constant 0 : i32
      %dma_start3A_55 = tpu.memref_slice %arg11[%mul3A_47, %dma_start3A_54] : memref<10240x16xf32, #tpu.memory_space<vmem_shared>> -> memref<640x16xf32, #tpu.memory_space<vmem_shared>>
      tpu.enqueue_dma source(%dma_start3A_55 : memref<640x16xf32, #tpu.memory_space<vmem_shared>>) target(%dma_start3A_53 : memref<640x16xf32, #tpu.memory_space<hbm>>) target_semaphore(%run_scoped3A_51 : memref<!tpu.dma_semaphore, #tpu.memory_space<semaphore_mem>>)
      %dma_wait3A = arith.constant 0 : i32
      %dma_wait3A_56 = tpu.memref_slice %arg8[%arg0, %run_scoped3A_50, %mul3A_49, %dma_wait3A] : memref<2x3x10240x16xf32, #tpu.memory_space<hbm>> -> memref<1x1x640x16xf32, #tpu.memory_space<hbm>>
      %dma_wait3A_57 = tpu.memref_squeeze %dma_wait3A_56 : memref<1x1x640x16xf32, #tpu.memory_space<hbm>> -> memref<640x16xf32, #tpu.memory_space<hbm>>
      %dma_wait3A_58 = arith.constant 0 : i32
      %dma_wait3A_59 = tpu.memref_slice %arg11[%mul3A_47, %dma_wait3A_58] : memref<10240x16xf32, #tpu.memory_space<vmem_shared>> -> memref<640x16xf32, #tpu.memory_space<vmem_shared>>
      tpu.wait_dma2 semaphore(%run_scoped3A_51 : memref<!tpu.dma_semaphore, #tpu.memory_space<semaphore_mem>>) src(%dma_wait3A_59 : memref<640x16xf32, #tpu.memory_space<vmem_shared>>) dst(%dma_wait3A_57 : memref<640x16xf32, #tpu.memory_space<hbm>>)
      tpu.yield
    }) : () -> ()
    return
  }
}

#map = affine_map<(d0, d1) -> (0, 0)>
#map1 = affine_map<(d0, d1) -> (0, 0, 0, 0)>
module attributes {stable_mosaic.version = 14 : i64} {
  func.func @sc_kernel(%arg0: i32, %arg1: i32, %arg2: memref<10240x32xf32, #tpu.memory_space<hbm>>, %arg3: memref<10240x32xf32, #tpu.memory_space<hbm>>, %arg4: memref<10240x32xf32, #tpu.memory_space<hbm>>, %arg5: memref<3x32x80x128xi32, #tpu.memory_space<hbm>>, %arg6: memref<3x32x80x128xi32, #tpu.memory_space<hbm>>, %arg7: memref<10240x32xf32, #tpu.memory_space<hbm>>, %arg8: memref<2x3x10240x32xf32, #tpu.memory_space<hbm>>, %arg9: memref<10240x32xf32, #tpu.memory_space<vmem_shared>>, %arg10: memref<10240x32xf32, #tpu.memory_space<vmem_shared>>, %arg11: memref<10240x32xf32, #tpu.memory_space<vmem_shared>>, %arg12: memref<80x128xi32, #tpu.memory_space<vmem>>, %arg13: memref<80x128xi32, #tpu.memory_space<vmem>>, %arg14: memref<128x32xf32, #tpu.memory_space<vmem>>, %arg15: memref<!tpu.dma_semaphore, #tpu.memory_space<semaphore_mem>>) attributes {dimension_semantics = [#tpu.dimension_semantics<core_parallel>, #tpu.dimension_semantics<subcore_parallel>], iteration_bounds = array<i64: 2, 16>, scalar_prefetch = 0 : i64, scratch_operands = 7 : i64, tpu.core_type = #tpu.core_type<sc_vector_subcore>, window_params = [{transform_indices = #map}, {transform_indices = #map}, {transform_indices = #map}, {transform_indices = #map1}, {transform_indices = #map1}, {transform_indices = #map}, {transform_indices = #map1}]} {
    %mul3A = arith.constant 16 : i32
    %mul3A_0 = arith.muli %arg0, %mul3A : i32
    %add3A = arith.addi %mul3A_0, %arg1 : i32
    %mul3A_1 = arith.constant 640 : i32
    %mul3A_2 = arith.muli %arg1, %mul3A_1 : i32
    %mul3A_3 = arith.constant 640 : i32
    %mul3A_4 = arith.muli %arg1, %mul3A_3 : i32
    "tpu.region"() ({
      %run_scoped3A_51 = tpu.sem_alloc : memref<!tpu.dma_semaphore, #tpu.memory_space<semaphore_mem>>
      %dma_start3A = arith.constant 0 : i32
      %dma_start3A_52 = tpu.memref_slice %arg9[%mul3A_4, %dma_start3A] : memref<10240x32xf32, #tpu.memory_space<vmem_shared>> -> memref<640x32xf32, #tpu.memory_space<vmem_shared>>
      %dma_start3A_53 = arith.constant 0 : i32
      %dma_start3A_54 = tpu.memref_slice %arg7[%mul3A_2, %dma_start3A_53] : memref<10240x32xf32, #tpu.memory_space<hbm>> -> memref<640x32xf32, #tpu.memory_space<hbm>>
      tpu.enqueue_dma source(%dma_start3A_54 : memref<640x32xf32, #tpu.memory_space<hbm>>) target(%dma_start3A_52 : memref<640x32xf32, #tpu.memory_space<vmem_shared>>) target_semaphore(%run_scoped3A_51 : memref<!tpu.dma_semaphore, #tpu.memory_space<semaphore_mem>>)
      %dma_wait3A = arith.constant 0 : i32
      %dma_wait3A_55 = tpu.memref_slice %arg9[%mul3A_4, %dma_wait3A] : memref<10240x32xf32, #tpu.memory_space<vmem_shared>> -> memref<640x32xf32, #tpu.memory_space<vmem_shared>>
      %dma_wait3A_56 = arith.constant 0 : i32
      %dma_wait3A_57 = tpu.memref_slice %arg7[%mul3A_2, %dma_wait3A_56] : memref<10240x32xf32, #tpu.memory_space<hbm>> -> memref<640x32xf32, #tpu.memory_space<hbm>>
      tpu.wait_dma2 semaphore(%run_scoped3A_51 : memref<!tpu.dma_semaphore, #tpu.memory_space<semaphore_mem>>) src(%dma_wait3A_57 : memref<640x32xf32, #tpu.memory_space<hbm>>) dst(%dma_wait3A_55 : memref<640x32xf32, #tpu.memory_space<vmem_shared>>)
      tpu.yield
    }) : () -> ()
    %mul3A_5 = arith.constant 640 : i32
    %mul3A_6 = arith.muli %arg1, %mul3A_5 : i32
    %mul3A_7 = arith.constant 640 : i32
    %mul3A_8 = arith.muli %arg1, %mul3A_7 : i32
    "tpu.region"() ({
      %run_scoped3A_51 = tpu.sem_alloc : memref<!tpu.dma_semaphore, #tpu.memory_space<semaphore_mem>>
      %dma_start3A = arith.constant 0 : i32
      %dma_start3A_52 = tpu.memref_slice %arg10[%mul3A_8, %dma_start3A] : memref<10240x32xf32, #tpu.memory_space<vmem_shared>> -> memref<640x32xf32, #tpu.memory_space<vmem_shared>>
      %dma_start3A_53 = arith.constant 0 : i32
      %dma_start3A_54 = tpu.memref_slice %arg7[%mul3A_6, %dma_start3A_53] : memref<10240x32xf32, #tpu.memory_space<hbm>> -> memref<640x32xf32, #tpu.memory_space<hbm>>
      tpu.enqueue_dma source(%dma_start3A_54 : memref<640x32xf32, #tpu.memory_space<hbm>>) target(%dma_start3A_52 : memref<640x32xf32, #tpu.memory_space<vmem_shared>>) target_semaphore(%run_scoped3A_51 : memref<!tpu.dma_semaphore, #tpu.memory_space<semaphore_mem>>)
      %dma_wait3A = arith.constant 0 : i32
      %dma_wait3A_55 = tpu.memref_slice %arg10[%mul3A_8, %dma_wait3A] : memref<10240x32xf32, #tpu.memory_space<vmem_shared>> -> memref<640x32xf32, #tpu.memory_space<vmem_shared>>
      %dma_wait3A_56 = arith.constant 0 : i32
      %dma_wait3A_57 = tpu.memref_slice %arg7[%mul3A_6, %dma_wait3A_56] : memref<10240x32xf32, #tpu.memory_space<hbm>> -> memref<640x32xf32, #tpu.memory_space<hbm>>
      tpu.wait_dma2 semaphore(%run_scoped3A_51 : memref<!tpu.dma_semaphore, #tpu.memory_space<semaphore_mem>>) src(%dma_wait3A_57 : memref<640x32xf32, #tpu.memory_space<hbm>>) dst(%dma_wait3A_55 : memref<640x32xf32, #tpu.memory_space<vmem_shared>>)
      tpu.yield
    }) : () -> ()
    %mul3A_9 = arith.constant 640 : i32
    %mul3A_10 = arith.muli %arg1, %mul3A_9 : i32
    %mul3A_11 = arith.constant 640 : i32
    %mul3A_12 = arith.muli %arg1, %mul3A_11 : i32
    "tpu.region"() ({
      %run_scoped3A_51 = tpu.sem_alloc : memref<!tpu.dma_semaphore, #tpu.memory_space<semaphore_mem>>
      %dma_start3A = arith.constant 0 : i32
      %dma_start3A_52 = tpu.memref_slice %arg11[%mul3A_12, %dma_start3A] : memref<10240x32xf32, #tpu.memory_space<vmem_shared>> -> memref<640x32xf32, #tpu.memory_space<vmem_shared>>
      %dma_start3A_53 = arith.constant 0 : i32
      %dma_start3A_54 = tpu.memref_slice %arg7[%mul3A_10, %dma_start3A_53] : memref<10240x32xf32, #tpu.memory_space<hbm>> -> memref<640x32xf32, #tpu.memory_space<hbm>>
      tpu.enqueue_dma source(%dma_start3A_54 : memref<640x32xf32, #tpu.memory_space<hbm>>) target(%dma_start3A_52 : memref<640x32xf32, #tpu.memory_space<vmem_shared>>) target_semaphore(%run_scoped3A_51 : memref<!tpu.dma_semaphore, #tpu.memory_space<semaphore_mem>>)
      %dma_wait3A = arith.constant 0 : i32
      %dma_wait3A_55 = tpu.memref_slice %arg11[%mul3A_12, %dma_wait3A] : memref<10240x32xf32, #tpu.memory_space<vmem_shared>> -> memref<640x32xf32, #tpu.memory_space<vmem_shared>>
      %dma_wait3A_56 = arith.constant 0 : i32
      %dma_wait3A_57 = tpu.memref_slice %arg7[%mul3A_10, %dma_wait3A_56] : memref<10240x32xf32, #tpu.memory_space<hbm>> -> memref<640x32xf32, #tpu.memory_space<hbm>>
      tpu.wait_dma2 semaphore(%run_scoped3A_51 : memref<!tpu.dma_semaphore, #tpu.memory_space<semaphore_mem>>) src(%dma_wait3A_57 : memref<640x32xf32, #tpu.memory_space<hbm>>) dst(%dma_wait3A_55 : memref<640x32xf32, #tpu.memory_space<vmem_shared>>)
      tpu.yield
    }) : () -> ()
    %barrier3A = arith.constant 0 : index
    tpu.barrier barrier_id(%barrier3A)
    %run_scoped3A = arith.constant 0 : i32
    "tpu.region"() ({
      %run_scoped3A_51 = tpu.sem_alloc : memref<!tpu.dma_semaphore, #tpu.memory_space<semaphore_mem>>
      %dma_start3A = arith.constant 0 : i32
      %dma_start3A_52 = arith.constant 0 : i32
      %dma_start3A_53 = tpu.memref_slice %arg5[%run_scoped3A, %add3A, %dma_start3A, %dma_start3A_52] : memref<3x32x80x128xi32, #tpu.memory_space<hbm>> -> memref<1x1x80x128xi32, #tpu.memory_space<hbm>>
      %dma_start3A_54 = tpu.memref_squeeze %dma_start3A_53 : memref<1x1x80x128xi32, #tpu.memory_space<hbm>> -> memref<80x128xi32, #tpu.memory_space<hbm>>
      %dma_start3A_55 = arith.constant 0 : i32
      %dma_start3A_56 = arith.constant 0 : i32
      %dma_start3A_57 = tpu.memref_slice %arg5[%run_scoped3A, %add3A, %dma_start3A_55, %dma_start3A_56] : memref<3x32x80x128xi32, #tpu.memory_space<hbm>> -> memref<1x1x80x128xi32, #tpu.memory_space<hbm>>
      %dma_start3A_58 = tpu.memref_squeeze %dma_start3A_57 : memref<1x1x80x128xi32, #tpu.memory_space<hbm>> -> memref<80x128xi32, #tpu.memory_space<hbm>>
      tpu.enqueue_dma source(%dma_start3A_58 : memref<80x128xi32, #tpu.memory_space<hbm>>) target(%arg12 : memref<80x128xi32, #tpu.memory_space<vmem>>) target_semaphore(%run_scoped3A_51 : memref<!tpu.dma_semaphore, #tpu.memory_space<semaphore_mem>>)
      %dma_wait3A = arith.constant 0 : i32
      %dma_wait3A_59 = arith.constant 0 : i32
      %dma_wait3A_60 = tpu.memref_slice %arg5[%run_scoped3A, %add3A, %dma_wait3A, %dma_wait3A_59] : memref<3x32x80x128xi32, #tpu.memory_space<hbm>> -> memref<1x1x80x128xi32, #tpu.memory_space<hbm>>
      %dma_wait3A_61 = tpu.memref_squeeze %dma_wait3A_60 : memref<1x1x80x128xi32, #tpu.memory_space<hbm>> -> memref<80x128xi32, #tpu.memory_space<hbm>>
      %dma_wait3A_62 = arith.constant 0 : i32
      %dma_wait3A_63 = arith.constant 0 : i32
      %dma_wait3A_64 = tpu.memref_slice %arg5[%run_scoped3A, %add3A, %dma_wait3A_62, %dma_wait3A_63] : memref<3x32x80x128xi32, #tpu.memory_space<hbm>> -> memref<1x1x80x128xi32, #tpu.memory_space<hbm>>
      %dma_wait3A_65 = tpu.memref_squeeze %dma_wait3A_64 : memref<1x1x80x128xi32, #tpu.memory_space<hbm>> -> memref<80x128xi32, #tpu.memory_space<hbm>>
      tpu.wait_dma2 semaphore(%run_scoped3A_51 : memref<!tpu.dma_semaphore, #tpu.memory_space<semaphore_mem>>) src(%dma_wait3A_65 : memref<80x128xi32, #tpu.memory_space<hbm>>) dst(%arg12 : memref<80x128xi32, #tpu.memory_space<vmem>>)
      tpu.yield
    }) : () -> ()
    %run_scoped3A_13 = arith.constant 0 : i32
    "tpu.region"() ({
      %run_scoped3A_51 = tpu.sem_alloc : memref<!tpu.dma_semaphore, #tpu.memory_space<semaphore_mem>>
      %dma_start3A = arith.constant 0 : i32
      %dma_start3A_52 = arith.constant 0 : i32
      %dma_start3A_53 = tpu.memref_slice %arg6[%run_scoped3A_13, %add3A, %dma_start3A, %dma_start3A_52] : memref<3x32x80x128xi32, #tpu.memory_space<hbm>> -> memref<1x1x80x128xi32, #tpu.memory_space<hbm>>
      %dma_start3A_54 = tpu.memref_squeeze %dma_start3A_53 : memref<1x1x80x128xi32, #tpu.memory_space<hbm>> -> memref<80x128xi32, #tpu.memory_space<hbm>>
      %dma_start3A_55 = arith.constant 0 : i32
      %dma_start3A_56 = arith.constant 0 : i32
      %dma_start3A_57 = tpu.memref_slice %arg6[%run_scoped3A_13, %add3A, %dma_start3A_55, %dma_start3A_56] : memref<3x32x80x128xi32, #tpu.memory_space<hbm>> -> memref<1x1x80x128xi32, #tpu.memory_space<hbm>>
      %dma_start3A_58 = tpu.memref_squeeze %dma_start3A_57 : memref<1x1x80x128xi32, #tpu.memory_space<hbm>> -> memref<80x128xi32, #tpu.memory_space<hbm>>
      tpu.enqueue_dma source(%dma_start3A_58 : memref<80x128xi32, #tpu.memory_space<hbm>>) target(%arg13 : memref<80x128xi32, #tpu.memory_space<vmem>>) target_semaphore(%run_scoped3A_51 : memref<!tpu.dma_semaphore, #tpu.memory_space<semaphore_mem>>)
      %dma_wait3A = arith.constant 0 : i32
      %dma_wait3A_59 = arith.constant 0 : i32
      %dma_wait3A_60 = tpu.memref_slice %arg6[%run_scoped3A_13, %add3A, %dma_wait3A, %dma_wait3A_59] : memref<3x32x80x128xi32, #tpu.memory_space<hbm>> -> memref<1x1x80x128xi32, #tpu.memory_space<hbm>>
      %dma_wait3A_61 = tpu.memref_squeeze %dma_wait3A_60 : memref<1x1x80x128xi32, #tpu.memory_space<hbm>> -> memref<80x128xi32, #tpu.memory_space<hbm>>
      %dma_wait3A_62 = arith.constant 0 : i32
      %dma_wait3A_63 = arith.constant 0 : i32
      %dma_wait3A_64 = tpu.memref_slice %arg6[%run_scoped3A_13, %add3A, %dma_wait3A_62, %dma_wait3A_63] : memref<3x32x80x128xi32, #tpu.memory_space<hbm>> -> memref<1x1x80x128xi32, #tpu.memory_space<hbm>>
      %dma_wait3A_65 = tpu.memref_squeeze %dma_wait3A_64 : memref<1x1x80x128xi32, #tpu.memory_space<hbm>> -> memref<80x128xi32, #tpu.memory_space<hbm>>
      tpu.wait_dma2 semaphore(%run_scoped3A_51 : memref<!tpu.dma_semaphore, #tpu.memory_space<semaphore_mem>>) src(%dma_wait3A_65 : memref<80x128xi32, #tpu.memory_space<hbm>>) dst(%arg13 : memref<80x128xi32, #tpu.memory_space<vmem>>)
      tpu.yield
    }) : () -> ()
    %scan3A = arith.constant 0 : i32
    %scan3A_14 = arith.constant 0 : i32
    %scan3A_15 = arith.constant 80 : i32
    %scan3A_16 = arith.addi %scan3A_14, %scan3A_15 : i32
    %scan3A_17 = arith.constant 1 : i32
    scf.for %scan3A_51 = %scan3A_14 to %scan3A_16 step %scan3A_17  : i32 {
      %dma_start3A = arith.constant 0 : i32
      %dma_start3A_52 = tpu.memref_slice %arg12[%scan3A_51, %dma_start3A] : memref<80x128xi32, #tpu.memory_space<vmem>> -> memref<1x128xi32, #tpu.memory_space<vmem>>
      %dma_start3A_53 = tpu.memref_squeeze %dma_start3A_52 : memref<1x128xi32, #tpu.memory_space<vmem>> -> memref<128xi32, #tpu.memory_space<vmem>>
      %dma_start3A_54 = arith.constant 0 : i32
      %dma_start3A_55 = arith.constant 0 : i32
      %dma_start3A_56 = tpu.memref_slice %arg2[%dma_start3A_54, %dma_start3A_55] : memref<10240x32xf32, #tpu.memory_space<hbm>> -> memref<10240x32xf32, #tpu.memory_space<hbm>>
      tpu.enqueue_indirect_dma source(%dma_start3A_56 : memref<10240x32xf32, #tpu.memory_space<hbm>>) target(%arg14 : memref<128x32xf32, #tpu.memory_space<vmem>>) offsets(%dma_start3A_53 : memref<128xi32, #tpu.memory_space<vmem>>) semaphore(%arg15 : memref<!tpu.dma_semaphore, #tpu.memory_space<semaphore_mem>>)
      %dma_wait3A = arith.constant 0 : i32
      %dma_wait3A_57 = tpu.memref_slice %arg12[%scan3A_51, %dma_wait3A] : memref<80x128xi32, #tpu.memory_space<vmem>> -> memref<1x128xi32, #tpu.memory_space<vmem>>
      %dma_wait3A_58 = tpu.memref_squeeze %dma_wait3A_57 : memref<1x128xi32, #tpu.memory_space<vmem>> -> memref<128xi32, #tpu.memory_space<vmem>>
      %dma_wait3A_59 = arith.constant 0 : i32
      %dma_wait3A_60 = arith.constant 0 : i32
      %dma_wait3A_61 = tpu.memref_slice %arg2[%dma_wait3A_59, %dma_wait3A_60] : memref<10240x32xf32, #tpu.memory_space<hbm>> -> memref<10240x32xf32, #tpu.memory_space<hbm>>
      tpu.wait_indirect_dma semaphore(%arg15 : memref<!tpu.dma_semaphore, #tpu.memory_space<semaphore_mem>>) src(%dma_wait3A_61 : memref<10240x32xf32, #tpu.memory_space<hbm>>) dst(%arg14 : memref<128x32xf32, #tpu.memory_space<vmem>>)
      "tpu.region"() ({
        %run_scoped3A_62 = tpu.sem_alloc : memref<!tpu.dma_semaphore, #tpu.memory_space<semaphore_mem>>
        %dma_start3A_63 = arith.constant 0 : i32
        %dma_start3A_64 = tpu.memref_slice %arg13[%scan3A_51, %dma_start3A_63] : memref<80x128xi32, #tpu.memory_space<vmem>> -> memref<1x128xi32, #tpu.memory_space<vmem>>
        %dma_start3A_65 = tpu.memref_squeeze %dma_start3A_64 : memref<1x128xi32, #tpu.memory_space<vmem>> -> memref<128xi32, #tpu.memory_space<vmem>>
        %dma_start3A_66 = arith.constant 0 : i32
        %dma_start3A_67 = arith.constant 0 : i32
        %dma_start3A_68 = tpu.memref_slice %arg9[%dma_start3A_66, %dma_start3A_67] : memref<10240x32xf32, #tpu.memory_space<vmem_shared>> -> memref<10240x32xf32, #tpu.memory_space<vmem_shared>>
        tpu.enqueue_indirect_dma source(%arg14 : memref<128x32xf32, #tpu.memory_space<vmem>>) target(%dma_start3A_68 : memref<10240x32xf32, #tpu.memory_space<vmem_shared>>) offsets(%dma_start3A_65 : memref<128xi32, #tpu.memory_space<vmem>>) semaphore(%run_scoped3A_62 : memref<!tpu.dma_semaphore, #tpu.memory_space<semaphore_mem>>) {add = true}
        %dma_wait3A_69 = arith.constant 0 : i32
        %dma_wait3A_70 = tpu.memref_slice %arg13[%scan3A_51, %dma_wait3A_69] : memref<80x128xi32, #tpu.memory_space<vmem>> -> memref<1x128xi32, #tpu.memory_space<vmem>>
        %dma_wait3A_71 = tpu.memref_squeeze %dma_wait3A_70 : memref<1x128xi32, #tpu.memory_space<vmem>> -> memref<128xi32, #tpu.memory_space<vmem>>
        %dma_wait3A_72 = arith.constant 0 : i32
        %dma_wait3A_73 = arith.constant 0 : i32
        %dma_wait3A_74 = tpu.memref_slice %arg9[%dma_wait3A_72, %dma_wait3A_73] : memref<10240x32xf32, #tpu.memory_space<vmem_shared>> -> memref<10240x32xf32, #tpu.memory_space<vmem_shared>>
        tpu.wait_indirect_dma semaphore(%run_scoped3A_62 : memref<!tpu.dma_semaphore, #tpu.memory_space<semaphore_mem>>) src(%arg14 : memref<128x32xf32, #tpu.memory_space<vmem>>) dst(%dma_wait3A_74 : memref<10240x32xf32, #tpu.memory_space<vmem_shared>>)
        tpu.yield
      }) : () -> ()
    }
    %scan3A_18 = arith.constant 80 : i32
    %run_scoped3A_19 = arith.constant 1 : i32
    "tpu.region"() ({
      %run_scoped3A_51 = tpu.sem_alloc : memref<!tpu.dma_semaphore, #tpu.memory_space<semaphore_mem>>
      %dma_start3A = arith.constant 0 : i32
      %dma_start3A_52 = arith.constant 0 : i32
      %dma_start3A_53 = tpu.memref_slice %arg5[%run_scoped3A_19, %add3A, %dma_start3A, %dma_start3A_52] : memref<3x32x80x128xi32, #tpu.memory_space<hbm>> -> memref<1x1x80x128xi32, #tpu.memory_space<hbm>>
      %dma_start3A_54 = tpu.memref_squeeze %dma_start3A_53 : memref<1x1x80x128xi32, #tpu.memory_space<hbm>> -> memref<80x128xi32, #tpu.memory_space<hbm>>
      %dma_start3A_55 = arith.constant 0 : i32
      %dma_start3A_56 = arith.constant 0 : i32
      %dma_start3A_57 = tpu.memref_slice %arg5[%run_scoped3A_19, %add3A, %dma_start3A_55, %dma_start3A_56] : memref<3x32x80x128xi32, #tpu.memory_space<hbm>> -> memref<1x1x80x128xi32, #tpu.memory_space<hbm>>
      %dma_start3A_58 = tpu.memref_squeeze %dma_start3A_57 : memref<1x1x80x128xi32, #tpu.memory_space<hbm>> -> memref<80x128xi32, #tpu.memory_space<hbm>>
      tpu.enqueue_dma source(%dma_start3A_58 : memref<80x128xi32, #tpu.memory_space<hbm>>) target(%arg12 : memref<80x128xi32, #tpu.memory_space<vmem>>) target_semaphore(%run_scoped3A_51 : memref<!tpu.dma_semaphore, #tpu.memory_space<semaphore_mem>>)
      %dma_wait3A = arith.constant 0 : i32
      %dma_wait3A_59 = arith.constant 0 : i32
      %dma_wait3A_60 = tpu.memref_slice %arg5[%run_scoped3A_19, %add3A, %dma_wait3A, %dma_wait3A_59] : memref<3x32x80x128xi32, #tpu.memory_space<hbm>> -> memref<1x1x80x128xi32, #tpu.memory_space<hbm>>
      %dma_wait3A_61 = tpu.memref_squeeze %dma_wait3A_60 : memref<1x1x80x128xi32, #tpu.memory_space<hbm>> -> memref<80x128xi32, #tpu.memory_space<hbm>>
      %dma_wait3A_62 = arith.constant 0 : i32
      %dma_wait3A_63 = arith.constant 0 : i32
      %dma_wait3A_64 = tpu.memref_slice %arg5[%run_scoped3A_19, %add3A, %dma_wait3A_62, %dma_wait3A_63] : memref<3x32x80x128xi32, #tpu.memory_space<hbm>> -> memref<1x1x80x128xi32, #tpu.memory_space<hbm>>
      %dma_wait3A_65 = tpu.memref_squeeze %dma_wait3A_64 : memref<1x1x80x128xi32, #tpu.memory_space<hbm>> -> memref<80x128xi32, #tpu.memory_space<hbm>>
      tpu.wait_dma2 semaphore(%run_scoped3A_51 : memref<!tpu.dma_semaphore, #tpu.memory_space<semaphore_mem>>) src(%dma_wait3A_65 : memref<80x128xi32, #tpu.memory_space<hbm>>) dst(%arg12 : memref<80x128xi32, #tpu.memory_space<vmem>>)
      tpu.yield
    }) : () -> ()
    %run_scoped3A_20 = arith.constant 1 : i32
    "tpu.region"() ({
      %run_scoped3A_51 = tpu.sem_alloc : memref<!tpu.dma_semaphore, #tpu.memory_space<semaphore_mem>>
      %dma_start3A = arith.constant 0 : i32
      %dma_start3A_52 = arith.constant 0 : i32
      %dma_start3A_53 = tpu.memref_slice %arg6[%run_scoped3A_20, %add3A, %dma_start3A, %dma_start3A_52] : memref<3x32x80x128xi32, #tpu.memory_space<hbm>> -> memref<1x1x80x128xi32, #tpu.memory_space<hbm>>
      %dma_start3A_54 = tpu.memref_squeeze %dma_start3A_53 : memref<1x1x80x128xi32, #tpu.memory_space<hbm>> -> memref<80x128xi32, #tpu.memory_space<hbm>>
      %dma_start3A_55 = arith.constant 0 : i32
      %dma_start3A_56 = arith.constant 0 : i32
      %dma_start3A_57 = tpu.memref_slice %arg6[%run_scoped3A_20, %add3A, %dma_start3A_55, %dma_start3A_56] : memref<3x32x80x128xi32, #tpu.memory_space<hbm>> -> memref<1x1x80x128xi32, #tpu.memory_space<hbm>>
      %dma_start3A_58 = tpu.memref_squeeze %dma_start3A_57 : memref<1x1x80x128xi32, #tpu.memory_space<hbm>> -> memref<80x128xi32, #tpu.memory_space<hbm>>
      tpu.enqueue_dma source(%dma_start3A_58 : memref<80x128xi32, #tpu.memory_space<hbm>>) target(%arg13 : memref<80x128xi32, #tpu.memory_space<vmem>>) target_semaphore(%run_scoped3A_51 : memref<!tpu.dma_semaphore, #tpu.memory_space<semaphore_mem>>)
      %dma_wait3A = arith.constant 0 : i32
      %dma_wait3A_59 = arith.constant 0 : i32
      %dma_wait3A_60 = tpu.memref_slice %arg6[%run_scoped3A_20, %add3A, %dma_wait3A, %dma_wait3A_59] : memref<3x32x80x128xi32, #tpu.memory_space<hbm>> -> memref<1x1x80x128xi32, #tpu.memory_space<hbm>>
      %dma_wait3A_61 = tpu.memref_squeeze %dma_wait3A_60 : memref<1x1x80x128xi32, #tpu.memory_space<hbm>> -> memref<80x128xi32, #tpu.memory_space<hbm>>
      %dma_wait3A_62 = arith.constant 0 : i32
      %dma_wait3A_63 = arith.constant 0 : i32
      %dma_wait3A_64 = tpu.memref_slice %arg6[%run_scoped3A_20, %add3A, %dma_wait3A_62, %dma_wait3A_63] : memref<3x32x80x128xi32, #tpu.memory_space<hbm>> -> memref<1x1x80x128xi32, #tpu.memory_space<hbm>>
      %dma_wait3A_65 = tpu.memref_squeeze %dma_wait3A_64 : memref<1x1x80x128xi32, #tpu.memory_space<hbm>> -> memref<80x128xi32, #tpu.memory_space<hbm>>
      tpu.wait_dma2 semaphore(%run_scoped3A_51 : memref<!tpu.dma_semaphore, #tpu.memory_space<semaphore_mem>>) src(%dma_wait3A_65 : memref<80x128xi32, #tpu.memory_space<hbm>>) dst(%arg13 : memref<80x128xi32, #tpu.memory_space<vmem>>)
      tpu.yield
    }) : () -> ()
    %scan3A_21 = arith.constant 0 : i32
    %scan3A_22 = arith.constant 0 : i32
    %scan3A_23 = arith.constant 80 : i32
    %scan3A_24 = arith.addi %scan3A_22, %scan3A_23 : i32
    %scan3A_25 = arith.constant 1 : i32
    scf.for %scan3A_51 = %scan3A_22 to %scan3A_24 step %scan3A_25  : i32 {
      %dma_start3A = arith.constant 0 : i32
      %dma_start3A_52 = tpu.memref_slice %arg12[%scan3A_51, %dma_start3A] : memref<80x128xi32, #tpu.memory_space<vmem>> -> memref<1x128xi32, #tpu.memory_space<vmem>>
      %dma_start3A_53 = tpu.memref_squeeze %dma_start3A_52 : memref<1x128xi32, #tpu.memory_space<vmem>> -> memref<128xi32, #tpu.memory_space<vmem>>
      %dma_start3A_54 = arith.constant 0 : i32
      %dma_start3A_55 = arith.constant 0 : i32
      %dma_start3A_56 = tpu.memref_slice %arg3[%dma_start3A_54, %dma_start3A_55] : memref<10240x32xf32, #tpu.memory_space<hbm>> -> memref<10240x32xf32, #tpu.memory_space<hbm>>
      tpu.enqueue_indirect_dma source(%dma_start3A_56 : memref<10240x32xf32, #tpu.memory_space<hbm>>) target(%arg14 : memref<128x32xf32, #tpu.memory_space<vmem>>) offsets(%dma_start3A_53 : memref<128xi32, #tpu.memory_space<vmem>>) semaphore(%arg15 : memref<!tpu.dma_semaphore, #tpu.memory_space<semaphore_mem>>)
      %dma_wait3A = arith.constant 0 : i32
      %dma_wait3A_57 = tpu.memref_slice %arg12[%scan3A_51, %dma_wait3A] : memref<80x128xi32, #tpu.memory_space<vmem>> -> memref<1x128xi32, #tpu.memory_space<vmem>>
      %dma_wait3A_58 = tpu.memref_squeeze %dma_wait3A_57 : memref<1x128xi32, #tpu.memory_space<vmem>> -> memref<128xi32, #tpu.memory_space<vmem>>
      %dma_wait3A_59 = arith.constant 0 : i32
      %dma_wait3A_60 = arith.constant 0 : i32
      %dma_wait3A_61 = tpu.memref_slice %arg3[%dma_wait3A_59, %dma_wait3A_60] : memref<10240x32xf32, #tpu.memory_space<hbm>> -> memref<10240x32xf32, #tpu.memory_space<hbm>>
      tpu.wait_indirect_dma semaphore(%arg15 : memref<!tpu.dma_semaphore, #tpu.memory_space<semaphore_mem>>) src(%dma_wait3A_61 : memref<10240x32xf32, #tpu.memory_space<hbm>>) dst(%arg14 : memref<128x32xf32, #tpu.memory_space<vmem>>)
      "tpu.region"() ({
        %run_scoped3A_62 = tpu.sem_alloc : memref<!tpu.dma_semaphore, #tpu.memory_space<semaphore_mem>>
        %dma_start3A_63 = arith.constant 0 : i32
        %dma_start3A_64 = tpu.memref_slice %arg13[%scan3A_51, %dma_start3A_63] : memref<80x128xi32, #tpu.memory_space<vmem>> -> memref<1x128xi32, #tpu.memory_space<vmem>>
        %dma_start3A_65 = tpu.memref_squeeze %dma_start3A_64 : memref<1x128xi32, #tpu.memory_space<vmem>> -> memref<128xi32, #tpu.memory_space<vmem>>
        %dma_start3A_66 = arith.constant 0 : i32
        %dma_start3A_67 = arith.constant 0 : i32
        %dma_start3A_68 = tpu.memref_slice %arg10[%dma_start3A_66, %dma_start3A_67] : memref<10240x32xf32, #tpu.memory_space<vmem_shared>> -> memref<10240x32xf32, #tpu.memory_space<vmem_shared>>
        tpu.enqueue_indirect_dma source(%arg14 : memref<128x32xf32, #tpu.memory_space<vmem>>) target(%dma_start3A_68 : memref<10240x32xf32, #tpu.memory_space<vmem_shared>>) offsets(%dma_start3A_65 : memref<128xi32, #tpu.memory_space<vmem>>) semaphore(%run_scoped3A_62 : memref<!tpu.dma_semaphore, #tpu.memory_space<semaphore_mem>>) {add = true}
        %dma_wait3A_69 = arith.constant 0 : i32
        %dma_wait3A_70 = tpu.memref_slice %arg13[%scan3A_51, %dma_wait3A_69] : memref<80x128xi32, #tpu.memory_space<vmem>> -> memref<1x128xi32, #tpu.memory_space<vmem>>
        %dma_wait3A_71 = tpu.memref_squeeze %dma_wait3A_70 : memref<1x128xi32, #tpu.memory_space<vmem>> -> memref<128xi32, #tpu.memory_space<vmem>>
        %dma_wait3A_72 = arith.constant 0 : i32
        %dma_wait3A_73 = arith.constant 0 : i32
        %dma_wait3A_74 = tpu.memref_slice %arg10[%dma_wait3A_72, %dma_wait3A_73] : memref<10240x32xf32, #tpu.memory_space<vmem_shared>> -> memref<10240x32xf32, #tpu.memory_space<vmem_shared>>
        tpu.wait_indirect_dma semaphore(%run_scoped3A_62 : memref<!tpu.dma_semaphore, #tpu.memory_space<semaphore_mem>>) src(%arg14 : memref<128x32xf32, #tpu.memory_space<vmem>>) dst(%dma_wait3A_74 : memref<10240x32xf32, #tpu.memory_space<vmem_shared>>)
        tpu.yield
      }) : () -> ()
    }
    %scan3A_26 = arith.constant 80 : i32
    %run_scoped3A_27 = arith.constant 2 : i32
    "tpu.region"() ({
      %run_scoped3A_51 = tpu.sem_alloc : memref<!tpu.dma_semaphore, #tpu.memory_space<semaphore_mem>>
      %dma_start3A = arith.constant 0 : i32
      %dma_start3A_52 = arith.constant 0 : i32
      %dma_start3A_53 = tpu.memref_slice %arg5[%run_scoped3A_27, %add3A, %dma_start3A, %dma_start3A_52] : memref<3x32x80x128xi32, #tpu.memory_space<hbm>> -> memref<1x1x80x128xi32, #tpu.memory_space<hbm>>
      %dma_start3A_54 = tpu.memref_squeeze %dma_start3A_53 : memref<1x1x80x128xi32, #tpu.memory_space<hbm>> -> memref<80x128xi32, #tpu.memory_space<hbm>>
      %dma_start3A_55 = arith.constant 0 : i32
      %dma_start3A_56 = arith.constant 0 : i32
      %dma_start3A_57 = tpu.memref_slice %arg5[%run_scoped3A_27, %add3A, %dma_start3A_55, %dma_start3A_56] : memref<3x32x80x128xi32, #tpu.memory_space<hbm>> -> memref<1x1x80x128xi32, #tpu.memory_space<hbm>>
      %dma_start3A_58 = tpu.memref_squeeze %dma_start3A_57 : memref<1x1x80x128xi32, #tpu.memory_space<hbm>> -> memref<80x128xi32, #tpu.memory_space<hbm>>
      tpu.enqueue_dma source(%dma_start3A_58 : memref<80x128xi32, #tpu.memory_space<hbm>>) target(%arg12 : memref<80x128xi32, #tpu.memory_space<vmem>>) target_semaphore(%run_scoped3A_51 : memref<!tpu.dma_semaphore, #tpu.memory_space<semaphore_mem>>)
      %dma_wait3A = arith.constant 0 : i32
      %dma_wait3A_59 = arith.constant 0 : i32
      %dma_wait3A_60 = tpu.memref_slice %arg5[%run_scoped3A_27, %add3A, %dma_wait3A, %dma_wait3A_59] : memref<3x32x80x128xi32, #tpu.memory_space<hbm>> -> memref<1x1x80x128xi32, #tpu.memory_space<hbm>>
      %dma_wait3A_61 = tpu.memref_squeeze %dma_wait3A_60 : memref<1x1x80x128xi32, #tpu.memory_space<hbm>> -> memref<80x128xi32, #tpu.memory_space<hbm>>
      %dma_wait3A_62 = arith.constant 0 : i32
      %dma_wait3A_63 = arith.constant 0 : i32
      %dma_wait3A_64 = tpu.memref_slice %arg5[%run_scoped3A_27, %add3A, %dma_wait3A_62, %dma_wait3A_63] : memref<3x32x80x128xi32, #tpu.memory_space<hbm>> -> memref<1x1x80x128xi32, #tpu.memory_space<hbm>>
      %dma_wait3A_65 = tpu.memref_squeeze %dma_wait3A_64 : memref<1x1x80x128xi32, #tpu.memory_space<hbm>> -> memref<80x128xi32, #tpu.memory_space<hbm>>
      tpu.wait_dma2 semaphore(%run_scoped3A_51 : memref<!tpu.dma_semaphore, #tpu.memory_space<semaphore_mem>>) src(%dma_wait3A_65 : memref<80x128xi32, #tpu.memory_space<hbm>>) dst(%arg12 : memref<80x128xi32, #tpu.memory_space<vmem>>)
      tpu.yield
    }) : () -> ()
    %run_scoped3A_28 = arith.constant 2 : i32
    "tpu.region"() ({
      %run_scoped3A_51 = tpu.sem_alloc : memref<!tpu.dma_semaphore, #tpu.memory_space<semaphore_mem>>
      %dma_start3A = arith.constant 0 : i32
      %dma_start3A_52 = arith.constant 0 : i32
      %dma_start3A_53 = tpu.memref_slice %arg6[%run_scoped3A_28, %add3A, %dma_start3A, %dma_start3A_52] : memref<3x32x80x128xi32, #tpu.memory_space<hbm>> -> memref<1x1x80x128xi32, #tpu.memory_space<hbm>>
      %dma_start3A_54 = tpu.memref_squeeze %dma_start3A_53 : memref<1x1x80x128xi32, #tpu.memory_space<hbm>> -> memref<80x128xi32, #tpu.memory_space<hbm>>
      %dma_start3A_55 = arith.constant 0 : i32
      %dma_start3A_56 = arith.constant 0 : i32
      %dma_start3A_57 = tpu.memref_slice %arg6[%run_scoped3A_28, %add3A, %dma_start3A_55, %dma_start3A_56] : memref<3x32x80x128xi32, #tpu.memory_space<hbm>> -> memref<1x1x80x128xi32, #tpu.memory_space<hbm>>
      %dma_start3A_58 = tpu.memref_squeeze %dma_start3A_57 : memref<1x1x80x128xi32, #tpu.memory_space<hbm>> -> memref<80x128xi32, #tpu.memory_space<hbm>>
      tpu.enqueue_dma source(%dma_start3A_58 : memref<80x128xi32, #tpu.memory_space<hbm>>) target(%arg13 : memref<80x128xi32, #tpu.memory_space<vmem>>) target_semaphore(%run_scoped3A_51 : memref<!tpu.dma_semaphore, #tpu.memory_space<semaphore_mem>>)
      %dma_wait3A = arith.constant 0 : i32
      %dma_wait3A_59 = arith.constant 0 : i32
      %dma_wait3A_60 = tpu.memref_slice %arg6[%run_scoped3A_28, %add3A, %dma_wait3A, %dma_wait3A_59] : memref<3x32x80x128xi32, #tpu.memory_space<hbm>> -> memref<1x1x80x128xi32, #tpu.memory_space<hbm>>
      %dma_wait3A_61 = tpu.memref_squeeze %dma_wait3A_60 : memref<1x1x80x128xi32, #tpu.memory_space<hbm>> -> memref<80x128xi32, #tpu.memory_space<hbm>>
      %dma_wait3A_62 = arith.constant 0 : i32
      %dma_wait3A_63 = arith.constant 0 : i32
      %dma_wait3A_64 = tpu.memref_slice %arg6[%run_scoped3A_28, %add3A, %dma_wait3A_62, %dma_wait3A_63] : memref<3x32x80x128xi32, #tpu.memory_space<hbm>> -> memref<1x1x80x128xi32, #tpu.memory_space<hbm>>
      %dma_wait3A_65 = tpu.memref_squeeze %dma_wait3A_64 : memref<1x1x80x128xi32, #tpu.memory_space<hbm>> -> memref<80x128xi32, #tpu.memory_space<hbm>>
      tpu.wait_dma2 semaphore(%run_scoped3A_51 : memref<!tpu.dma_semaphore, #tpu.memory_space<semaphore_mem>>) src(%dma_wait3A_65 : memref<80x128xi32, #tpu.memory_space<hbm>>) dst(%arg13 : memref<80x128xi32, #tpu.memory_space<vmem>>)
      tpu.yield
    }) : () -> ()
    %scan3A_29 = arith.constant 0 : i32
    %scan3A_30 = arith.constant 0 : i32
    %scan3A_31 = arith.constant 80 : i32
    %scan3A_32 = arith.addi %scan3A_30, %scan3A_31 : i32
    %scan3A_33 = arith.constant 1 : i32
    scf.for %scan3A_51 = %scan3A_30 to %scan3A_32 step %scan3A_33  : i32 {
      %dma_start3A = arith.constant 0 : i32
      %dma_start3A_52 = tpu.memref_slice %arg12[%scan3A_51, %dma_start3A] : memref<80x128xi32, #tpu.memory_space<vmem>> -> memref<1x128xi32, #tpu.memory_space<vmem>>
      %dma_start3A_53 = tpu.memref_squeeze %dma_start3A_52 : memref<1x128xi32, #tpu.memory_space<vmem>> -> memref<128xi32, #tpu.memory_space<vmem>>
      %dma_start3A_54 = arith.constant 0 : i32
      %dma_start3A_55 = arith.constant 0 : i32
      %dma_start3A_56 = tpu.memref_slice %arg4[%dma_start3A_54, %dma_start3A_55] : memref<10240x32xf32, #tpu.memory_space<hbm>> -> memref<10240x32xf32, #tpu.memory_space<hbm>>
      tpu.enqueue_indirect_dma source(%dma_start3A_56 : memref<10240x32xf32, #tpu.memory_space<hbm>>) target(%arg14 : memref<128x32xf32, #tpu.memory_space<vmem>>) offsets(%dma_start3A_53 : memref<128xi32, #tpu.memory_space<vmem>>) semaphore(%arg15 : memref<!tpu.dma_semaphore, #tpu.memory_space<semaphore_mem>>)
      %dma_wait3A = arith.constant 0 : i32
      %dma_wait3A_57 = tpu.memref_slice %arg12[%scan3A_51, %dma_wait3A] : memref<80x128xi32, #tpu.memory_space<vmem>> -> memref<1x128xi32, #tpu.memory_space<vmem>>
      %dma_wait3A_58 = tpu.memref_squeeze %dma_wait3A_57 : memref<1x128xi32, #tpu.memory_space<vmem>> -> memref<128xi32, #tpu.memory_space<vmem>>
      %dma_wait3A_59 = arith.constant 0 : i32
      %dma_wait3A_60 = arith.constant 0 : i32
      %dma_wait3A_61 = tpu.memref_slice %arg4[%dma_wait3A_59, %dma_wait3A_60] : memref<10240x32xf32, #tpu.memory_space<hbm>> -> memref<10240x32xf32, #tpu.memory_space<hbm>>
      tpu.wait_indirect_dma semaphore(%arg15 : memref<!tpu.dma_semaphore, #tpu.memory_space<semaphore_mem>>) src(%dma_wait3A_61 : memref<10240x32xf32, #tpu.memory_space<hbm>>) dst(%arg14 : memref<128x32xf32, #tpu.memory_space<vmem>>)
      "tpu.region"() ({
        %run_scoped3A_62 = tpu.sem_alloc : memref<!tpu.dma_semaphore, #tpu.memory_space<semaphore_mem>>
        %dma_start3A_63 = arith.constant 0 : i32
        %dma_start3A_64 = tpu.memref_slice %arg13[%scan3A_51, %dma_start3A_63] : memref<80x128xi32, #tpu.memory_space<vmem>> -> memref<1x128xi32, #tpu.memory_space<vmem>>
        %dma_start3A_65 = tpu.memref_squeeze %dma_start3A_64 : memref<1x128xi32, #tpu.memory_space<vmem>> -> memref<128xi32, #tpu.memory_space<vmem>>
        %dma_start3A_66 = arith.constant 0 : i32
        %dma_start3A_67 = arith.constant 0 : i32
        %dma_start3A_68 = tpu.memref_slice %arg11[%dma_start3A_66, %dma_start3A_67] : memref<10240x32xf32, #tpu.memory_space<vmem_shared>> -> memref<10240x32xf32, #tpu.memory_space<vmem_shared>>
        tpu.enqueue_indirect_dma source(%arg14 : memref<128x32xf32, #tpu.memory_space<vmem>>) target(%dma_start3A_68 : memref<10240x32xf32, #tpu.memory_space<vmem_shared>>) offsets(%dma_start3A_65 : memref<128xi32, #tpu.memory_space<vmem>>) semaphore(%run_scoped3A_62 : memref<!tpu.dma_semaphore, #tpu.memory_space<semaphore_mem>>) {add = true}
        %dma_wait3A_69 = arith.constant 0 : i32
        %dma_wait3A_70 = tpu.memref_slice %arg13[%scan3A_51, %dma_wait3A_69] : memref<80x128xi32, #tpu.memory_space<vmem>> -> memref<1x128xi32, #tpu.memory_space<vmem>>
        %dma_wait3A_71 = tpu.memref_squeeze %dma_wait3A_70 : memref<1x128xi32, #tpu.memory_space<vmem>> -> memref<128xi32, #tpu.memory_space<vmem>>
        %dma_wait3A_72 = arith.constant 0 : i32
        %dma_wait3A_73 = arith.constant 0 : i32
        %dma_wait3A_74 = tpu.memref_slice %arg11[%dma_wait3A_72, %dma_wait3A_73] : memref<10240x32xf32, #tpu.memory_space<vmem_shared>> -> memref<10240x32xf32, #tpu.memory_space<vmem_shared>>
        tpu.wait_indirect_dma semaphore(%run_scoped3A_62 : memref<!tpu.dma_semaphore, #tpu.memory_space<semaphore_mem>>) src(%arg14 : memref<128x32xf32, #tpu.memory_space<vmem>>) dst(%dma_wait3A_74 : memref<10240x32xf32, #tpu.memory_space<vmem_shared>>)
        tpu.yield
      }) : () -> ()
    }
    %scan3A_34 = arith.constant 80 : i32
    %barrier3A_35 = arith.constant 0 : index
    tpu.barrier barrier_id(%barrier3A_35)
    %mul3A_36 = arith.constant 640 : i32
    %mul3A_37 = arith.muli %arg1, %mul3A_36 : i32
    %mul3A_38 = arith.constant 640 : i32
    %mul3A_39 = arith.muli %arg1, %mul3A_38 : i32
    %run_scoped3A_40 = arith.constant 0 : i32
    "tpu.region"() ({
      %run_scoped3A_51 = tpu.sem_alloc : memref<!tpu.dma_semaphore, #tpu.memory_space<semaphore_mem>>
      %dma_start3A = arith.constant 0 : i32
      %dma_start3A_52 = tpu.memref_slice %arg8[%arg0, %run_scoped3A_40, %mul3A_39, %dma_start3A] : memref<2x3x10240x32xf32, #tpu.memory_space<hbm>> -> memref<1x1x640x32xf32, #tpu.memory_space<hbm>>
      %dma_start3A_53 = tpu.memref_squeeze %dma_start3A_52 : memref<1x1x640x32xf32, #tpu.memory_space<hbm>> -> memref<640x32xf32, #tpu.memory_space<hbm>>
      %dma_start3A_54 = arith.constant 0 : i32
      %dma_start3A_55 = tpu.memref_slice %arg9[%mul3A_37, %dma_start3A_54] : memref<10240x32xf32, #tpu.memory_space<vmem_shared>> -> memref<640x32xf32, #tpu.memory_space<vmem_shared>>
      tpu.enqueue_dma source(%dma_start3A_55 : memref<640x32xf32, #tpu.memory_space<vmem_shared>>) target(%dma_start3A_53 : memref<640x32xf32, #tpu.memory_space<hbm>>) target_semaphore(%run_scoped3A_51 : memref<!tpu.dma_semaphore, #tpu.memory_space<semaphore_mem>>)
      %dma_wait3A = arith.constant 0 : i32
      %dma_wait3A_56 = tpu.memref_slice %arg8[%arg0, %run_scoped3A_40, %mul3A_39, %dma_wait3A] : memref<2x3x10240x32xf32, #tpu.memory_space<hbm>> -> memref<1x1x640x32xf32, #tpu.memory_space<hbm>>
      %dma_wait3A_57 = tpu.memref_squeeze %dma_wait3A_56 : memref<1x1x640x32xf32, #tpu.memory_space<hbm>> -> memref<640x32xf32, #tpu.memory_space<hbm>>
      %dma_wait3A_58 = arith.constant 0 : i32
      %dma_wait3A_59 = tpu.memref_slice %arg9[%mul3A_37, %dma_wait3A_58] : memref<10240x32xf32, #tpu.memory_space<vmem_shared>> -> memref<640x32xf32, #tpu.memory_space<vmem_shared>>
      tpu.wait_dma2 semaphore(%run_scoped3A_51 : memref<!tpu.dma_semaphore, #tpu.memory_space<semaphore_mem>>) src(%dma_wait3A_59 : memref<640x32xf32, #tpu.memory_space<vmem_shared>>) dst(%dma_wait3A_57 : memref<640x32xf32, #tpu.memory_space<hbm>>)
      tpu.yield
    }) : () -> ()
    %mul3A_41 = arith.constant 640 : i32
    %mul3A_42 = arith.muli %arg1, %mul3A_41 : i32
    %mul3A_43 = arith.constant 640 : i32
    %mul3A_44 = arith.muli %arg1, %mul3A_43 : i32
    %run_scoped3A_45 = arith.constant 1 : i32
    "tpu.region"() ({
      %run_scoped3A_51 = tpu.sem_alloc : memref<!tpu.dma_semaphore, #tpu.memory_space<semaphore_mem>>
      %dma_start3A = arith.constant 0 : i32
      %dma_start3A_52 = tpu.memref_slice %arg8[%arg0, %run_scoped3A_45, %mul3A_44, %dma_start3A] : memref<2x3x10240x32xf32, #tpu.memory_space<hbm>> -> memref<1x1x640x32xf32, #tpu.memory_space<hbm>>
      %dma_start3A_53 = tpu.memref_squeeze %dma_start3A_52 : memref<1x1x640x32xf32, #tpu.memory_space<hbm>> -> memref<640x32xf32, #tpu.memory_space<hbm>>
      %dma_start3A_54 = arith.constant 0 : i32
      %dma_start3A_55 = tpu.memref_slice %arg10[%mul3A_42, %dma_start3A_54] : memref<10240x32xf32, #tpu.memory_space<vmem_shared>> -> memref<640x32xf32, #tpu.memory_space<vmem_shared>>
      tpu.enqueue_dma source(%dma_start3A_55 : memref<640x32xf32, #tpu.memory_space<vmem_shared>>) target(%dma_start3A_53 : memref<640x32xf32, #tpu.memory_space<hbm>>) target_semaphore(%run_scoped3A_51 : memref<!tpu.dma_semaphore, #tpu.memory_space<semaphore_mem>>)
      %dma_wait3A = arith.constant 0 : i32
      %dma_wait3A_56 = tpu.memref_slice %arg8[%arg0, %run_scoped3A_45, %mul3A_44, %dma_wait3A] : memref<2x3x10240x32xf32, #tpu.memory_space<hbm>> -> memref<1x1x640x32xf32, #tpu.memory_space<hbm>>
      %dma_wait3A_57 = tpu.memref_squeeze %dma_wait3A_56 : memref<1x1x640x32xf32, #tpu.memory_space<hbm>> -> memref<640x32xf32, #tpu.memory_space<hbm>>
      %dma_wait3A_58 = arith.constant 0 : i32
      %dma_wait3A_59 = tpu.memref_slice %arg10[%mul3A_42, %dma_wait3A_58] : memref<10240x32xf32, #tpu.memory_space<vmem_shared>> -> memref<640x32xf32, #tpu.memory_space<vmem_shared>>
      tpu.wait_dma2 semaphore(%run_scoped3A_51 : memref<!tpu.dma_semaphore, #tpu.memory_space<semaphore_mem>>) src(%dma_wait3A_59 : memref<640x32xf32, #tpu.memory_space<vmem_shared>>) dst(%dma_wait3A_57 : memref<640x32xf32, #tpu.memory_space<hbm>>)
      tpu.yield
    }) : () -> ()
    %mul3A_46 = arith.constant 640 : i32
    %mul3A_47 = arith.muli %arg1, %mul3A_46 : i32
    %mul3A_48 = arith.constant 640 : i32
    %mul3A_49 = arith.muli %arg1, %mul3A_48 : i32
    %run_scoped3A_50 = arith.constant 2 : i32
    "tpu.region"() ({
      %run_scoped3A_51 = tpu.sem_alloc : memref<!tpu.dma_semaphore, #tpu.memory_space<semaphore_mem>>
      %dma_start3A = arith.constant 0 : i32
      %dma_start3A_52 = tpu.memref_slice %arg8[%arg0, %run_scoped3A_50, %mul3A_49, %dma_start3A] : memref<2x3x10240x32xf32, #tpu.memory_space<hbm>> -> memref<1x1x640x32xf32, #tpu.memory_space<hbm>>
      %dma_start3A_53 = tpu.memref_squeeze %dma_start3A_52 : memref<1x1x640x32xf32, #tpu.memory_space<hbm>> -> memref<640x32xf32, #tpu.memory_space<hbm>>
      %dma_start3A_54 = arith.constant 0 : i32
      %dma_start3A_55 = tpu.memref_slice %arg11[%mul3A_47, %dma_start3A_54] : memref<10240x32xf32, #tpu.memory_space<vmem_shared>> -> memref<640x32xf32, #tpu.memory_space<vmem_shared>>
      tpu.enqueue_dma source(%dma_start3A_55 : memref<640x32xf32, #tpu.memory_space<vmem_shared>>) target(%dma_start3A_53 : memref<640x32xf32, #tpu.memory_space<hbm>>) target_semaphore(%run_scoped3A_51 : memref<!tpu.dma_semaphore, #tpu.memory_space<semaphore_mem>>)
      %dma_wait3A = arith.constant 0 : i32
      %dma_wait3A_56 = tpu.memref_slice %arg8[%arg0, %run_scoped3A_50, %mul3A_49, %dma_wait3A] : memref<2x3x10240x32xf32, #tpu.memory_space<hbm>> -> memref<1x1x640x32xf32, #tpu.memory_space<hbm>>
      %dma_wait3A_57 = tpu.memref_squeeze %dma_wait3A_56 : memref<1x1x640x32xf32, #tpu.memory_space<hbm>> -> memref<640x32xf32, #tpu.memory_space<hbm>>
      %dma_wait3A_58 = arith.constant 0 : i32
      %dma_wait3A_59 = tpu.memref_slice %arg11[%mul3A_47, %dma_wait3A_58] : memref<10240x32xf32, #tpu.memory_space<vmem_shared>> -> memref<640x32xf32, #tpu.memory_space<vmem_shared>>
      tpu.wait_dma2 semaphore(%run_scoped3A_51 : memref<!tpu.dma_semaphore, #tpu.memory_space<semaphore_mem>>) src(%dma_wait3A_59 : memref<640x32xf32, #tpu.memory_space<vmem_shared>>) dst(%dma_wait3A_57 : memref<640x32xf32, #tpu.memory_space<hbm>>)
      tpu.yield
    }) : () -> ()
    return
  }
}

#map = affine_map<(d0, d1) -> (0, 0)>
#map1 = affine_map<(d0, d1) -> (0, 0, 0, 0)>
module attributes {stable_mosaic.version = 14 : i64} {
  func.func @sc_kernel(%arg0: i32, %arg1: i32, %arg2: memref<10240x32xf32, #tpu.memory_space<hbm>>, %arg3: memref<1x32x80x128xi32, #tpu.memory_space<hbm>>, %arg4: memref<1x32x80x128xi32, #tpu.memory_space<hbm>>, %arg5: memref<10240x32xf32, #tpu.memory_space<hbm>>, %arg6: memref<2x1x10240x32xf32, #tpu.memory_space<hbm>>, %arg7: memref<10240x32xf32, #tpu.memory_space<vmem_shared>>, %arg8: memref<80x128xi32, #tpu.memory_space<vmem>>, %arg9: memref<80x128xi32, #tpu.memory_space<vmem>>, %arg10: memref<128x32xf32, #tpu.memory_space<vmem>>, %arg11: memref<!tpu.dma_semaphore, #tpu.memory_space<semaphore_mem>>) attributes {dimension_semantics = [#tpu.dimension_semantics<core_parallel>, #tpu.dimension_semantics<subcore_parallel>], iteration_bounds = array<i64: 2, 16>, scalar_prefetch = 0 : i64, scratch_operands = 5 : i64, tpu.core_type = #tpu.core_type<sc_vector_subcore>, window_params = [{transform_indices = #map}, {transform_indices = #map1}, {transform_indices = #map1}, {transform_indices = #map}, {transform_indices = #map1}]} {
    %mul3A = arith.constant 16 : i32
    %mul3A_0 = arith.muli %arg0, %mul3A : i32
    %add3A = arith.addi %mul3A_0, %arg1 : i32
    %mul3A_1 = arith.constant 640 : i32
    %mul3A_2 = arith.muli %arg1, %mul3A_1 : i32
    %mul3A_3 = arith.constant 640 : i32
    %mul3A_4 = arith.muli %arg1, %mul3A_3 : i32
    "tpu.region"() ({
      %run_scoped3A_17 = tpu.sem_alloc : memref<!tpu.dma_semaphore, #tpu.memory_space<semaphore_mem>>
      %dma_start3A = arith.constant 0 : i32
      %dma_start3A_18 = tpu.memref_slice %arg7[%mul3A_4, %dma_start3A] : memref<10240x32xf32, #tpu.memory_space<vmem_shared>> -> memref<640x32xf32, #tpu.memory_space<vmem_shared>>
      %dma_start3A_19 = arith.constant 0 : i32
      %dma_start3A_20 = tpu.memref_slice %arg5[%mul3A_2, %dma_start3A_19] : memref<10240x32xf32, #tpu.memory_space<hbm>> -> memref<640x32xf32, #tpu.memory_space<hbm>>
      tpu.enqueue_dma source(%dma_start3A_20 : memref<640x32xf32, #tpu.memory_space<hbm>>) target(%dma_start3A_18 : memref<640x32xf32, #tpu.memory_space<vmem_shared>>) target_semaphore(%run_scoped3A_17 : memref<!tpu.dma_semaphore, #tpu.memory_space<semaphore_mem>>)
      %dma_wait3A = arith.constant 0 : i32
      %dma_wait3A_21 = tpu.memref_slice %arg7[%mul3A_4, %dma_wait3A] : memref<10240x32xf32, #tpu.memory_space<vmem_shared>> -> memref<640x32xf32, #tpu.memory_space<vmem_shared>>
      %dma_wait3A_22 = arith.constant 0 : i32
      %dma_wait3A_23 = tpu.memref_slice %arg5[%mul3A_2, %dma_wait3A_22] : memref<10240x32xf32, #tpu.memory_space<hbm>> -> memref<640x32xf32, #tpu.memory_space<hbm>>
      tpu.wait_dma2 semaphore(%run_scoped3A_17 : memref<!tpu.dma_semaphore, #tpu.memory_space<semaphore_mem>>) src(%dma_wait3A_23 : memref<640x32xf32, #tpu.memory_space<hbm>>) dst(%dma_wait3A_21 : memref<640x32xf32, #tpu.memory_space<vmem_shared>>)
      tpu.yield
    }) : () -> ()
    %barrier3A = arith.constant 0 : index
    tpu.barrier barrier_id(%barrier3A)
    %run_scoped3A = arith.constant 0 : i32
    "tpu.region"() ({
      %run_scoped3A_17 = tpu.sem_alloc : memref<!tpu.dma_semaphore, #tpu.memory_space<semaphore_mem>>
      %dma_start3A = arith.constant 0 : i32
      %dma_start3A_18 = arith.constant 0 : i32
      %dma_start3A_19 = tpu.memref_slice %arg3[%run_scoped3A, %add3A, %dma_start3A, %dma_start3A_18] : memref<1x32x80x128xi32, #tpu.memory_space<hbm>> -> memref<1x1x80x128xi32, #tpu.memory_space<hbm>>
      %dma_start3A_20 = tpu.memref_squeeze %dma_start3A_19 : memref<1x1x80x128xi32, #tpu.memory_space<hbm>> -> memref<80x128xi32, #tpu.memory_space<hbm>>
      %dma_start3A_21 = arith.constant 0 : i32
      %dma_start3A_22 = arith.constant 0 : i32
      %dma_start3A_23 = tpu.memref_slice %arg3[%run_scoped3A, %add3A, %dma_start3A_21, %dma_start3A_22] : memref<1x32x80x128xi32, #tpu.memory_space<hbm>> -> memref<1x1x80x128xi32, #tpu.memory_space<hbm>>
      %dma_start3A_24 = tpu.memref_squeeze %dma_start3A_23 : memref<1x1x80x128xi32, #tpu.memory_space<hbm>> -> memref<80x128xi32, #tpu.memory_space<hbm>>
      tpu.enqueue_dma source(%dma_start3A_24 : memref<80x128xi32, #tpu.memory_space<hbm>>) target(%arg8 : memref<80x128xi32, #tpu.memory_space<vmem>>) target_semaphore(%run_scoped3A_17 : memref<!tpu.dma_semaphore, #tpu.memory_space<semaphore_mem>>)
      %dma_wait3A = arith.constant 0 : i32
      %dma_wait3A_25 = arith.constant 0 : i32
      %dma_wait3A_26 = tpu.memref_slice %arg3[%run_scoped3A, %add3A, %dma_wait3A, %dma_wait3A_25] : memref<1x32x80x128xi32, #tpu.memory_space<hbm>> -> memref<1x1x80x128xi32, #tpu.memory_space<hbm>>
      %dma_wait3A_27 = tpu.memref_squeeze %dma_wait3A_26 : memref<1x1x80x128xi32, #tpu.memory_space<hbm>> -> memref<80x128xi32, #tpu.memory_space<hbm>>
      %dma_wait3A_28 = arith.constant 0 : i32
      %dma_wait3A_29 = arith.constant 0 : i32
      %dma_wait3A_30 = tpu.memref_slice %arg3[%run_scoped3A, %add3A, %dma_wait3A_28, %dma_wait3A_29] : memref<1x32x80x128xi32, #tpu.memory_space<hbm>> -> memref<1x1x80x128xi32, #tpu.memory_space<hbm>>
      %dma_wait3A_31 = tpu.memref_squeeze %dma_wait3A_30 : memref<1x1x80x128xi32, #tpu.memory_space<hbm>> -> memref<80x128xi32, #tpu.memory_space<hbm>>
      tpu.wait_dma2 semaphore(%run_scoped3A_17 : memref<!tpu.dma_semaphore, #tpu.memory_space<semaphore_mem>>) src(%dma_wait3A_31 : memref<80x128xi32, #tpu.memory_space<hbm>>) dst(%arg8 : memref<80x128xi32, #tpu.memory_space<vmem>>)
      tpu.yield
    }) : () -> ()
    %run_scoped3A_5 = arith.constant 0 : i32
    "tpu.region"() ({
      %run_scoped3A_17 = tpu.sem_alloc : memref<!tpu.dma_semaphore, #tpu.memory_space<semaphore_mem>>
      %dma_start3A = arith.constant 0 : i32
      %dma_start3A_18 = arith.constant 0 : i32
      %dma_start3A_19 = tpu.memref_slice %arg4[%run_scoped3A_5, %add3A, %dma_start3A, %dma_start3A_18] : memref<1x32x80x128xi32, #tpu.memory_space<hbm>> -> memref<1x1x80x128xi32, #tpu.memory_space<hbm>>
      %dma_start3A_20 = tpu.memref_squeeze %dma_start3A_19 : memref<1x1x80x128xi32, #tpu.memory_space<hbm>> -> memref<80x128xi32, #tpu.memory_space<hbm>>
      %dma_start3A_21 = arith.constant 0 : i32
      %dma_start3A_22 = arith.constant 0 : i32
      %dma_start3A_23 = tpu.memref_slice %arg4[%run_scoped3A_5, %add3A, %dma_start3A_21, %dma_start3A_22] : memref<1x32x80x128xi32, #tpu.memory_space<hbm>> -> memref<1x1x80x128xi32, #tpu.memory_space<hbm>>
      %dma_start3A_24 = tpu.memref_squeeze %dma_start3A_23 : memref<1x1x80x128xi32, #tpu.memory_space<hbm>> -> memref<80x128xi32, #tpu.memory_space<hbm>>
      tpu.enqueue_dma source(%dma_start3A_24 : memref<80x128xi32, #tpu.memory_space<hbm>>) target(%arg9 : memref<80x128xi32, #tpu.memory_space<vmem>>) target_semaphore(%run_scoped3A_17 : memref<!tpu.dma_semaphore, #tpu.memory_space<semaphore_mem>>)
      %dma_wait3A = arith.constant 0 : i32
      %dma_wait3A_25 = arith.constant 0 : i32
      %dma_wait3A_26 = tpu.memref_slice %arg4[%run_scoped3A_5, %add3A, %dma_wait3A, %dma_wait3A_25] : memref<1x32x80x128xi32, #tpu.memory_space<hbm>> -> memref<1x1x80x128xi32, #tpu.memory_space<hbm>>
      %dma_wait3A_27 = tpu.memref_squeeze %dma_wait3A_26 : memref<1x1x80x128xi32, #tpu.memory_space<hbm>> -> memref<80x128xi32, #tpu.memory_space<hbm>>
      %dma_wait3A_28 = arith.constant 0 : i32
      %dma_wait3A_29 = arith.constant 0 : i32
      %dma_wait3A_30 = tpu.memref_slice %arg4[%run_scoped3A_5, %add3A, %dma_wait3A_28, %dma_wait3A_29] : memref<1x32x80x128xi32, #tpu.memory_space<hbm>> -> memref<1x1x80x128xi32, #tpu.memory_space<hbm>>
      %dma_wait3A_31 = tpu.memref_squeeze %dma_wait3A_30 : memref<1x1x80x128xi32, #tpu.memory_space<hbm>> -> memref<80x128xi32, #tpu.memory_space<hbm>>
      tpu.wait_dma2 semaphore(%run_scoped3A_17 : memref<!tpu.dma_semaphore, #tpu.memory_space<semaphore_mem>>) src(%dma_wait3A_31 : memref<80x128xi32, #tpu.memory_space<hbm>>) dst(%arg9 : memref<80x128xi32, #tpu.memory_space<vmem>>)
      tpu.yield
    }) : () -> ()
    %scan3A = arith.constant 0 : i32
    %scan3A_6 = arith.constant 0 : i32
    %scan3A_7 = arith.constant 80 : i32
    %scan3A_8 = arith.addi %scan3A_6, %scan3A_7 : i32
    %scan3A_9 = arith.constant 1 : i32
    scf.for %scan3A_17 = %scan3A_6 to %scan3A_8 step %scan3A_9  : i32 {
      %dma_start3A = arith.constant 0 : i32
      %dma_start3A_18 = tpu.memref_slice %arg8[%scan3A_17, %dma_start3A] : memref<80x128xi32, #tpu.memory_space<vmem>> -> memref<1x128xi32, #tpu.memory_space<vmem>>
      %dma_start3A_19 = tpu.memref_squeeze %dma_start3A_18 : memref<1x128xi32, #tpu.memory_space<vmem>> -> memref<128xi32, #tpu.memory_space<vmem>>
      %dma_start3A_20 = arith.constant 0 : i32
      %dma_start3A_21 = arith.constant 0 : i32
      %dma_start3A_22 = tpu.memref_slice %arg2[%dma_start3A_20, %dma_start3A_21] : memref<10240x32xf32, #tpu.memory_space<hbm>> -> memref<10240x32xf32, #tpu.memory_space<hbm>>
      tpu.enqueue_indirect_dma source(%dma_start3A_22 : memref<10240x32xf32, #tpu.memory_space<hbm>>) target(%arg10 : memref<128x32xf32, #tpu.memory_space<vmem>>) offsets(%dma_start3A_19 : memref<128xi32, #tpu.memory_space<vmem>>) semaphore(%arg11 : memref<!tpu.dma_semaphore, #tpu.memory_space<semaphore_mem>>)
      %dma_wait3A = arith.constant 0 : i32
      %dma_wait3A_23 = tpu.memref_slice %arg8[%scan3A_17, %dma_wait3A] : memref<80x128xi32, #tpu.memory_space<vmem>> -> memref<1x128xi32, #tpu.memory_space<vmem>>
      %dma_wait3A_24 = tpu.memref_squeeze %dma_wait3A_23 : memref<1x128xi32, #tpu.memory_space<vmem>> -> memref<128xi32, #tpu.memory_space<vmem>>
      %dma_wait3A_25 = arith.constant 0 : i32
      %dma_wait3A_26 = arith.constant 0 : i32
      %dma_wait3A_27 = tpu.memref_slice %arg2[%dma_wait3A_25, %dma_wait3A_26] : memref<10240x32xf32, #tpu.memory_space<hbm>> -> memref<10240x32xf32, #tpu.memory_space<hbm>>
      tpu.wait_indirect_dma semaphore(%arg11 : memref<!tpu.dma_semaphore, #tpu.memory_space<semaphore_mem>>) src(%dma_wait3A_27 : memref<10240x32xf32, #tpu.memory_space<hbm>>) dst(%arg10 : memref<128x32xf32, #tpu.memory_space<vmem>>)
      "tpu.region"() ({
        %run_scoped3A_28 = tpu.sem_alloc : memref<!tpu.dma_semaphore, #tpu.memory_space<semaphore_mem>>
        %dma_start3A_29 = arith.constant 0 : i32
        %dma_start3A_30 = tpu.memref_slice %arg9[%scan3A_17, %dma_start3A_29] : memref<80x128xi32, #tpu.memory_space<vmem>> -> memref<1x128xi32, #tpu.memory_space<vmem>>
        %dma_start3A_31 = tpu.memref_squeeze %dma_start3A_30 : memref<1x128xi32, #tpu.memory_space<vmem>> -> memref<128xi32, #tpu.memory_space<vmem>>
        %dma_start3A_32 = arith.constant 0 : i32
        %dma_start3A_33 = arith.constant 0 : i32
        %dma_start3A_34 = tpu.memref_slice %arg7[%dma_start3A_32, %dma_start3A_33] : memref<10240x32xf32, #tpu.memory_space<vmem_shared>> -> memref<10240x32xf32, #tpu.memory_space<vmem_shared>>
        tpu.enqueue_indirect_dma source(%arg10 : memref<128x32xf32, #tpu.memory_space<vmem>>) target(%dma_start3A_34 : memref<10240x32xf32, #tpu.memory_space<vmem_shared>>) offsets(%dma_start3A_31 : memref<128xi32, #tpu.memory_space<vmem>>) semaphore(%run_scoped3A_28 : memref<!tpu.dma_semaphore, #tpu.memory_space<semaphore_mem>>) {add = true}
        %dma_wait3A_35 = arith.constant 0 : i32
        %dma_wait3A_36 = tpu.memref_slice %arg9[%scan3A_17, %dma_wait3A_35] : memref<80x128xi32, #tpu.memory_space<vmem>> -> memref<1x128xi32, #tpu.memory_space<vmem>>
        %dma_wait3A_37 = tpu.memref_squeeze %dma_wait3A_36 : memref<1x128xi32, #tpu.memory_space<vmem>> -> memref<128xi32, #tpu.memory_space<vmem>>
        %dma_wait3A_38 = arith.constant 0 : i32
        %dma_wait3A_39 = arith.constant 0 : i32
        %dma_wait3A_40 = tpu.memref_slice %arg7[%dma_wait3A_38, %dma_wait3A_39] : memref<10240x32xf32, #tpu.memory_space<vmem_shared>> -> memref<10240x32xf32, #tpu.memory_space<vmem_shared>>
        tpu.wait_indirect_dma semaphore(%run_scoped3A_28 : memref<!tpu.dma_semaphore, #tpu.memory_space<semaphore_mem>>) src(%arg10 : memref<128x32xf32, #tpu.memory_space<vmem>>) dst(%dma_wait3A_40 : memref<10240x32xf32, #tpu.memory_space<vmem_shared>>)
        tpu.yield
      }) : () -> ()
    }
    %scan3A_10 = arith.constant 80 : i32
    %barrier3A_11 = arith.constant 0 : index
    tpu.barrier barrier_id(%barrier3A_11)
    %mul3A_12 = arith.constant 640 : i32
    %mul3A_13 = arith.muli %arg1, %mul3A_12 : i32
    %mul3A_14 = arith.constant 640 : i32
    %mul3A_15 = arith.muli %arg1, %mul3A_14 : i32
    %run_scoped3A_16 = arith.constant 0 : i32
    "tpu.region"() ({
      %run_scoped3A_17 = tpu.sem_alloc : memref<!tpu.dma_semaphore, #tpu.memory_space<semaphore_mem>>
      %dma_start3A = arith.constant 0 : i32
      %dma_start3A_18 = tpu.memref_slice %arg6[%arg0, %run_scoped3A_16, %mul3A_15, %dma_start3A] : memref<2x1x10240x32xf32, #tpu.memory_space<hbm>> -> memref<1x1x640x32xf32, #tpu.memory_space<hbm>>
      %dma_start3A_19 = tpu.memref_squeeze %dma_start3A_18 : memref<1x1x640x32xf32, #tpu.memory_space<hbm>> -> memref<640x32xf32, #tpu.memory_space<hbm>>
      %dma_start3A_20 = arith.constant 0 : i32
      %dma_start3A_21 = tpu.memref_slice %arg7[%mul3A_13, %dma_start3A_20] : memref<10240x32xf32, #tpu.memory_space<vmem_shared>> -> memref<640x32xf32, #tpu.memory_space<vmem_shared>>
      tpu.enqueue_dma source(%dma_start3A_21 : memref<640x32xf32, #tpu.memory_space<vmem_shared>>) target(%dma_start3A_19 : memref<640x32xf32, #tpu.memory_space<hbm>>) target_semaphore(%run_scoped3A_17 : memref<!tpu.dma_semaphore, #tpu.memory_space<semaphore_mem>>)
      %dma_wait3A = arith.constant 0 : i32
      %dma_wait3A_22 = tpu.memref_slice %arg6[%arg0, %run_scoped3A_16, %mul3A_15, %dma_wait3A] : memref<2x1x10240x32xf32, #tpu.memory_space<hbm>> -> memref<1x1x640x32xf32, #tpu.memory_space<hbm>>
      %dma_wait3A_23 = tpu.memref_squeeze %dma_wait3A_22 : memref<1x1x640x32xf32, #tpu.memory_space<hbm>> -> memref<640x32xf32, #tpu.memory_space<hbm>>
      %dma_wait3A_24 = arith.constant 0 : i32
      %dma_wait3A_25 = tpu.memref_slice %arg7[%mul3A_13, %dma_wait3A_24] : memref<10240x32xf32, #tpu.memory_space<vmem_shared>> -> memref<640x32xf32, #tpu.memory_space<vmem_shared>>
      tpu.wait_dma2 semaphore(%run_scoped3A_17 : memref<!tpu.dma_semaphore, #tpu.memory_space<semaphore_mem>>) src(%dma_wait3A_25 : memref<640x32xf32, #tpu.memory_space<vmem_shared>>) dst(%dma_wait3A_23 : memref<640x32xf32, #tpu.memory_space<hbm>>)
      tpu.yield
    }) : () -> ()
    return
  }
}

module attributes {stable_mosaic.version = 14 : i64} {
  func.func @_tc1_body(%arg0: i32, %arg1: memref<1280x128xf32, #tpu.memory_space<vmem>>, %arg2: memref<1280x16xf32, #tpu.memory_space<vmem>>, %arg3: memref<1280x16xf32, #tpu.memory_space<vmem>>, %arg4: memref<1280x16xf32, #tpu.memory_space<vmem>>, %arg5: memref<1280x16xf32, #tpu.memory_space<vmem>>, %arg6: memref<1280x16xf32, #tpu.memory_space<vmem>>, %arg7: memref<1280x16xf32, #tpu.memory_space<vmem>>, %arg8: memref<128x32xf32, #tpu.memory_space<vmem>>, %arg9: memref<32xf32, #tpu.memory_space<vmem>>, %arg10: memref<128x32xf32, #tpu.memory_space<vmem>>, %arg11: memref<32xf32, #tpu.memory_space<vmem>>, %arg12: memref<128x32xf32, #tpu.memory_space<vmem>>, %arg13: memref<32xf32, #tpu.memory_space<vmem>>, %arg14: memref<128x32xf32, #tpu.memory_space<vmem>>, %arg15: memref<32xf32, #tpu.memory_space<vmem>>, %arg16: memref<32x32xf32, #tpu.memory_space<vmem>>, %arg17: memref<32xf32, #tpu.memory_space<vmem>>, %arg18: memref<36x32xf32, #tpu.memory_space<vmem>>, %arg19: memref<32xf32, #tpu.memory_space<vmem>>, %arg20: memref<32x5xf32, #tpu.memory_space<vmem>>, %arg21: memref<5xf32, #tpu.memory_space<vmem>>, %arg22: memref<1280x32xf32, #tpu.memory_space<vmem>>, %arg23: memref<1280x32xf32, #tpu.memory_space<vmem>>, %arg24: memref<1280x32xf32, #tpu.memory_space<vmem>>, %arg25: memref<1280x32xf32, #tpu.memory_space<vmem>>, %arg26: memref<1280x3xf32, #tpu.memory_space<vmem>>, %arg27: memref<1280x12xf32, #tpu.memory_space<vmem>>, %arg28: memref<1280x5xf32, #tpu.memory_space<vmem>>) attributes {dimension_semantics = [#tpu.dimension_semantics<arbitrary>], iteration_bounds = array<i64: 8>, scalar_prefetch = 0 : i64, scratch_operands = 0 : i64, tpu.core_type = #tpu.core_type<tc>, window_params = [{transform_indices = @transform_0, window_bounds = array<i64: 1280, 128>}, {transform_indices = @transform_1, window_bounds = array<i64: 1280, 16>}, {transform_indices = @transform_2, window_bounds = array<i64: 1280, 16>}, {transform_indices = @transform_3, window_bounds = array<i64: 1280, 16>}, {transform_indices = @transform_4, window_bounds = array<i64: 1280, 16>}, {transform_indices = @transform_5, window_bounds = array<i64: 1280, 16>}, {transform_indices = @transform_6, window_bounds = array<i64: 1280, 16>}, {pipeline_mode = #tpu.pipeline_mode<synchronous>, transform_indices = @transform_7, window_bounds = array<i64: 128, 32>}, {pipeline_mode = #tpu.pipeline_mode<synchronous>, transform_indices = @transform_8, window_bounds = array<i64: 32>}, {pipeline_mode = #tpu.pipeline_mode<synchronous>, transform_indices = @transform_9, window_bounds = array<i64: 128, 32>}, {pipeline_mode = #tpu.pipeline_mode<synchronous>, transform_indices = @transform_10, window_bounds = array<i64: 32>}, {pipeline_mode = #tpu.pipeline_mode<synchronous>, transform_indices = @transform_11, window_bounds = array<i64: 128, 32>}, {pipeline_mode = #tpu.pipeline_mode<synchronous>, transform_indices = @transform_12, window_bounds = array<i64: 32>}, {pipeline_mode = #tpu.pipeline_mode<synchronous>, transform_indices = @transform_13, window_bounds = array<i64: 128, 32>}, {pipeline_mode = #tpu.pipeline_mode<synchronous>, transform_indices = @transform_14, window_bounds = array<i64: 32>}, {pipeline_mode = #tpu.pipeline_mode<synchronous>, transform_indices = @transform_15, window_bounds = array<i64: 32, 32>}, {pipeline_mode = #tpu.pipeline_mode<synchronous>, transform_indices = @transform_16, window_bounds = array<i64: 32>}, {pipeline_mode = #tpu.pipeline_mode<synchronous>, transform_indices = @transform_17, window_bounds = array<i64: 36, 32>}, {pipeline_mode = #tpu.pipeline_mode<synchronous>, transform_indices = @transform_18, window_bounds = array<i64: 32>}, {pipeline_mode = #tpu.pipeline_mode<synchronous>, transform_indices = @transform_19, window_bounds = array<i64: 32, 5>}, {pipeline_mode = #tpu.pipeline_mode<synchronous>, transform_indices = @transform_20, window_bounds = array<i64: 5>}, {transform_indices = @transform_21, window_bounds = array<i64: 1280, 32>}, {transform_indices = @transform_22, window_bounds = array<i64: 1280, 32>}, {transform_indices = @transform_23, window_bounds = array<i64: 1280, 32>}, {transform_indices = @transform_24, window_bounds = array<i64: 1280, 32>}, {transform_indices = @transform_25, window_bounds = array<i64: 1280, 3>}, {transform_indices = @transform_26, window_bounds = array<i64: 1280, 12>}, {transform_indices = @transform_27, window_bounds = array<i64: 1280, 5>}]} {
    %get3A = arith.constant 0 : index
    %get3A_0 = arith.constant 0 : index
    %get3A_1 = vector.load %arg1[%get3A, %get3A_0] : memref<1280x128xf32, #tpu.memory_space<vmem>>, vector<1280x128xf32>
    %broadcast_in_dim3A = arith.constant 0.000000e+00 : f32
    %broadcast_in_dim3A_2 = vector.broadcast %broadcast_in_dim3A : f32 to vector<1280x32xf32>
    %get3A_3 = arith.constant 0 : index
    %get3A_4 = vector.load %arg9[%get3A_3] : memref<32xf32, #tpu.memory_space<vmem>>, vector<32xf32>
    %reshape3A = vector.shape_cast %get3A_4 : vector<32xf32> to vector<1x32xf32>
    %add3A = vector.broadcast %reshape3A : vector<1x32xf32> to vector<1280x32xf32>
    %add3A_5 = arith.addf %broadcast_in_dim3A_2, %add3A : vector<1280x32xf32>
    %get3A_6 = arith.constant 0 : index
    %get3A_7 = vector.load %arg11[%get3A_6] : memref<32xf32, #tpu.memory_space<vmem>>, vector<32xf32>
    %reshape3A_8 = vector.shape_cast %get3A_7 : vector<32xf32> to vector<1x32xf32>
    %add3A_9 = vector.broadcast %reshape3A_8 : vector<1x32xf32> to vector<1280x32xf32>
    %add3A_10 = arith.addf %add3A_5, %add3A_9 : vector<1280x32xf32>
    %get3A_11 = arith.constant 0 : index
    %get3A_12 = vector.load %arg13[%get3A_11] : memref<32xf32, #tpu.memory_space<vmem>>, vector<32xf32>
    %reshape3A_13 = vector.shape_cast %get3A_12 : vector<32xf32> to vector<1x32xf32>
    %add3A_14 = vector.broadcast %reshape3A_13 : vector<1x32xf32> to vector<1280x32xf32>
    %add3A_15 = arith.addf %add3A_10, %add3A_14 : vector<1280x32xf32>
    %get3A_16 = arith.constant 0 : index
    %get3A_17 = arith.constant 0 : index
    %get3A_18 = vector.load %arg2[%get3A_16, %get3A_17] : memref<1280x16xf32, #tpu.memory_space<vmem>>, vector<1280x16xf32>
    %get3A_19 = arith.constant 0 : index
    %get3A_20 = arith.constant 0 : index
    %get3A_21 = vector.load %arg3[%get3A_19, %get3A_20] : memref<1280x16xf32, #tpu.memory_space<vmem>>, vector<1280x16xf32>
    %add3A_22 = arith.addf %get3A_18, %get3A_21 : vector<1280x16xf32>
    %slice3A = vector.extract_strided_slice %add3A_22 {offsets = [0, 4], sizes = [1280, 1], strides = [1, 1]} : vector<1280x16xf32> to vector<1280x1xf32>
    %add3A_23 = arith.constant 1.000000e+00 : f32
    %add3A_24 = vector.broadcast %add3A_23 : f32 to vector<1280x1xf32>
    %add3A_25 = arith.addf %slice3A, %add3A_24 : vector<1280x1xf32>
    %rsqrt3A = math.rsqrt %add3A_25 : vector<1280x1xf32>
    %get3A_26 = arith.constant 0 : index
    %get3A_27 = arith.constant 0 : index
    %get3A_28 = vector.load %arg8[%get3A_26, %get3A_27] : memref<128x32xf32, #tpu.memory_space<vmem>>, vector<128x32xf32>
    %dot_general3A = arith.constant dense<0.000000e+00> : vector<1280x32xf32>
    %dot_general3A_29 = tpu.matmul %get3A_1, %get3A_28, %dot_general3A {dimension_numbers = #tpu.dot_dimension_numbers<[1], [0], [0], [1], [0, 0, 1, 1], [], []>, transpose_lhs_hint = false} : vector<1280x128xf32>, vector<128x32xf32>, vector<1280x32xf32> -> vector<1280x32xf32>
    %mul3A = vector.broadcast %rsqrt3A : vector<1280x1xf32> to vector<1280x32xf32>
    %mul3A_30 = arith.mulf %dot_general3A_29, %mul3A : vector<1280x32xf32>
    %swap3A = arith.constant 0 : index
    %swap3A_31 = arith.constant 0 : index
    %swap3A_32 = vector.load %arg22[%swap3A, %swap3A_31] : memref<1280x32xf32, #tpu.memory_space<vmem>>, vector<1280x32xf32>
    tpu.vector_store %arg22[%swap3A, %swap3A_31], %mul3A_30 {strides = array<i32>} : memref<1280x32xf32, #tpu.memory_space<vmem>>, vector<1280x32xf32>,
    %mul3A_33 = arith.mulf %rsqrt3A, %rsqrt3A : vector<1280x1xf32>
    %mul3A_34 = vector.broadcast %mul3A_33 : vector<1280x1xf32> to vector<1280x32xf32>
    %mul3A_35 = arith.mulf %dot_general3A_29, %mul3A_34 : vector<1280x32xf32>
    %add3A_36 = arith.addf %add3A_15, %mul3A_35 : vector<1280x32xf32>
    %slice3A_37 = vector.extract_strided_slice %add3A_22 {offsets = [0, 0], sizes = [1280, 4], strides = [1, 1]} : vector<1280x16xf32> to vector<1280x4xf32>
    %max3A = arith.constant 1.000000e+00 : f32
    %max3A_38 = vector.broadcast %max3A : f32 to vector<1280x1xf32>
    %max3A_39 = arith.maximumf %slice3A, %max3A_38 : vector<1280x1xf32>
    %div3A = vector.broadcast %max3A_39 : vector<1280x1xf32> to vector<1280x4xf32>
    %div3A_40 = arith.divf %slice3A_37, %div3A : vector<1280x4xf32>
    %get3A_41 = arith.constant 0 : index
    %get3A_42 = arith.constant 0 : index
    %get3A_43 = vector.load %arg4[%get3A_41, %get3A_42] : memref<1280x16xf32, #tpu.memory_space<vmem>>, vector<1280x16xf32>
    %get3A_44 = arith.constant 0 : index
    %get3A_45 = arith.constant 0 : index
    %get3A_46 = vector.load %arg5[%get3A_44, %get3A_45] : memref<1280x16xf32, #tpu.memory_space<vmem>>, vector<1280x16xf32>
    %add3A_47 = arith.addf %get3A_43, %get3A_46 : vector<1280x16xf32>
    %slice3A_48 = vector.extract_strided_slice %add3A_47 {offsets = [0, 4], sizes = [1280, 1], strides = [1, 1]} : vector<1280x16xf32> to vector<1280x1xf32>
    %add3A_49 = arith.constant 1.000000e+00 : f32
    %add3A_50 = vector.broadcast %add3A_49 : f32 to vector<1280x1xf32>
    %add3A_51 = arith.addf %slice3A_48, %add3A_50 : vector<1280x1xf32>
    %rsqrt3A_52 = math.rsqrt %add3A_51 : vector<1280x1xf32>
    %get3A_53 = arith.constant 0 : index
    %get3A_54 = arith.constant 0 : index
    %get3A_55 = vector.load %arg10[%get3A_53, %get3A_54] : memref<128x32xf32, #tpu.memory_space<vmem>>, vector<128x32xf32>
    %dot_general3A_56 = arith.constant dense<0.000000e+00> : vector<1280x32xf32>
    %dot_general3A_57 = tpu.matmul %get3A_1, %get3A_55, %dot_general3A_56 {dimension_numbers = #tpu.dot_dimension_numbers<[1], [0], [0], [1], [0, 0, 1, 1], [], []>, transpose_lhs_hint = false} : vector<1280x128xf32>, vector<128x32xf32>, vector<1280x32xf32> -> vector<1280x32xf32>
    %mul3A_58 = vector.broadcast %rsqrt3A_52 : vector<1280x1xf32> to vector<1280x32xf32>
    %mul3A_59 = arith.mulf %dot_general3A_57, %mul3A_58 : vector<1280x32xf32>
    %swap3A_60 = arith.constant 0 : index
    %swap3A_61 = arith.constant 0 : index
    %swap3A_62 = vector.load %arg23[%swap3A_60, %swap3A_61] : memref<1280x32xf32, #tpu.memory_space<vmem>>, vector<1280x32xf32>
    tpu.vector_store %arg23[%swap3A_60, %swap3A_61], %mul3A_59 {strides = array<i32>} : memref<1280x32xf32, #tpu.memory_space<vmem>>, vector<1280x32xf32>,
    %mul3A_63 = arith.mulf %rsqrt3A_52, %rsqrt3A_52 : vector<1280x1xf32>
    %mul3A_64 = vector.broadcast %mul3A_63 : vector<1280x1xf32> to vector<1280x32xf32>
    %mul3A_65 = arith.mulf %dot_general3A_57, %mul3A_64 : vector<1280x32xf32>
    %add3A_66 = arith.addf %add3A_36, %mul3A_65 : vector<1280x32xf32>
    %slice3A_67 = vector.extract_strided_slice %add3A_47 {offsets = [0, 0], sizes = [1280, 4], strides = [1, 1]} : vector<1280x16xf32> to vector<1280x4xf32>
    %max3A_68 = arith.constant 1.000000e+00 : f32
    %max3A_69 = vector.broadcast %max3A_68 : f32 to vector<1280x1xf32>
    %max3A_70 = arith.maximumf %slice3A_48, %max3A_69 : vector<1280x1xf32>
    %div3A_71 = vector.broadcast %max3A_70 : vector<1280x1xf32> to vector<1280x4xf32>
    %div3A_72 = arith.divf %slice3A_67, %div3A_71 : vector<1280x4xf32>
    %get3A_73 = arith.constant 0 : index
    %get3A_74 = arith.constant 0 : index
    %get3A_75 = vector.load %arg6[%get3A_73, %get3A_74] : memref<1280x16xf32, #tpu.memory_space<vmem>>, vector<1280x16xf32>
    %get3A_76 = arith.constant 0 : index
    %get3A_77 = arith.constant 0 : index
    %get3A_78 = vector.load %arg7[%get3A_76, %get3A_77] : memref<1280x16xf32, #tpu.memory_space<vmem>>, vector<1280x16xf32>
    %add3A_79 = arith.addf %get3A_75, %get3A_78 : vector<1280x16xf32>
    %slice3A_80 = vector.extract_strided_slice %add3A_79 {offsets = [0, 4], sizes = [1280, 1], strides = [1, 1]} : vector<1280x16xf32> to vector<1280x1xf32>
    %add3A_81 = arith.constant 1.000000e+00 : f32
    %add3A_82 = vector.broadcast %add3A_81 : f32 to vector<1280x1xf32>
    %add3A_83 = arith.addf %slice3A_80, %add3A_82 : vector<1280x1xf32>
    %rsqrt3A_84 = math.rsqrt %add3A_83 : vector<1280x1xf32>
    %get3A_85 = arith.constant 0 : index
    %get3A_86 = arith.constant 0 : index
    %get3A_87 = vector.load %arg12[%get3A_85, %get3A_86] : memref<128x32xf32, #tpu.memory_space<vmem>>, vector<128x32xf32>
    %dot_general3A_88 = arith.constant dense<0.000000e+00> : vector<1280x32xf32>
    %dot_general3A_89 = tpu.matmul %get3A_1, %get3A_87, %dot_general3A_88 {dimension_numbers = #tpu.dot_dimension_numbers<[1], [0], [0], [1], [0, 0, 1, 1], [], []>, transpose_lhs_hint = false} : vector<1280x128xf32>, vector<128x32xf32>, vector<1280x32xf32> -> vector<1280x32xf32>
    %mul3A_90 = vector.broadcast %rsqrt3A_84 : vector<1280x1xf32> to vector<1280x32xf32>
    %mul3A_91 = arith.mulf %dot_general3A_89, %mul3A_90 : vector<1280x32xf32>
    %swap3A_92 = arith.constant 0 : index
    %swap3A_93 = arith.constant 0 : index
    %swap3A_94 = vector.load %arg24[%swap3A_92, %swap3A_93] : memref<1280x32xf32, #tpu.memory_space<vmem>>, vector<1280x32xf32>
    tpu.vector_store %arg24[%swap3A_92, %swap3A_93], %mul3A_91 {strides = array<i32>} : memref<1280x32xf32, #tpu.memory_space<vmem>>, vector<1280x32xf32>,
    %mul3A_95 = arith.mulf %rsqrt3A_84, %rsqrt3A_84 : vector<1280x1xf32>
    %mul3A_96 = vector.broadcast %mul3A_95 : vector<1280x1xf32> to vector<1280x32xf32>
    %mul3A_97 = arith.mulf %dot_general3A_89, %mul3A_96 : vector<1280x32xf32>
    %add3A_98 = arith.addf %add3A_66, %mul3A_97 : vector<1280x32xf32>
    %slice3A_99 = vector.extract_strided_slice %add3A_79 {offsets = [0, 0], sizes = [1280, 4], strides = [1, 1]} : vector<1280x16xf32> to vector<1280x4xf32>
    %max3A_100 = arith.constant 1.000000e+00 : f32
    %max3A_101 = vector.broadcast %max3A_100 : f32 to vector<1280x1xf32>
    %max3A_102 = arith.maximumf %slice3A_80, %max3A_101 : vector<1280x1xf32>
    %div3A_103 = vector.broadcast %max3A_102 : vector<1280x1xf32> to vector<1280x4xf32>
    %div3A_104 = arith.divf %slice3A_99, %div3A_103 : vector<1280x4xf32>
    %swap3A_105 = arith.constant 0 : index
    %swap3A_106 = arith.constant 0 : index
    %swap3A_107 = vector.load %arg25[%swap3A_105, %swap3A_106] : memref<1280x32xf32, #tpu.memory_space<vmem>>, vector<1280x32xf32>
    tpu.vector_store %arg25[%swap3A_105, %swap3A_106], %add3A_98 {strides = array<i32>} : memref<1280x32xf32, #tpu.memory_space<vmem>>, vector<1280x32xf32>,
    %concatenate3A = tpu.concatenate %rsqrt3A, %rsqrt3A_52, %rsqrt3A_84 in 1 : vector<1280x1xf32>, vector<1280x1xf32>, vector<1280x1xf32> -> vector<1280x3xf32>
    %swap3A_108 = arith.constant 0 : index
    %swap3A_109 = arith.constant 0 : index
    %swap3A_110 = vector.load %arg26[%swap3A_108, %swap3A_109] : memref<1280x3xf32, #tpu.memory_space<vmem>>, vector<1280x3xf32>
    tpu.vector_store %arg26[%swap3A_108, %swap3A_109], %concatenate3A {strides = array<i32>} : memref<1280x3xf32, #tpu.memory_space<vmem>>, vector<1280x3xf32>,
    %concatenate3A_111 = tpu.concatenate %div3A_40, %div3A_72, %div3A_104 in 1 : vector<1280x4xf32>, vector<1280x4xf32>, vector<1280x4xf32> -> vector<1280x12xf32>
    %swap3A_112 = arith.constant 0 : index
    %swap3A_113 = arith.constant 0 : index
    %swap3A_114 = vector.load %arg27[%swap3A_112, %swap3A_113] : memref<1280x12xf32, #tpu.memory_space<vmem>>, vector<1280x12xf32>
    tpu.vector_store %arg27[%swap3A_112, %swap3A_113], %concatenate3A_111 {strides = array<i32>} : memref<1280x12xf32, #tpu.memory_space<vmem>>, vector<1280x12xf32>,
    %slice3A_115 = vector.extract_strided_slice %get3A_1 {offsets = [0, 0], sizes = [1280, 4], strides = [1, 1]} : vector<1280x128xf32> to vector<1280x4xf32>
    %get3A_116 = arith.constant 0 : index
    %get3A_117 = arith.constant 0 : index
    %get3A_118 = vector.load %arg14[%get3A_116, %get3A_117] : memref<128x32xf32, #tpu.memory_space<vmem>>, vector<128x32xf32>
    %dot_general3A_119 = arith.constant dense<0.000000e+00> : vector<1280x32xf32>
    %dot_general3A_120 = tpu.matmul %get3A_1, %get3A_118, %dot_general3A_119 {dimension_numbers = #tpu.dot_dimension_numbers<[1], [0], [0], [1], [0, 0, 1, 1], [], []>, transpose_lhs_hint = false} : vector<1280x128xf32>, vector<128x32xf32>, vector<1280x32xf32> -> vector<1280x32xf32>
    %get3A_121 = arith.constant 0 : index
    %get3A_122 = vector.load %arg15[%get3A_121] : memref<32xf32, #tpu.memory_space<vmem>>, vector<32xf32>
    %reshape3A_123 = vector.shape_cast %get3A_122 : vector<32xf32> to vector<1x32xf32>
    %add3A_124 = vector.broadcast %reshape3A_123 : vector<1x32xf32> to vector<1280x32xf32>
    %add3A_125 = arith.addf %dot_general3A_120, %add3A_124 : vector<1280x32xf32>
    %gt3A = arith.constant 0.000000e+00 : f32
    %gt3A_126 = vector.broadcast %gt3A : f32 to vector<1280x32xf32>
    %gt3A_127 = arith.cmpf ogt, %add3A_125, %gt3A_126 : vector<1280x32xf32>
    %exp3A = math.exp %add3A_125 : vector<1280x32xf32>
    %sub3A = arith.constant 1.000000e+00 : f32
    %sub3A_128 = vector.broadcast %sub3A : f32 to vector<1280x32xf32>
    %sub3A_129 = arith.subf %exp3A, %sub3A_128 : vector<1280x32xf32>
    %select_n3A = arith.select %gt3A_127, %add3A_125, %sub3A_129 : vector<1280x32xi1>, vector<1280x32xf32>
    %get3A_130 = arith.constant 0 : index
    %get3A_131 = arith.constant 0 : index
    %get3A_132 = vector.load %arg16[%get3A_130, %get3A_131] : memref<32x32xf32, #tpu.memory_space<vmem>>, vector<32x32xf32>
    %dot_general3A_133 = arith.constant dense<0.000000e+00> : vector<1280x32xf32>
    %dot_general3A_134 = tpu.matmul %select_n3A, %get3A_132, %dot_general3A_133 {dimension_numbers = #tpu.dot_dimension_numbers<[1], [0], [0], [1], [0, 0, 1, 1], [], []>, transpose_lhs_hint = false} : vector<1280x32xf32>, vector<32x32xf32>, vector<1280x32xf32> -> vector<1280x32xf32>
    %get3A_135 = arith.constant 0 : index
    %get3A_136 = vector.load %arg17[%get3A_135] : memref<32xf32, #tpu.memory_space<vmem>>, vector<32xf32>
    %reshape3A_137 = vector.shape_cast %get3A_136 : vector<32xf32> to vector<1x32xf32>
    %add3A_138 = vector.broadcast %reshape3A_137 : vector<1x32xf32> to vector<1280x32xf32>
    %add3A_139 = arith.addf %dot_general3A_134, %add3A_138 : vector<1280x32xf32>
    %gt3A_140 = arith.constant 0.000000e+00 : f32
    %gt3A_141 = vector.broadcast %gt3A_140 : f32 to vector<1280x32xf32>
    %gt3A_142 = arith.cmpf ogt, %add3A_139, %gt3A_141 : vector<1280x32xf32>
    %exp3A_143 = math.exp %add3A_139 : vector<1280x32xf32>
    %sub3A_144 = arith.constant 1.000000e+00 : f32
    %sub3A_145 = vector.broadcast %sub3A_144 : f32 to vector<1280x32xf32>
    %sub3A_146 = arith.subf %exp3A_143, %sub3A_145 : vector<1280x32xf32>
    %select_n3A_147 = arith.select %gt3A_142, %add3A_139, %sub3A_146 : vector<1280x32xi1>, vector<1280x32xf32>
    %get3A_148 = arith.constant 0 : index
    %get3A_149 = arith.constant 0 : index
    %get3A_150 = vector.load %arg18[%get3A_148, %get3A_149] : memref<36x32xf32, #tpu.memory_space<vmem>>, vector<32x32xf32>
    %dot_general3A_151 = arith.constant dense<0.000000e+00> : vector<1280x32xf32>
    %dot_general3A_152 = tpu.matmul %select_n3A_147, %get3A_150, %dot_general3A_151 {dimension_numbers = #tpu.dot_dimension_numbers<[1], [0], [0], [1], [0, 0, 1, 1], [], []>, transpose_lhs_hint = false} : vector<1280x32xf32>, vector<32x32xf32>, vector<1280x32xf32> -> vector<1280x32xf32>
    %get3A_153 = arith.constant 32 : index
    %get3A_154 = arith.constant 0 : index
    %get3A_155 = vector.load %arg18[%get3A_153, %get3A_154] : memref<36x32xf32, #tpu.memory_space<vmem>>, vector<4x32xf32>
    %dot_general3A_156 = arith.constant dense<0.000000e+00> : vector<1280x32xf32>
    %dot_general3A_157 = tpu.matmul %slice3A_115, %get3A_155, %dot_general3A_156 {dimension_numbers = #tpu.dot_dimension_numbers<[1], [0], [0], [1], [0, 0, 1, 1], [], []>, transpose_lhs_hint = false} : vector<1280x4xf32>, vector<4x32xf32>, vector<1280x32xf32> -> vector<1280x32xf32>
    %add3A_158 = arith.addf %dot_general3A_152, %dot_general3A_157 : vector<1280x32xf32>
    %get3A_159 = arith.constant 0 : index
    %get3A_160 = vector.load %arg19[%get3A_159] : memref<32xf32, #tpu.memory_space<vmem>>, vector<32xf32>
    %reshape3A_161 = vector.shape_cast %get3A_160 : vector<32xf32> to vector<1x32xf32>
    %add3A_162 = vector.broadcast %reshape3A_161 : vector<1x32xf32> to vector<1280x32xf32>
    %add3A_163 = arith.addf %add3A_158, %add3A_162 : vector<1280x32xf32>
    %gt3A_164 = arith.constant 0.000000e+00 : f32
    %gt3A_165 = vector.broadcast %gt3A_164 : f32 to vector<1280x32xf32>
    %gt3A_166 = arith.cmpf ogt, %add3A_163, %gt3A_165 : vector<1280x32xf32>
    %exp3A_167 = math.exp %add3A_163 : vector<1280x32xf32>
    %sub3A_168 = arith.constant 1.000000e+00 : f32
    %sub3A_169 = vector.broadcast %sub3A_168 : f32 to vector<1280x32xf32>
    %sub3A_170 = arith.subf %exp3A_167, %sub3A_169 : vector<1280x32xf32>
    %select_n3A_171 = arith.select %gt3A_166, %add3A_163, %sub3A_170 : vector<1280x32xi1>, vector<1280x32xf32>
    %get3A_172 = arith.constant 0 : index
    %get3A_173 = arith.constant 0 : index
    %get3A_174 = vector.load %arg20[%get3A_172, %get3A_173] : memref<32x5xf32, #tpu.memory_space<vmem>>, vector<32x5xf32>
    %dot_general3A_175 = arith.constant dense<0.000000e+00> : vector<1280x5xf32>
    %dot_general3A_176 = tpu.matmul %select_n3A_171, %get3A_174, %dot_general3A_175 {dimension_numbers = #tpu.dot_dimension_numbers<[1], [0], [0], [1], [0, 0, 1, 1], [], []>, transpose_lhs_hint = false} : vector<1280x32xf32>, vector<32x5xf32>, vector<1280x5xf32> -> vector<1280x5xf32>
    %get3A_177 = arith.constant 0 : index
    %get3A_178 = vector.load %arg21[%get3A_177] : memref<5xf32, #tpu.memory_space<vmem>>, vector<5xf32>
    %reshape3A_179 = vector.shape_cast %get3A_178 : vector<5xf32> to vector<1x5xf32>
    %add3A_180 = vector.broadcast %reshape3A_179 : vector<1x5xf32> to vector<1280x5xf32>
    %add3A_181 = arith.addf %dot_general3A_176, %add3A_180 : vector<1280x5xf32>
    %reduce_max3A = arith.constant dense<0xFF800000> : vector<1280xf32>
    %reduce_max3A_182 = vector.multi_reduction <maximumf>, %add3A_181, %reduce_max3A [1] : vector<1280x5xf32> to vector<1280xf32>
    %broadcast_in_dim3A_183 = vector.shape_cast %reduce_max3A_182 : vector<1280xf32> to vector<1280x1xf32>
    %sub3A_184 = vector.broadcast %broadcast_in_dim3A_183 : vector<1280x1xf32> to vector<1280x5xf32>
    %sub3A_185 = arith.subf %add3A_181, %sub3A_184 : vector<1280x5xf32>
    %exp3A_186 = math.exp %sub3A_185 : vector<1280x5xf32>
    %reduce_sum3A = arith.constant dense<0.000000e+00> : vector<1280xf32>
    %reduce_sum3A_187 = vector.multi_reduction <add>, %exp3A_186, %reduce_sum3A [1] : vector<1280x5xf32> to vector<1280xf32>
    %broadcast_in_dim3A_188 = vector.shape_cast %reduce_sum3A_187 : vector<1280xf32> to vector<1280x1xf32>
    %div3A_189 = vector.broadcast %broadcast_in_dim3A_188 : vector<1280x1xf32> to vector<1280x5xf32>
    %div3A_190 = arith.divf %exp3A_186, %div3A_189 : vector<1280x5xf32>
    %swap3A_191 = arith.constant 0 : index
    %swap3A_192 = arith.constant 0 : index
    %swap3A_193 = vector.load %arg28[%swap3A_191, %swap3A_192] : memref<1280x5xf32, #tpu.memory_space<vmem>>, vector<1280x5xf32>
    tpu.vector_store %arg28[%swap3A_191, %swap3A_192], %div3A_190 {strides = array<i32>} : memref<1280x5xf32, #tpu.memory_space<vmem>>, vector<1280x5xf32>,
    return
  }
  func.func @transform_0(%arg0: i32) -> (i32, i32) {
    %c0_i32 = arith.constant 0 : i32
    %c0_i32_0 = arith.constant 0 : i32
    return %arg0, %c0_i32 : i32, i32
  }
  func.func @transform_1(%arg0: i32) -> (i32, i32) {
    %c0_i32 = arith.constant 0 : i32
    %c0_i32_0 = arith.constant 0 : i32
    return %arg0, %c0_i32 : i32, i32
  }
  func.func @transform_2(%arg0: i32) -> (i32, i32) {
    %c0_i32 = arith.constant 0 : i32
    %c0_i32_0 = arith.constant 0 : i32
    return %arg0, %c0_i32 : i32, i32
  }
  func.func @transform_3(%arg0: i32) -> (i32, i32) {
    %c0_i32 = arith.constant 0 : i32
    %c0_i32_0 = arith.constant 0 : i32
    return %arg0, %c0_i32 : i32, i32
  }
  func.func @transform_4(%arg0: i32) -> (i32, i32) {
    %c0_i32 = arith.constant 0 : i32
    %c0_i32_0 = arith.constant 0 : i32
    return %arg0, %c0_i32 : i32, i32
  }
  func.func @transform_5(%arg0: i32) -> (i32, i32) {
    %c0_i32 = arith.constant 0 : i32
    %c0_i32_0 = arith.constant 0 : i32
    return %arg0, %c0_i32 : i32, i32
  }
  func.func @transform_6(%arg0: i32) -> (i32, i32) {
    %c0_i32 = arith.constant 0 : i32
    %c0_i32_0 = arith.constant 0 : i32
    return %arg0, %c0_i32 : i32, i32
  }
  func.func @transform_7(%arg0: i32) -> (i32, i32) {
    %c0_i32 = arith.constant 0 : i32
    %c0_i32_0 = arith.constant 0 : i32
    %c0_i32_1 = arith.constant 0 : i32
    return %c0_i32, %c0_i32_0 : i32, i32
  }
  func.func @transform_8(%arg0: i32) -> i32 {
    %c0_i32 = arith.constant 0 : i32
    %c0_i32_0 = arith.constant 0 : i32
    return %c0_i32 : i32
  }
  func.func @transform_9(%arg0: i32) -> (i32, i32) {
    %c0_i32 = arith.constant 0 : i32
    %c0_i32_0 = arith.constant 0 : i32
    %c0_i32_1 = arith.constant 0 : i32
    return %c0_i32, %c0_i32_0 : i32, i32
  }
  func.func @transform_10(%arg0: i32) -> i32 {
    %c0_i32 = arith.constant 0 : i32
    %c0_i32_0 = arith.constant 0 : i32
    return %c0_i32 : i32
  }
  func.func @transform_11(%arg0: i32) -> (i32, i32) {
    %c0_i32 = arith.constant 0 : i32
    %c0_i32_0 = arith.constant 0 : i32
    %c0_i32_1 = arith.constant 0 : i32
    return %c0_i32, %c0_i32_0 : i32, i32
  }
  func.func @transform_12(%arg0: i32) -> i32 {
    %c0_i32 = arith.constant 0 : i32
    %c0_i32_0 = arith.constant 0 : i32
    return %c0_i32 : i32
  }
  func.func @transform_13(%arg0: i32) -> (i32, i32) {
    %c0_i32 = arith.constant 0 : i32
    %c0_i32_0 = arith.constant 0 : i32
    %c0_i32_1 = arith.constant 0 : i32
    return %c0_i32, %c0_i32_0 : i32, i32
  }
  func.func @transform_14(%arg0: i32) -> i32 {
    %c0_i32 = arith.constant 0 : i32
    %c0_i32_0 = arith.constant 0 : i32
    return %c0_i32 : i32
  }
  func.func @transform_15(%arg0: i32) -> (i32, i32) {
    %c0_i32 = arith.constant 0 : i32
    %c0_i32_0 = arith.constant 0 : i32
    %c0_i32_1 = arith.constant 0 : i32
    return %c0_i32, %c0_i32_0 : i32, i32
  }
  func.func @transform_16(%arg0: i32) -> i32 {
    %c0_i32 = arith.constant 0 : i32
    %c0_i32_0 = arith.constant 0 : i32
    return %c0_i32 : i32
  }
  func.func @transform_17(%arg0: i32) -> (i32, i32) {
    %c0_i32 = arith.constant 0 : i32
    %c0_i32_0 = arith.constant 0 : i32
    %c0_i32_1 = arith.constant 0 : i32
    return %c0_i32, %c0_i32_0 : i32, i32
  }
  func.func @transform_18(%arg0: i32) -> i32 {
    %c0_i32 = arith.constant 0 : i32
    %c0_i32_0 = arith.constant 0 : i32
    return %c0_i32 : i32
  }
  func.func @transform_19(%arg0: i32) -> (i32, i32) {
    %c0_i32 = arith.constant 0 : i32
    %c0_i32_0 = arith.constant 0 : i32
    %c0_i32_1 = arith.constant 0 : i32
    return %c0_i32, %c0_i32_0 : i32, i32
  }
  func.func @transform_20(%arg0: i32) -> i32 {
    %c0_i32 = arith.constant 0 : i32
    %c0_i32_0 = arith.constant 0 : i32
    return %c0_i32 : i32
  }
  func.func @transform_21(%arg0: i32) -> (i32, i32) {
    %c0_i32 = arith.constant 0 : i32
    %c0_i32_0 = arith.constant 0 : i32
    return %arg0, %c0_i32 : i32, i32
  }
  func.func @transform_22(%arg0: i32) -> (i32, i32) {
    %c0_i32 = arith.constant 0 : i32
    %c0_i32_0 = arith.constant 0 : i32
    return %arg0, %c0_i32 : i32, i32
  }
  func.func @transform_23(%arg0: i32) -> (i32, i32) {
    %c0_i32 = arith.constant 0 : i32
    %c0_i32_0 = arith.constant 0 : i32
    return %arg0, %c0_i32 : i32, i32
  }
  func.func @transform_24(%arg0: i32) -> (i32, i32) {
    %c0_i32 = arith.constant 0 : i32
    %c0_i32_0 = arith.constant 0 : i32
    return %arg0, %c0_i32 : i32, i32
  }
  func.func @transform_25(%arg0: i32) -> (i32, i32) {
    %c0_i32 = arith.constant 0 : i32
    %c0_i32_0 = arith.constant 0 : i32
    return %arg0, %c0_i32 : i32, i32
  }
  func.func @transform_26(%arg0: i32) -> (i32, i32) {
    %c0_i32 = arith.constant 0 : i32
    %c0_i32_0 = arith.constant 0 : i32
    return %arg0, %c0_i32 : i32, i32
  }
  func.func @transform_27(%arg0: i32) -> (i32, i32) {
    %c0_i32 = arith.constant 0 : i32
    %c0_i32_0 = arith.constant 0 : i32
    return %arg0, %c0_i32 : i32, i32
  }
}

module attributes {stable_mosaic.version = 14 : i64} {
  func.func @_tc2_body(%arg0: i32, %arg1: memref<1280x32xf32, #tpu.memory_space<vmem>>, %arg2: memref<1280x32xf32, #tpu.memory_space<vmem>>, %arg3: memref<1280x32xf32, #tpu.memory_space<vmem>>, %arg4: memref<1280x32xf32, #tpu.memory_space<vmem>>, %arg5: memref<1280x32xf32, #tpu.memory_space<vmem>>, %arg6: memref<1280x32xf32, #tpu.memory_space<vmem>>, %arg7: memref<1280x32xf32, #tpu.memory_space<vmem>>, %arg8: memref<1280x3xf32, #tpu.memory_space<vmem>>, %arg9: memref<32x32xf32, #tpu.memory_space<vmem>>, %arg10: memref<32xf32, #tpu.memory_space<vmem>>, %arg11: memref<32xf32, #tpu.memory_space<vmem>>, %arg12: memref<1280x32xf32, #tpu.memory_space<vmem>>, %arg13: memref<1280x32xf32, #tpu.memory_space<vmem>>) attributes {dimension_semantics = [#tpu.dimension_semantics<arbitrary>], iteration_bounds = array<i64: 8>, scalar_prefetch = 0 : i64, scratch_operands = 0 : i64, tpu.core_type = #tpu.core_type<tc>, window_params = [{transform_indices = @transform_0, window_bounds = array<i64: 1280, 32>}, {transform_indices = @transform_1, window_bounds = array<i64: 1280, 32>}, {transform_indices = @transform_2, window_bounds = array<i64: 1280, 32>}, {transform_indices = @transform_3, window_bounds = array<i64: 1280, 32>}, {transform_indices = @transform_4, window_bounds = array<i64: 1280, 32>}, {transform_indices = @transform_5, window_bounds = array<i64: 1280, 32>}, {transform_indices = @transform_6, window_bounds = array<i64: 1280, 32>}, {transform_indices = @transform_7, window_bounds = array<i64: 1280, 3>}, {pipeline_mode = #tpu.pipeline_mode<synchronous>, transform_indices = @transform_8, window_bounds = array<i64: 32, 32>}, {pipeline_mode = #tpu.pipeline_mode<synchronous>, transform_indices = @transform_9, window_bounds = array<i64: 32>}, {pipeline_mode = #tpu.pipeline_mode<synchronous>, transform_indices = @transform_10, window_bounds = array<i64: 32>}, {transform_indices = @transform_11, window_bounds = array<i64: 1280, 32>}, {transform_indices = @transform_12, window_bounds = array<i64: 1280, 32>}]} {
    %get3A = arith.constant 0 : index
    %get3A_0 = arith.constant 0 : index
    %get3A_1 = vector.load %arg7[%get3A, %get3A_0] : memref<1280x32xf32, #tpu.memory_space<vmem>>, vector<1280x32xf32>
    %get3A_2 = arith.constant 0 : index
    %get3A_3 = arith.constant 0 : index
    %get3A_4 = vector.load %arg1[%get3A_2, %get3A_3] : memref<1280x32xf32, #tpu.memory_space<vmem>>, vector<1280x32xf32>
    %get3A_5 = arith.constant 0 : index
    %get3A_6 = arith.constant 0 : index
    %get3A_7 = vector.load %arg2[%get3A_5, %get3A_6] : memref<1280x32xf32, #tpu.memory_space<vmem>>, vector<1280x32xf32>
    %add3A = arith.addf %get3A_4, %get3A_7 : vector<1280x32xf32>
    %get3A_8 = arith.constant 0 : index
    %get3A_9 = arith.constant 0 : index
    %get3A_10 = vector.load %arg8[%get3A_8, %get3A_9] : memref<1280x3xf32, #tpu.memory_space<vmem>>, vector<1280x1xf32>
    %mul3A = vector.broadcast %get3A_10 : vector<1280x1xf32> to vector<1280x32xf32>
    %mul3A_11 = arith.mulf %add3A, %mul3A : vector<1280x32xf32>
    %add3A_12 = arith.addf %get3A_1, %mul3A_11 : vector<1280x32xf32>
    %get3A_13 = arith.constant 0 : index
    %get3A_14 = arith.constant 0 : index
    %get3A_15 = vector.load %arg3[%get3A_13, %get3A_14] : memref<1280x32xf32, #tpu.memory_space<vmem>>, vector<1280x32xf32>
    %get3A_16 = arith.constant 0 : index
    %get3A_17 = arith.constant 0 : index
    %get3A_18 = vector.load %arg4[%get3A_16, %get3A_17] : memref<1280x32xf32, #tpu.memory_space<vmem>>, vector<1280x32xf32>
    %add3A_19 = arith.addf %get3A_15, %get3A_18 : vector<1280x32xf32>
    %get3A_20 = arith.constant 0 : index
    %get3A_21 = arith.constant 1 : index
    %get3A_22 = vector.load %arg8[%get3A_20, %get3A_21] : memref<1280x3xf32, #tpu.memory_space<vmem>>, vector<1280x1xf32>
    %mul3A_23 = vector.broadcast %get3A_22 : vector<1280x1xf32> to vector<1280x32xf32>
    %mul3A_24 = arith.mulf %add3A_19, %mul3A_23 : vector<1280x32xf32>
    %add3A_25 = arith.addf %add3A_12, %mul3A_24 : vector<1280x32xf32>
    %get3A_26 = arith.constant 0 : index
    %get3A_27 = arith.constant 0 : index
    %get3A_28 = vector.load %arg5[%get3A_26, %get3A_27] : memref<1280x32xf32, #tpu.memory_space<vmem>>, vector<1280x32xf32>
    %get3A_29 = arith.constant 0 : index
    %get3A_30 = arith.constant 0 : index
    %get3A_31 = vector.load %arg6[%get3A_29, %get3A_30] : memref<1280x32xf32, #tpu.memory_space<vmem>>, vector<1280x32xf32>
    %add3A_32 = arith.addf %get3A_28, %get3A_31 : vector<1280x32xf32>
    %get3A_33 = arith.constant 0 : index
    %get3A_34 = arith.constant 2 : index
    %get3A_35 = vector.load %arg8[%get3A_33, %get3A_34] : memref<1280x3xf32, #tpu.memory_space<vmem>>, vector<1280x1xf32>
    %mul3A_36 = vector.broadcast %get3A_35 : vector<1280x1xf32> to vector<1280x32xf32>
    %mul3A_37 = arith.mulf %add3A_32, %mul3A_36 : vector<1280x32xf32>
    %add3A_38 = arith.addf %add3A_25, %mul3A_37 : vector<1280x32xf32>
    %get3A_39 = arith.constant 0 : index
    %get3A_40 = vector.load %arg10[%get3A_39] : memref<32xf32, #tpu.memory_space<vmem>>, vector<32xf32>
    %reshape3A = vector.shape_cast %get3A_40 : vector<32xf32> to vector<1x32xf32>
    %get3A_41 = arith.constant 0 : index
    %get3A_42 = vector.load %arg11[%get3A_41] : memref<32xf32, #tpu.memory_space<vmem>>, vector<32xf32>
    %reshape3A_43 = vector.shape_cast %get3A_42 : vector<32xf32> to vector<1x32xf32>
    %reduce_sum3A = arith.constant dense<0.000000e+00> : vector<1280xf32>
    %reduce_sum3A_44 = vector.multi_reduction <add>, %add3A_38, %reduce_sum3A [1] : vector<1280x32xf32> to vector<1280xf32>
    %broadcast_in_dim3A = vector.shape_cast %reduce_sum3A_44 : vector<1280xf32> to vector<1280x1xf32>
    %div3A = arith.constant 3.200000e+01 : f32
    %div3A_45 = vector.broadcast %div3A : f32 to vector<1280x1xf32>
    %div3A_46 = arith.divf %broadcast_in_dim3A, %div3A_45 : vector<1280x1xf32>
    %sub3A = vector.broadcast %div3A_46 : vector<1280x1xf32> to vector<1280x32xf32>
    %sub3A_47 = arith.subf %add3A_38, %sub3A : vector<1280x32xf32>
    %integer_pow3A = arith.mulf %sub3A_47, %sub3A_47 : vector<1280x32xf32>
    %reduce_sum3A_48 = arith.constant dense<0.000000e+00> : vector<1280xf32>
    %reduce_sum3A_49 = vector.multi_reduction <add>, %integer_pow3A, %reduce_sum3A_48 [1] : vector<1280x32xf32> to vector<1280xf32>
    %broadcast_in_dim3A_50 = vector.shape_cast %reduce_sum3A_49 : vector<1280xf32> to vector<1280x1xf32>
    %div3A_51 = arith.constant 3.200000e+01 : f32
    %div3A_52 = vector.broadcast %div3A_51 : f32 to vector<1280x1xf32>
    %div3A_53 = arith.divf %broadcast_in_dim3A_50, %div3A_52 : vector<1280x1xf32>
    %sub3A_54 = vector.broadcast %div3A_46 : vector<1280x1xf32> to vector<1280x32xf32>
    %sub3A_55 = arith.subf %add3A_38, %sub3A_54 : vector<1280x32xf32>
    %add3A_56 = arith.constant 9.99999974E-6 : f32
    %add3A_57 = vector.broadcast %add3A_56 : f32 to vector<1280x1xf32>
    %add3A_58 = arith.addf %div3A_53, %add3A_57 : vector<1280x1xf32>
    %rsqrt3A = math.rsqrt %add3A_58 : vector<1280x1xf32>
    %mul3A_59 = vector.broadcast %rsqrt3A : vector<1280x1xf32> to vector<1280x32xf32>
    %mul3A_60 = arith.mulf %sub3A_55, %mul3A_59 : vector<1280x32xf32>
    %mul3A_61 = vector.broadcast %reshape3A : vector<1x32xf32> to vector<1280x32xf32>
    %mul3A_62 = arith.mulf %mul3A_60, %mul3A_61 : vector<1280x32xf32>
    %add3A_63 = vector.broadcast %reshape3A_43 : vector<1x32xf32> to vector<1280x32xf32>
    %add3A_64 = arith.addf %mul3A_62, %add3A_63 : vector<1280x32xf32>
    %gt3A = arith.constant 0.000000e+00 : f32
    %gt3A_65 = vector.broadcast %gt3A : f32 to vector<1280x32xf32>
    %gt3A_66 = arith.cmpf ogt, %add3A_64, %gt3A_65 : vector<1280x32xf32>
    %exp3A = math.exp %add3A_64 : vector<1280x32xf32>
    %sub3A_67 = arith.constant 1.000000e+00 : f32
    %sub3A_68 = vector.broadcast %sub3A_67 : f32 to vector<1280x32xf32>
    %sub3A_69 = arith.subf %exp3A, %sub3A_68 : vector<1280x32xf32>
    %select_n3A = arith.select %gt3A_66, %add3A_64, %sub3A_69 : vector<1280x32xi1>, vector<1280x32xf32>
    %get3A_70 = arith.constant 0 : index
    %get3A_71 = arith.constant 0 : index
    %get3A_72 = vector.load %arg9[%get3A_70, %get3A_71] : memref<32x32xf32, #tpu.memory_space<vmem>>, vector<32x32xf32>
    %dot_general3A = arith.constant dense<0.000000e+00> : vector<1280x32xf32>
    %dot_general3A_73 = tpu.matmul %select_n3A, %get3A_72, %dot_general3A {dimension_numbers = #tpu.dot_dimension_numbers<[1], [0], [0], [1], [0, 0, 1, 1], [], []>, transpose_lhs_hint = false} : vector<1280x32xf32>, vector<32x32xf32>, vector<1280x32xf32> -> vector<1280x32xf32>
    %swap3A = arith.constant 0 : index
    %swap3A_74 = arith.constant 0 : index
    %swap3A_75 = vector.load %arg13[%swap3A, %swap3A_74] : memref<1280x32xf32, #tpu.memory_space<vmem>>, vector<1280x32xf32>
    tpu.vector_store %arg13[%swap3A, %swap3A_74], %dot_general3A_73 {strides = array<i32>} : memref<1280x32xf32, #tpu.memory_space<vmem>>, vector<1280x32xf32>,
    %get3A_76 = arith.constant 0 : index
    %get3A_77 = arith.constant 0 : index
    %get3A_78 = vector.load %arg8[%get3A_76, %get3A_77] : memref<1280x3xf32, #tpu.memory_space<vmem>>, vector<1280x1xf32>
    %mul3A_79 = vector.broadcast %get3A_78 : vector<1280x1xf32> to vector<1280x32xf32>
    %mul3A_80 = arith.mulf %dot_general3A_73, %mul3A_79 : vector<1280x32xf32>
    %swap3A_81 = arith.constant 0 : index
    %swap3A_82 = arith.constant 0 : index
    %swap3A_83 = vector.load %arg12[%swap3A_81, %swap3A_82] : memref<1280x32xf32, #tpu.memory_space<vmem>>, vector<1280x32xf32>
    tpu.vector_store %arg12[%swap3A_81, %swap3A_82], %mul3A_80 {strides = array<i32>} : memref<1280x32xf32, #tpu.memory_space<vmem>>, vector<1280x32xf32>,
    return
  }
  func.func @transform_0(%arg0: i32) -> (i32, i32) {
    %c0_i32 = arith.constant 0 : i32
    %c0_i32_0 = arith.constant 0 : i32
    return %arg0, %c0_i32 : i32, i32
  }
  func.func @transform_1(%arg0: i32) -> (i32, i32) {
    %c0_i32 = arith.constant 0 : i32
    %c0_i32_0 = arith.constant 0 : i32
    return %arg0, %c0_i32 : i32, i32
  }
  func.func @transform_2(%arg0: i32) -> (i32, i32) {
    %c0_i32 = arith.constant 0 : i32
    %c0_i32_0 = arith.constant 0 : i32
    return %arg0, %c0_i32 : i32, i32
  }
  func.func @transform_3(%arg0: i32) -> (i32, i32) {
    %c0_i32 = arith.constant 0 : i32
    %c0_i32_0 = arith.constant 0 : i32
    return %arg0, %c0_i32 : i32, i32
  }
  func.func @transform_4(%arg0: i32) -> (i32, i32) {
    %c0_i32 = arith.constant 0 : i32
    %c0_i32_0 = arith.constant 0 : i32
    return %arg0, %c0_i32 : i32, i32
  }
  func.func @transform_5(%arg0: i32) -> (i32, i32) {
    %c0_i32 = arith.constant 0 : i32
    %c0_i32_0 = arith.constant 0 : i32
    return %arg0, %c0_i32 : i32, i32
  }
  func.func @transform_6(%arg0: i32) -> (i32, i32) {
    %c0_i32 = arith.constant 0 : i32
    %c0_i32_0 = arith.constant 0 : i32
    return %arg0, %c0_i32 : i32, i32
  }
  func.func @transform_7(%arg0: i32) -> (i32, i32) {
    %c0_i32 = arith.constant 0 : i32
    %c0_i32_0 = arith.constant 0 : i32
    return %arg0, %c0_i32 : i32, i32
  }
  func.func @transform_8(%arg0: i32) -> (i32, i32) {
    %c0_i32 = arith.constant 0 : i32
    %c0_i32_0 = arith.constant 0 : i32
    %c0_i32_1 = arith.constant 0 : i32
    return %c0_i32, %c0_i32_0 : i32, i32
  }
  func.func @transform_9(%arg0: i32) -> i32 {
    %c0_i32 = arith.constant 0 : i32
    %c0_i32_0 = arith.constant 0 : i32
    return %c0_i32 : i32
  }
  func.func @transform_10(%arg0: i32) -> i32 {
    %c0_i32 = arith.constant 0 : i32
    %c0_i32_0 = arith.constant 0 : i32
    return %c0_i32 : i32
  }
  func.func @transform_11(%arg0: i32) -> (i32, i32) {
    %c0_i32 = arith.constant 0 : i32
    %c0_i32_0 = arith.constant 0 : i32
    return %arg0, %c0_i32 : i32, i32
  }
  func.func @transform_12(%arg0: i32) -> (i32, i32) {
    %c0_i32 = arith.constant 0 : i32
    %c0_i32_0 = arith.constant 0 : i32
    return %arg0, %c0_i32 : i32, i32
  }
}

module attributes {stable_mosaic.version = 14 : i64} {
  func.func @_tc3_body(%arg0: i32, %arg1: memref<1280x32xf32, #tpu.memory_space<vmem>>, %arg2: memref<1280x32xf32, #tpu.memory_space<vmem>>, %arg3: memref<1280x32xf32, #tpu.memory_space<vmem>>, %arg4: memref<1280x3xf32, #tpu.memory_space<vmem>>, %arg5: memref<32xf32, #tpu.memory_space<vmem>>, %arg6: memref<32xf32, #tpu.memory_space<vmem>>, %arg7: memref<32xf32, #tpu.memory_space<vmem>>, %arg8: memref<1280x128xf32, #tpu.memory_space<vmem>>, %arg9: memref<1280x12xf32, #tpu.memory_space<vmem>>, %arg10: memref<48x32xf32, #tpu.memory_space<vmem>>, %arg11: memref<32xf32, #tpu.memory_space<vmem>>, %arg12: memref<32x5xf32, #tpu.memory_space<vmem>>, %arg13: memref<5xf32, #tpu.memory_space<vmem>>, %arg14: memref<1280x5xf32, #tpu.memory_space<vmem>>) attributes {dimension_semantics = [#tpu.dimension_semantics<arbitrary>], iteration_bounds = array<i64: 8>, scalar_prefetch = 0 : i64, scratch_operands = 0 : i64, tpu.core_type = #tpu.core_type<tc>, window_params = [{transform_indices = @transform_0, window_bounds = array<i64: 1280, 32>}, {transform_indices = @transform_1, window_bounds = array<i64: 1280, 32>}, {transform_indices = @transform_2, window_bounds = array<i64: 1280, 32>}, {transform_indices = @transform_3, window_bounds = array<i64: 1280, 3>}, {pipeline_mode = #tpu.pipeline_mode<synchronous>, transform_indices = @transform_4, window_bounds = array<i64: 32>}, {pipeline_mode = #tpu.pipeline_mode<synchronous>, transform_indices = @transform_5, window_bounds = array<i64: 32>}, {pipeline_mode = #tpu.pipeline_mode<synchronous>, transform_indices = @transform_6, window_bounds = array<i64: 32>}, {transform_indices = @transform_7, window_bounds = array<i64: 1280, 128>}, {transform_indices = @transform_8, window_bounds = array<i64: 1280, 12>}, {pipeline_mode = #tpu.pipeline_mode<synchronous>, transform_indices = @transform_9, window_bounds = array<i64: 48, 32>}, {pipeline_mode = #tpu.pipeline_mode<synchronous>, transform_indices = @transform_10, window_bounds = array<i64: 32>}, {pipeline_mode = #tpu.pipeline_mode<synchronous>, transform_indices = @transform_11, window_bounds = array<i64: 32, 5>}, {pipeline_mode = #tpu.pipeline_mode<synchronous>, transform_indices = @transform_12, window_bounds = array<i64: 5>}, {transform_indices = @transform_13, window_bounds = array<i64: 1280, 5>}]} {
    %get3A = arith.constant 0 : index
    %get3A_0 = arith.constant 0 : index
    %get3A_1 = vector.load %arg1[%get3A, %get3A_0] : memref<1280x32xf32, #tpu.memory_space<vmem>>, vector<1280x32xf32>
    %get3A_2 = arith.constant 0 : index
    %get3A_3 = arith.constant 0 : index
    %get3A_4 = vector.load %arg2[%get3A_2, %get3A_3] : memref<1280x32xf32, #tpu.memory_space<vmem>>, vector<1280x32xf32>
    %add3A = arith.addf %get3A_1, %get3A_4 : vector<1280x32xf32>
    %get3A_5 = arith.constant 0 : index
    %get3A_6 = arith.constant 0 : index
    %get3A_7 = vector.load %arg4[%get3A_5, %get3A_6] : memref<1280x3xf32, #tpu.memory_space<vmem>>, vector<1280x1xf32>
    %mul3A = vector.broadcast %get3A_7 : vector<1280x1xf32> to vector<1280x32xf32>
    %mul3A_8 = arith.mulf %add3A, %mul3A : vector<1280x32xf32>
    %get3A_9 = arith.constant 0 : index
    %get3A_10 = arith.constant 0 : index
    %get3A_11 = vector.load %arg3[%get3A_9, %get3A_10] : memref<1280x32xf32, #tpu.memory_space<vmem>>, vector<1280x32xf32>
    %mul3A_12 = vector.broadcast %get3A_7 : vector<1280x1xf32> to vector<1280x32xf32>
    %mul3A_13 = arith.mulf %get3A_11, %mul3A_12 : vector<1280x32xf32>
    %mul3A_14 = vector.broadcast %get3A_7 : vector<1280x1xf32> to vector<1280x32xf32>
    %mul3A_15 = arith.mulf %mul3A_13, %mul3A_14 : vector<1280x32xf32>
    %add3A_16 = arith.addf %mul3A_8, %mul3A_15 : vector<1280x32xf32>
    %get3A_17 = arith.constant 0 : index
    %get3A_18 = vector.load %arg5[%get3A_17] : memref<32xf32, #tpu.memory_space<vmem>>, vector<32xf32>
    %reshape3A = vector.shape_cast %get3A_18 : vector<32xf32> to vector<1x32xf32>
    %add3A_19 = vector.broadcast %reshape3A : vector<1x32xf32> to vector<1280x32xf32>
    %add3A_20 = arith.addf %add3A_16, %add3A_19 : vector<1280x32xf32>
    %get3A_21 = arith.constant 0 : index
    %get3A_22 = vector.load %arg6[%get3A_21] : memref<32xf32, #tpu.memory_space<vmem>>, vector<32xf32>
    %reshape3A_23 = vector.shape_cast %get3A_22 : vector<32xf32> to vector<1x32xf32>
    %get3A_24 = arith.constant 0 : index
    %get3A_25 = vector.load %arg7[%get3A_24] : memref<32xf32, #tpu.memory_space<vmem>>, vector<32xf32>
    %reshape3A_26 = vector.shape_cast %get3A_25 : vector<32xf32> to vector<1x32xf32>
    %reduce_sum3A = arith.constant dense<0.000000e+00> : vector<1280xf32>
    %reduce_sum3A_27 = vector.multi_reduction <add>, %add3A_20, %reduce_sum3A [1] : vector<1280x32xf32> to vector<1280xf32>
    %broadcast_in_dim3A = vector.shape_cast %reduce_sum3A_27 : vector<1280xf32> to vector<1280x1xf32>
    %div3A = arith.constant 3.200000e+01 : f32
    %div3A_28 = vector.broadcast %div3A : f32 to vector<1280x1xf32>
    %div3A_29 = arith.divf %broadcast_in_dim3A, %div3A_28 : vector<1280x1xf32>
    %sub3A = vector.broadcast %div3A_29 : vector<1280x1xf32> to vector<1280x32xf32>
    %sub3A_30 = arith.subf %add3A_20, %sub3A : vector<1280x32xf32>
    %integer_pow3A = arith.mulf %sub3A_30, %sub3A_30 : vector<1280x32xf32>
    %reduce_sum3A_31 = arith.constant dense<0.000000e+00> : vector<1280xf32>
    %reduce_sum3A_32 = vector.multi_reduction <add>, %integer_pow3A, %reduce_sum3A_31 [1] : vector<1280x32xf32> to vector<1280xf32>
    %broadcast_in_dim3A_33 = vector.shape_cast %reduce_sum3A_32 : vector<1280xf32> to vector<1280x1xf32>
    %div3A_34 = arith.constant 3.200000e+01 : f32
    %div3A_35 = vector.broadcast %div3A_34 : f32 to vector<1280x1xf32>
    %div3A_36 = arith.divf %broadcast_in_dim3A_33, %div3A_35 : vector<1280x1xf32>
    %sub3A_37 = vector.broadcast %div3A_29 : vector<1280x1xf32> to vector<1280x32xf32>
    %sub3A_38 = arith.subf %add3A_20, %sub3A_37 : vector<1280x32xf32>
    %add3A_39 = arith.constant 9.99999974E-6 : f32
    %add3A_40 = vector.broadcast %add3A_39 : f32 to vector<1280x1xf32>
    %add3A_41 = arith.addf %div3A_36, %add3A_40 : vector<1280x1xf32>
    %rsqrt3A = math.rsqrt %add3A_41 : vector<1280x1xf32>
    %mul3A_42 = vector.broadcast %rsqrt3A : vector<1280x1xf32> to vector<1280x32xf32>
    %mul3A_43 = arith.mulf %sub3A_38, %mul3A_42 : vector<1280x32xf32>
    %mul3A_44 = vector.broadcast %reshape3A_23 : vector<1x32xf32> to vector<1280x32xf32>
    %mul3A_45 = arith.mulf %mul3A_43, %mul3A_44 : vector<1280x32xf32>
    %add3A_46 = vector.broadcast %reshape3A_26 : vector<1x32xf32> to vector<1280x32xf32>
    %add3A_47 = arith.addf %mul3A_45, %add3A_46 : vector<1280x32xf32>
    %gt3A = arith.constant 0.000000e+00 : f32
    %gt3A_48 = vector.broadcast %gt3A : f32 to vector<1280x32xf32>
    %gt3A_49 = arith.cmpf ogt, %add3A_47, %gt3A_48 : vector<1280x32xf32>
    %exp3A = math.exp %add3A_47 : vector<1280x32xf32>
    %sub3A_50 = arith.constant 1.000000e+00 : f32
    %sub3A_51 = vector.broadcast %sub3A_50 : f32 to vector<1280x32xf32>
    %sub3A_52 = arith.subf %exp3A, %sub3A_51 : vector<1280x32xf32>
    %select_n3A = arith.select %gt3A_49, %add3A_47, %sub3A_52 : vector<1280x32xi1>, vector<1280x32xf32>
    %get3A_53 = arith.constant 0 : index
    %get3A_54 = arith.constant 0 : index
    %get3A_55 = vector.load %arg8[%get3A_53, %get3A_54] : memref<1280x128xf32, #tpu.memory_space<vmem>>, vector<1280x4xf32>
    %get3A_56 = arith.constant 0 : index
    %get3A_57 = arith.constant 0 : index
    %get3A_58 = vector.load %arg9[%get3A_56, %get3A_57] : memref<1280x12xf32, #tpu.memory_space<vmem>>, vector<1280x12xf32>
    %get3A_59 = arith.constant 0 : index
    %get3A_60 = arith.constant 0 : index
    %get3A_61 = vector.load %arg10[%get3A_59, %get3A_60] : memref<48x32xf32, #tpu.memory_space<vmem>>, vector<32x32xf32>
    %dot_general3A = arith.constant dense<0.000000e+00> : vector<1280x32xf32>
    %dot_general3A_62 = tpu.matmul %select_n3A, %get3A_61, %dot_general3A {dimension_numbers = #tpu.dot_dimension_numbers<[1], [0], [0], [1], [0, 0, 1, 1], [], []>, transpose_lhs_hint = false} : vector<1280x32xf32>, vector<32x32xf32>, vector<1280x32xf32> -> vector<1280x32xf32>
    %get3A_63 = arith.constant 32 : index
    %get3A_64 = arith.constant 0 : index
    %get3A_65 = vector.load %arg10[%get3A_63, %get3A_64] : memref<48x32xf32, #tpu.memory_space<vmem>>, vector<4x32xf32>
    %dot_general3A_66 = arith.constant dense<0.000000e+00> : vector<1280x32xf32>
    %dot_general3A_67 = tpu.matmul %get3A_55, %get3A_65, %dot_general3A_66 {dimension_numbers = #tpu.dot_dimension_numbers<[1], [0], [0], [1], [0, 0, 1, 1], [], []>, transpose_lhs_hint = false} : vector<1280x4xf32>, vector<4x32xf32>, vector<1280x32xf32> -> vector<1280x32xf32>
    %add3A_68 = arith.addf %dot_general3A_62, %dot_general3A_67 : vector<1280x32xf32>
    %get3A_69 = arith.constant 36 : index
    %get3A_70 = arith.constant 0 : index
    %get3A_71 = vector.load %arg10[%get3A_69, %get3A_70] : memref<48x32xf32, #tpu.memory_space<vmem>>, vector<12x32xf32>
    %dot_general3A_72 = arith.constant dense<0.000000e+00> : vector<1280x32xf32>
    %dot_general3A_73 = tpu.matmul %get3A_58, %get3A_71, %dot_general3A_72 {dimension_numbers = #tpu.dot_dimension_numbers<[1], [0], [0], [1], [0, 0, 1, 1], [], []>, transpose_lhs_hint = false} : vector<1280x12xf32>, vector<12x32xf32>, vector<1280x32xf32> -> vector<1280x32xf32>
    %add3A_74 = arith.addf %add3A_68, %dot_general3A_73 : vector<1280x32xf32>
    %get3A_75 = arith.constant 0 : index
    %get3A_76 = vector.load %arg11[%get3A_75] : memref<32xf32, #tpu.memory_space<vmem>>, vector<32xf32>
    %reshape3A_77 = vector.shape_cast %get3A_76 : vector<32xf32> to vector<1x32xf32>
    %add3A_78 = vector.broadcast %reshape3A_77 : vector<1x32xf32> to vector<1280x32xf32>
    %add3A_79 = arith.addf %add3A_74, %add3A_78 : vector<1280x32xf32>
    %gt3A_80 = arith.constant 0.000000e+00 : f32
    %gt3A_81 = vector.broadcast %gt3A_80 : f32 to vector<1280x32xf32>
    %gt3A_82 = arith.cmpf ogt, %add3A_79, %gt3A_81 : vector<1280x32xf32>
    %exp3A_83 = math.exp %add3A_79 : vector<1280x32xf32>
    %sub3A_84 = arith.constant 1.000000e+00 : f32
    %sub3A_85 = vector.broadcast %sub3A_84 : f32 to vector<1280x32xf32>
    %sub3A_86 = arith.subf %exp3A_83, %sub3A_85 : vector<1280x32xf32>
    %select_n3A_87 = arith.select %gt3A_82, %add3A_79, %sub3A_86 : vector<1280x32xi1>, vector<1280x32xf32>
    %get3A_88 = arith.constant 0 : index
    %get3A_89 = arith.constant 0 : index
    %get3A_90 = vector.load %arg12[%get3A_88, %get3A_89] : memref<32x5xf32, #tpu.memory_space<vmem>>, vector<32x5xf32>
    %dot_general3A_91 = arith.constant dense<0.000000e+00> : vector<1280x5xf32>
    %dot_general3A_92 = tpu.matmul %select_n3A_87, %get3A_90, %dot_general3A_91 {dimension_numbers = #tpu.dot_dimension_numbers<[1], [0], [0], [1], [0, 0, 1, 1], [], []>, transpose_lhs_hint = false} : vector<1280x32xf32>, vector<32x5xf32>, vector<1280x5xf32> -> vector<1280x5xf32>
    %get3A_93 = arith.constant 0 : index
    %get3A_94 = vector.load %arg13[%get3A_93] : memref<5xf32, #tpu.memory_space<vmem>>, vector<5xf32>
    %reshape3A_95 = vector.shape_cast %get3A_94 : vector<5xf32> to vector<1x5xf32>
    %add3A_96 = vector.broadcast %reshape3A_95 : vector<1x5xf32> to vector<1280x5xf32>
    %add3A_97 = arith.addf %dot_general3A_92, %add3A_96 : vector<1280x5xf32>
    %reduce_max3A = arith.constant dense<0xFF800000> : vector<1280xf32>
    %reduce_max3A_98 = vector.multi_reduction <maximumf>, %add3A_97, %reduce_max3A [1] : vector<1280x5xf32> to vector<1280xf32>
    %broadcast_in_dim3A_99 = vector.shape_cast %reduce_max3A_98 : vector<1280xf32> to vector<1280x1xf32>
    %sub3A_100 = vector.broadcast %broadcast_in_dim3A_99 : vector<1280x1xf32> to vector<1280x5xf32>
    %sub3A_101 = arith.subf %add3A_97, %sub3A_100 : vector<1280x5xf32>
    %exp3A_102 = math.exp %sub3A_101 : vector<1280x5xf32>
    %reduce_sum3A_103 = arith.constant dense<0.000000e+00> : vector<1280xf32>
    %reduce_sum3A_104 = vector.multi_reduction <add>, %exp3A_102, %reduce_sum3A_103 [1] : vector<1280x5xf32> to vector<1280xf32>
    %broadcast_in_dim3A_105 = vector.shape_cast %reduce_sum3A_104 : vector<1280xf32> to vector<1280x1xf32>
    %div3A_106 = vector.broadcast %broadcast_in_dim3A_105 : vector<1280x1xf32> to vector<1280x5xf32>
    %div3A_107 = arith.divf %exp3A_102, %div3A_106 : vector<1280x5xf32>
    %swap3A = arith.constant 0 : index
    %swap3A_108 = arith.constant 0 : index
    %swap3A_109 = vector.load %arg14[%swap3A, %swap3A_108] : memref<1280x5xf32, #tpu.memory_space<vmem>>, vector<1280x5xf32>
    tpu.vector_store %arg14[%swap3A, %swap3A_108], %div3A_107 {strides = array<i32>} : memref<1280x5xf32, #tpu.memory_space<vmem>>, vector<1280x5xf32>,
    return
  }
  func.func @transform_0(%arg0: i32) -> (i32, i32) {
    %c0_i32 = arith.constant 0 : i32
    %c0_i32_0 = arith.constant 0 : i32
    return %arg0, %c0_i32 : i32, i32
  }
  func.func @transform_1(%arg0: i32) -> (i32, i32) {
    %c0_i32 = arith.constant 0 : i32
    %c0_i32_0 = arith.constant 0 : i32
    return %arg0, %c0_i32 : i32, i32
  }
  func.func @transform_2(%arg0: i32) -> (i32, i32) {
    %c0_i32 = arith.constant 0 : i32
    %c0_i32_0 = arith.constant 0 : i32
    return %arg0, %c0_i32 : i32, i32
  }
  func.func @transform_3(%arg0: i32) -> (i32, i32) {
    %c0_i32 = arith.constant 0 : i32
    %c0_i32_0 = arith.constant 0 : i32
    return %arg0, %c0_i32 : i32, i32
  }
  func.func @transform_4(%arg0: i32) -> i32 {
    %c0_i32 = arith.constant 0 : i32
    %c0_i32_0 = arith.constant 0 : i32
    return %c0_i32 : i32
  }
  func.func @transform_5(%arg0: i32) -> i32 {
    %c0_i32 = arith.constant 0 : i32
    %c0_i32_0 = arith.constant 0 : i32
    return %c0_i32 : i32
  }
  func.func @transform_6(%arg0: i32) -> i32 {
    %c0_i32 = arith.constant 0 : i32
    %c0_i32_0 = arith.constant 0 : i32
    return %c0_i32 : i32
  }
  func.func @transform_7(%arg0: i32) -> (i32, i32) {
    %c0_i32 = arith.constant 0 : i32
    %c0_i32_0 = arith.constant 0 : i32
    return %arg0, %c0_i32 : i32, i32
  }
  func.func @transform_8(%arg0: i32) -> (i32, i32) {
    %c0_i32 = arith.constant 0 : i32
    %c0_i32_0 = arith.constant 0 : i32
    return %arg0, %c0_i32 : i32, i32
  }
  func.func @transform_9(%arg0: i32) -> (i32, i32) {
    %c0_i32 = arith.constant 0 : i32
    %c0_i32_0 = arith.constant 0 : i32
    %c0_i32_1 = arith.constant 0 : i32
    return %c0_i32, %c0_i32_0 : i32, i32
  }
  func.func @transform_10(%arg0: i32) -> i32 {
    %c0_i32 = arith.constant 0 : i32
    %c0_i32_0 = arith.constant 0 : i32
    return %c0_i32 : i32
  }
  func.func @transform_11(%arg0: i32) -> (i32, i32) {
    %c0_i32 = arith.constant 0 : i32
    %c0_i32_0 = arith.constant 0 : i32
    %c0_i32_1 = arith.constant 0 : i32
    return %c0_i32, %c0_i32_0 : i32, i32
  }
  func.func @transform_12(%arg0: i32) -> i32 {
    %c0_i32 = arith.constant 0 : i32
    %c0_i32_0 = arith.constant 0 : i32
    return %c0_i32 : i32
  }
  func.func @transform_13(%arg0: i32) -> (i32, i32) {
    %c0_i32 = arith.constant 0 : i32
    %c0_i32_0 = arith.constant 0 : i32
    return %arg0, %c0_i32 : i32, i32
  }
}

</mosaic_0001>

<sc_bundles>
// kernel: kernel.11.cloned.1.call-start
scs
__scs_entry_jumppad:
0x0: {  	(pc) =	sbr.rel $0x88, $3  }
0x1: {  	(tag) =	ssettag $0x0;
	lr =	simm.s32 $0x1  }
0x2: {  	[smem:$0x3F85] =	sst lr;
	_ =	strace $0xD0000000  }
0x3: {  	_ = 	snop  }
0x4: {  	_ = 	snop  }
0x5: {  	_ = 	snop  }
0x6: {  	_ = 	snop  }
0x7: {  	_ = 	snop  }
__scs_overlays_trampoline_lowered:
0x8: {  	[smem:$0x3F94] =	sst s0  }
0x9: {  	[smem:$0x3F95] =	sst s1  }
0xa: {  	[smem:$0x3F96] =	sst s2  }
0xb: {  	[smem:$0x3F97] =	sst s3  }
0xc: {  	[smem:$0x3F98] =	sst s4  }
0xd: {  	[smem:$0x3F99] =	sst s5  }
0xe: {  	[smem:$0x3F9A] =	sst s6  }
0xf: {  	[smem:$0x3F9B] =	sst s7  }
0x10: {  	[smem:$0x3F9C] =	sst s8  }
0x11: {  	[smem:$0x3F9D] =	sst s9;
	s0 =	simm.s32 @!p0 $0x0  }
0x12: {  	s1 =	sld [smem:$0x3F83];
	s0 =	simm.s32 @p0 $0x1  }
0x13: {  	[smem:$0x3F9E] =	sst s0;
	s0 =	simm.s32 @!p1 $0x0  }
0x14: {  	s2 =	sld [smem:$0x3F82];
	s0 =	simm.s32 @p1 $0x1  }
0x15: {  	[smem:$0x3F9F] =	sst s0;
	s0 =	simm.s32 @!p2 $0x0  }
0x16: {  	s3 =	sld [smem:$0x3FDB];
	s0 =	simm.s32 @p2 $0x1  }
0x17: {  	s4 =	simm.s32 $0x1BF5;
	[smem:$0x3FA1] =	sst s0  }
0x18: {  	s0 =	sld [smem:$0x3F84];
	_ =	swait.ge [sflag:s4], $0x0  }
0x19: {  	s7 =	sld [smem:$0x3F85]  }
0x1a: {  	s8 =	sadd.s32 $0xFFFFE003, lr  }
0x1b: {  	s9 =	sadd.s32 $0xFFFFFEF7, lr;
	s5 =	simm.s32 $0xFFFFFFFF;
	p2 =	slt.u32 s8, $0xFFFFF086  }
0x1c: {  	p1 =	slt.u32 s9, $0xF7A;
	s5 =	simm.s32 @!p2 $0x0  }
0x1d: {  	s5 =	simm.s32 @p1 $0x1;
	p0 =	seq.s32 s7, s2  }
0x1e: {  	s7 =	smul.u32 @!p0 $0xF7A, s2;
	p2 =	seq.s32 @!p0 s5, $0x0  }
0x1f: {  	s9 =	smul.u32 $0xF7A, s1;
	s8 =	simm.s32 @!p0 $0x1BF5;
	p2 =	por !p2, p0  }
0x20: {  	[sflag:s8] =	ssyncset.s32 @!p0 $0xFFFFF086;
	s6 =	sadd.s32 @!p0 s3, s7;
	s7 =	simm.s32 @!p0 $0x108  }
0x21: {  	s3 =	sadd.s32 s3, s9;
	s6 =	sadd.s32 @!p0 $0x88, s6;
	s7 =	simm.s32 @p2 $0x1082  }
0x22: {  	[simem:s7], [sflag:s8] =	dma.local @!p0 [hbm:s6], $0xF7A  }
0x23: {  	s9 =	sor.u32 $0xD0000000, s2;
	s6 =	simm.s32 $0x108;
	_ =	swait.ge @!p0 [sflag:s8], $0x0  }
0x24: {  	s3 =	sadd.s32 $0x88, s3;
	s6 =	simm.s32 @!p1 $0x1082;
	[sflag:s4] =	ssyncset.s32 $0xFFFFF086  }
0x25: {  	[simem:s6], [sflag:s4] =	dma.local [hbm:s3], $0xF7A  }
0x26: {  	[smem:$0x3F85] =	sst s1;
	(tag) =	ssettag s2;
	_ =	strace s9  }
0x27: {  	s1 =	sld [smem:$0x3F95]  }
0x28: {  	s2 =	sld [smem:$0x3F96]  }
0x29: {  	s4 =	sld [smem:$0x3F98]  }
0x2a: {  	p0 =	seq.s32 s5, $0x0;
	s5 =	sld [smem:$0x3F99]  }
0x2b: {  	s6 =	sld [smem:$0x3F9A]  }
0x2c: {  	s7 =	sld [smem:$0x3F9B]  }
0x2d: {  	s3 =	simm.s32 $0x108;
	s8 =	sld [smem:$0x3F9C]  }
0x2e: {  	s3 =	simm.s32 @!p0 $0x1082;
	s9 =	sld [smem:$0x3F9D]  }
0x2f: {  	lr =	sadd.s32 s0, s3;
	s0 =	sld [smem:$0x3F94]  }
0x30: {  	s3 =	sld [smem:$0x3F97]  }
0x31: {  	[smem:$0x3FA0] =	sst s10  }
0x32: {  	s10 =	sld [smem:$0x3F9E];
	_ =	sdelay $0x3  }
0x33: {  	p0 =	seq.s32 s10, $0x1;
	s10 =	sld [smem:$0x3FA0];
	_ =	sdelay $0x3  }
0x34: {  	[smem:$0x3FA0] =	sst s10  }
0x35: {  	s10 =	sld [smem:$0x3F9F];
	_ =	sdelay $0x3  }
0x36: {  	p1 =	seq.s32 s10, $0x1;
	s10 =	sld [smem:$0x3FA0];
	_ =	sdelay $0x3  }
0x37: {  	[smem:$0x3FA0] =	sst s10  }
0x38: {  	s10 =	sld [smem:$0x3FA1]  }
0x39: {  	_ = 	snop;
	(pc) =	sbr.ind lr, $3  }
0x3a: {  	_ = 	snop  }
0x3b: {  	_ = 	snop  }
0x3c: {  	p2 =	seq.s32 s10, $0x1;
	s10 =	sld [smem:$0x3FA0]  }
0x3d: {  	_ =	shalt  }
0x3e: {  	_ =	shalt  }
0x3f: {  	_ =	shalt  }
0x40: {  	_ =	shalt  }
0x41: {  	_ =	shalt  }
0x42: {  	_ =	shalt  }
0x43: {  	_ =	shalt  }
0x44: {  	_ =	shalt  }
0x45: {  	_ =	shalt  }
0x46: {  	_ =	shalt  }
0x47: {  	_ =	shalt  }
0x48: {  	_ =	shalt  }
0x49: {  	_ =	shalt  }
0x4a: {  	_ =	shalt  }
0x4b: {  	_ =	shalt  }
0x4c: {  	_ =	shalt  }
0x4d: {  	_ =	shalt  }
0x4e: {  	_ =	shalt  }
0x4f: {  	_ =	shalt  }
0x50: {  	_ =	shalt  }
0x51: {  	_ =	shalt  }
0x52: {  	_ =	shalt  }
0x53: {  	_ =	shalt  }
0x54: {  	_ =	shalt  }
0x55: {  	_ =	shalt  }
0x56: {  	_ =	shalt  }
0x57: {  	_ =	shalt  }
0x58: {  	_ =	shalt  }
0x59: {  	_ =	shalt  }
0x5a: {  	_ =	shalt  }
0x5b: {  	_ =	shalt  }
0x5c: {  	_ =	shalt  }
0x5d: {  	_ =	shalt  }
0x5e: {  	_ =	shalt  }
0x5f: {  	_ =	shalt  }
0x60: {  	_ =	shalt  }
0x61: {  	_ =	shalt  }
0x62: {  	_ =	shalt  }
0x63: {  	_ =	shalt  }
0x64: {  	_ =	shalt  }
0x65: {  	_ =	shalt  }
0x66: {  	_ =	shalt  }
0x67: {  	_ =	shalt  }
0x68: {  	_ =	shalt  }
0x69: {  	_ =	shalt  }
0x6a: {  	_ =	shalt  }
0x6b: {  	_ =	shalt  }
0x6c: {  	_ =	shalt  }
0x6d: {  	_ =	shalt  }
0x6e: {  	_ =	shalt  }
0x6f: {  	_ =	shalt  }
0x70: {  	_ =	shalt  }
0x71: {  	_ =	shalt  }
0x72: {  	_ =	shalt  }
0x73: {  	_ =	shalt  }
0x74: {  	_ =	shalt  }
0x75: {  	_ =	shalt  }
0x76: {  	_ =	shalt  }
0x77: {  	_ =	shalt  }
0x78: {  	_ =	shalt  }
0x79: {  	_ =	shalt  }
0x7a: {  	_ =	shalt  }
0x7b: {  	_ =	shalt  }
0x7c: {  	_ =	shalt  }
0x7d: {  	_ =	shalt  }
0x7e: {  	_ =	shalt  }
0x7f: {  	_ =	shalt  }
0x80: {  	_ =	shalt  }
0x81: {  	_ =	shalt  }
0x82: {  	_ =	shalt  }
0x83: {  	_ =	shalt  }
0x84: {  	_ =	shalt  }
0x85: {  	_ =	shalt  }
0x86: {  	_ =	shalt  }
0x87: {  	_ =	shalt  }
.Lfunc_end0:
.L_simem_size_0:
called_computation.1_lowered:
.L_overlay_start_0:
0x88: {  	s2 =	sld [smem:$0x3FD9]  }
0x89: {  	s3 =	sld [smem:$0x3FFE];
	_ =	sdelay $0x1  }
0x8a: {  	s1 =	srdreg.scid  }
0x8b: {  	s0 =	sand.u32 $0x1, s1  }
0x8c: {  	s16 =	sshll.u32 s0, $0xA;
	s2 =	sadd.s32 s3, s2  }
0x8d: {  	s2 =	sadd.s32 s2, s16  }
0x8e: {  	[smem:$0x3FAC] =	sst s2  }
0x8f: {  	_ = 	snop  }
0x90: {  	(tm) =	ssettm $0x1  }
0x91: {  	s17 =	sld [smem:$0x3FFB];
	_ =	sdelay $0x3  }
0x92: {  	_ =	strace s17  }
0x93: {  	s2 =	sld [smem:$0x3FFC];
	_ =	sdelay $0x3  }
0x94: {  	_ =	strace s2  }
0x95: {  	s2 =	sld [smem:$0x3FFD];
	_ =	sdelay $0x3  }
0x96: {  	_ =	strace s2  }
0x97: {  	_ =	strace $0x8FFFFFFF  }
0x98: {  	s18 =	sld [smem:$0x3FDB];
	_ =	sdelay $0x1  }
0x99: {  	s19 =	simm.s32 $_scs_section_size  }
0x9a: {  	s4 =	simm.s32 $_size__tile_overlayer_lowered;
	s5 =	simm.s32 $_tile_overlayer_lowered  }
0x9b: {  	s22 =	simm.s32 $0x1BFF;
	s21 =	sshll.u32 s5, $0x1;
	s2 =	sadd.s32 s19, s18  }
0x9c: {  	s6 =	simm.s32 $0x0;
	s20 =	sshll.u32 s4, $0x1;
	s4 =	sadd.s32 s21, s2  }
0x9d: {  	[timem:s6], [sflag:s22] =	dma.local [hbm:s4], s20  }
0x9e: {  	_ =	swait.ge [sflag:s22], s20  }
0x9f: {  	s3 =	ssub.s32 $0x0, s20;
	[sflag:s22] =	ssyncset.done $0x0  }
0xa0: {  	[sflag:s22] =	ssyncadd.s32 s3;
	_ =	sdelay $0x1  }
0xa1: {  	s23 =	simm.s32 $0x1B8B  }
0xa2: {  	_ =	swait.ge [sflag:s23], $0x1  }
0xa3: {  	[sflag:s23] =	ssyncset.done $0x0  }
0xa4: {  	s25 =	simm.s32 $0x1B8E;
	s24 =	sld [smem:$0x3FFE];
	[sflag:s23] =	ssyncadd.s32 $0xFFFFFFFF  }
0xa5: {  	s26 =	simm.s32 $execute0_lowered;
	[smem:$0x3FD2] =	sst s25  }
0xa6: {  	s4 =	sshll.u32 s26, $0x1;
	_ =	strace $0x80000049;
	[dreg:$0x1] =	wrdreg $0xFFFFFFFF  }
0xa7: {  	s28 =	simm.s32 $_size_execute0_lowered;
	s2 =	sadd.s32 s2, s4;
	[dreg:$0x0] =	wrdreg $0x0  }
0xa8: {  	s4 =	sshll.u32 s28, $0x1;
	[dreg:$0x2] =	wrdreg s2  }
0xa9: {  	[dreg:$0x3] =	wrdreg s4  }
0xaa: {  	[dreg:$0x4] =	wrdreg $0xC0  }
0xab: {  	_ =	task [dreg:s6], $0x5FFFF  }
0xac: {  	[dreg:$0x1] =	wrdreg $0xFFFFFFFF  }
0xad: {  	[dreg:$0x0] =	wrdreg $0x60  }
0xae: {  	[dreg:$0x2] =	wrdreg s24  }
0xaf: {  	[dreg:$0x3] =	wrdreg $0x0  }
0xb0: {  	[dreg:$0x4] =	wrdreg $0x50000  }
0xb1: {  	[dreg:$0x5] =	wrdreg $0xA0000  }
0xb2: {  	[dreg:$0x6] =	wrdreg $0x9  }
0xb3: {  	_ =	task.clear_ibuf [dreg:s6], $0x7FFFF;
	_ =	strace $0x90000049  }
0xb4: {  	s29 =	simm.s32 $0x9;
	_ =	strace $0x8000004B  }
0xb5: {  	_ =	swait.ge [sflag:s29], $0x1  }
0xb6: {  	[sflag:s29] =	ssyncadd.s32 $0xFFFFFFFF  }
0xb7: {  	_ =	strace $0x9000004B  }
0xb8: {  	_ =	sfence  }
0xb9: {  	s30 =	sld [smem:$0x0];
	_ =	sdelay $0x2  }
0xba: {  	s31 =	sshll.u32 s1, $0xD;
	s1 =	sshrl.u32 s1, $0x2  }
0xbb: {  	s3 =	sand.u32 $0x4000, s31;
	s1 =	sadd.s32 s1, s30  }
0xbc: {  	s0 =	sor.u32 s3, s0;
	s1 =	sshll.u32 s1, $0x11  }
0xbd: {  	s0 =	sor.u32 s1, s0  }
0xbe: {  	s0 =	sadd.s32 $0x8F2B, s0  }
0xbf: {  	[sflag:s0] =	ssyncadd.remote.s32 $0x1  }
0xc0: {  	_ =	sfence.sel $0xFFFF  }
0xc1: {  	[dreg:$0x0] =	wrdreg $0xFFFFFFFF;
	(pc) =	sbr.abs _section_cstart, $3  }
0xc2: {  	[dreg:$0x1] =	wrdreg $0xFFFFFFFF  }
0xc3: {  	_ =	task.clear_ibuf [dreg:s6], $0x2FFFF;
	_ =	strace $0x9FFFFFFF  }
0xc4: {  	(tm) =	ssettm $0x7FFFFFFF  }
0xc5: {  	_ =	shalt  }
tec
execute0_lowered:
.L_overlay_start_1:
0x0: {  	(tag) =	ssettag $0x1  }
0x1: {  	s0 =	rddreg [dreg:$0x0]  }
0x2: {  	s1 =	rddreg [dreg:$0x1]  }
0x3: {  	s2 =	rddreg [dreg:$0x2]  }
0x4: {  	s3 =	rddreg [dreg:$0x3];
	s4 =	simm.s32 $0x0  }
0x5: {  	s14 =	stileid.u32;
	s17 =	srdreg.scid;
	s28 =	simm.s32 $0x80  }
0x6: {  	s29 =	simm.s32 $0x14000;
	s30 =	simm.s32 $0x1;
	s31 =	simm.s32 $0x0  }
0x7: {  	[smem:$0x7FF] =	sst s4;
	s6 =	sadd.s32 $0x5C200, s0;
	s5 =	smul.u32 $0x5000, s14  }
0x8: {  	s4 =	sand.u32 $0x1, s17;
	s7 =	sadd.s32 $0x66200, s0;
	s8 =	sadd.s32 $0x70200, s0  }
0x9: {  	s12 =	sadd.s32 $0x20200, s0;
	s19 =	sadd.s32 $0x3E200, s0;
	s21 =	sshll.u32 s14, $0x6  }
0xa: {  	_ =	strace $0x8000004A;
	s9 =	smul.u32 $0xF0000, s4;
	s11 =	sshll.u32 s4, $0x4  }
0xb: {  	s4 =	ssub.s32 $0x2, s4;
	s10 =	sshrl.u32 s5, $0x3;
	s11 =	sor.u32 s14, s11  }
0xc: {  	s18 =	sshrl.u32 s4, $0x1;
	s20 =	sadd.s32 s5, s1;
	s23 =	sadd.s32 s5, s2  }
0xd: {  	s10 =	sadd.s32 s10, s0;
	s9 =	sadd.s32 s5, s9;
	s13 =	smul.u32 $0x2800, s11  }
0xe: {  	s4 =	ssub.s32 s4, s18;
	[dreg:$0x5] =	wrdreg s20;
	s11 =	sor.u32 $0x1C02, s21  }
0xf: {  	[dreg:$0x6] =	wrdreg s23;
	s5 =	sadd.s32 s5, s3;
	s9 =	sshrl.u32 s9, $0x3  }
0x10: {  	s10 =	sadd.s32 $0xCF200, s10;
	[dreg:$0x7] =	wrdreg s5;
	s22 =	sshrl.u32 s13, $0x3  }
0x11: {  	s23 =	smax.u32 s4, $0x1;
	s0 =	sadd.s32 s9, s0;
	s24 =	sadd.s32 s12, s22  }
0x12: {  	s25 =	sadd.s32 s19, s22;
	s26 =	sadd.s32 $0xA000, s22;
	s9 =	sadd.s32 $0x14000, s22  }
0x13: {  	s20 =	sadd.s32 $0xD9200, s0;
	s21 =	sadd.s32 $0xE3200, s0;
	[dreg:$0x8] =	wrdreg s24  }
0x14: {  	s22 =	sadd.s32 $0xED200, s0;
	[dreg:$0x9] =	wrdreg s25;
	s16 =	sadd.s32 s12, s26  }
0x15: {  	s17 =	sadd.s32 s19, s26;
	s18 =	sadd.s32 s12, s9;
	s19 =	sadd.s32 s19, s9  }
0x16: {  	s24 =	simm.s32 $0x2;
	s25 =	simm.s32 $0xF000;
	s26 =	simm.s32 $0x11800  }
.LBB2_1:
0x17: {  	s0 =	rddreg [dreg:$0x5]  }
0x18: {  	s0 =	sshrl.u32 s0, $0x3  }
0x19: {  	[spmem:s0], [sflag:s11] =	dma.local [hbm:s10], $0xA00  }
0x1a: {  	_ =	swait.ge [sflag:s24], $0xA00  }
0x1b: {  	[sflag:s24] =	ssyncset.done $0x0;
	s4 =	rddreg [dreg:$0x6]  }
0x1c: {  	[sflag:s24] =	ssyncadd.s32 $0xFFFFF600;
	s4 =	sshrl.u32 s4, $0x3  }
0x1d: {  	[spmem:s4], [sflag:s11] =	dma.local [hbm:s10], $0xA00  }
0x1e: {  	_ =	swait.ge [sflag:s24], $0xA00  }
0x1f: {  	[sflag:s24] =	ssyncset.done $0x0;
	s5 =	rddreg [dreg:$0x7]  }
0x20: {  	[sflag:s24] =	ssyncadd.s32 $0xFFFFF600;
	s5 =	sshrl.u32 s5, $0x3  }
0x21: {  	[spmem:s5], [sflag:s11] =	dma.local [hbm:s10], $0xA00  }
0x22: {  	_ =	swait.ge [sflag:s24], $0xA00  }
0x23: {  	[sflag:s24] =	ssyncset.done $0x0  }
0x24: {  	[sflag:s24] =	ssyncadd.s32 $0xFFFFF600  }
0x25: {  	[bflag:$0x0] =	sbarrier.arrive $0xFFFF  }
0x26: {  	s9 =	simm.s32 $0x0;
	s12 =	rddreg [dreg:$0x8]  }
0x27: {  	[tilespmem:s25], [sflag:$0x2] =	stream.linear.gather [hbm4b:s12+s9], $0x2800, $0x38;
	[tilespmem:$0x15000] =	vst v63  }
0x28: {  	_ =	swait.ge [sflag:s24], $0x2800  }
0x29: {  	[sflag:s24] =	ssyncset.done $0x0  }
0x2a: {  	s13 =	rddreg [dreg:$0x9];
	[sflag:s24] =	ssyncadd.s32 $0xFFFFD800  }
0x2b: {  	[tilespmem:s26], [sflag:$0x2] =	stream.linear.gather [hbm4b:s13+s9], $0x2800, $0x38;
	[tilespmem:$0x15000] =	vst v63  }
0x2c: {  	_ =	swait.ge [sflag:s24], $0x2800  }
0x2d: {  	[sflag:s24] =	ssyncset.done $0x0  }
0x2e: {  	s14 =	simm.s32 $0xF000;
	[sflag:s24] =	ssyncadd.s32 $0xFFFFD800  }
0x2f: {  	[tilespmem:s29], [sflag:$0x1] =	stream.indirect.gather [hbm4b:s6+s28], $0x20, s14, s28, $0xb8;
	[tilespmem:$0x15000] =	vst v63  }
0x30: {  	_ =	swait.ge [sflag:s30], $0x1000  }
0x31: {  	[sflag:s30] =	ssyncset.done $0x0  }
0x32: {  	s15 =	simm.s32 $0x11800;
	[sflag:s30] =	ssyncadd.s32 $0xFFFFF000  }
0x33: {  	[spmem:s1] =	stream.indirect.scatter.add.f32 [tilespmem:s29], [sflag:$0x2], $0x20, s15, s28, $0xb8;
	[tilespmem:$0x15000] =	vst v63  }
0x34: {  	_ =	swait.ge [sflag:s24], $0x1000  }
0x35: {  	s12 =	simm.s32 $0x400;
	s9 =	simm.s32 $0x80;
	[sflag:s24] =	ssyncset.done $0x0  }
.LBB2_2:
0x36: {  	s13 =	sadd.s32 $0xF000, s9  }
0x37: {  	[sflag:s24] =	ssyncadd.s32 $0xFFFFF000;
	s14 =	smov.u32 s12;
	s15 =	sadd.s32 $0x200, s12  }
0x38: {  	[tilespmem:s29], [sflag:$0x1] =	stream.indirect.gather [hbm4b:s6+s28], $0x20, s13, s28, $0xb8;
	[tilespmem:$0x15000] =	vst v63  }
0x39: {  	p0 =	sne.s32 s12, $0x9E00;
	_ =	swait.ge [sflag:s30], $0x1000  }
.Ltmp0:
0x3a: {  	[sflag:s30] =	ssyncset.done $0x0;
	(pc) =	sbr.rel @p0 .LBB2_2-.Ltmp0, $4  }
0x3b: {  	s9 =	sadd.s32 $0x11800, s9;
	[sflag:s30] =	ssyncadd.s32 $0xFFFFF000  }
0x3c: {  	[spmem:s1] =	stream.indirect.scatter.add.f32 [tilespmem:s29], [sflag:$0x2], $0x20, s9, s28, $0xb8;
	[tilespmem:$0x15000] =	vst v63  }
0x3d: {  	_ =	swait.ge [sflag:s24], $0x1000  }
0x3e: {  	s12 =	smov.u32 s15;
	s9 =	sshra.s32 s14, $0x2;
	[sflag:s24] =	ssyncset.done $0x0  }
0x3f: {  	s12 =	sadd.s32 $0xF000, s9;
	[sflag:s24] =	ssyncadd.s32 $0xFFFFF000  }
0x40: {  	[tilespmem:s29], [sflag:$0x1] =	stream.indirect.gather [hbm4b:s6+s28], $0x20, s12, s28, $0xb8;
	[tilespmem:$0x15000] =	vst v63  }
0x41: {  	_ =	swait.ge [sflag:s30], $0x1000  }
0x42: {  	[sflag:s30] =	ssyncset.done $0x0  }
0x43: {  	s12 =	sadd.s32 $0x11800, s9;
	[sflag:s30] =	ssyncadd.s32 $0xFFFFF000  }
0x44: {  	[spmem:s1] =	stream.indirect.scatter.add.f32 [tilespmem:s29], [sflag:$0x2], $0x20, s12, s28, $0xb8;
	[tilespmem:$0x15000] =	vst v63  }
0x45: {  	_ =	swait.ge [sflag:s24], $0x1000  }
0x46: {  	[sflag:s24] =	ssyncset.done $0x0  }
0x47: {  	s13 =	simm.s32 $0x0;
	[sflag:s24] =	ssyncadd.s32 $0xFFFFF000  }
0x48: {  	[tilespmem:s25], [sflag:$0x2] =	stream.linear.gather [hbm4b:s16+s13], $0x2800, $0x38;
	[tilespmem:$0x15000] =	vst v63  }
0x49: {  	_ =	swait.ge [sflag:s24], $0x2800  }
0x4a: {  	[sflag:s24] =	ssyncset.done $0x0  }
0x4b: {  	[sflag:s24] =	ssyncadd.s32 $0xFFFFD800  }
0x4c: {  	[tilespmem:s26], [sflag:$0x2] =	stream.linear.gather [hbm4b:s17+s13], $0x2800, $0x38;
	[tilespmem:$0x15000] =	vst v63  }
0x4d: {  	_ =	swait.ge [sflag:s24], $0x2800  }
0x4e: {  	[sflag:s24] =	ssyncset.done $0x0  }
0x4f: {  	s14 =	simm.s32 $0xF000;
	[sflag:s24] =	ssyncadd.s32 $0xFFFFD800  }
0x50: {  	[tilespmem:s29], [sflag:$0x1] =	stream.indirect.gather [hbm4b:s7+s28], $0x20, s14, s28, $0xb8;
	[tilespmem:$0x15000] =	vst v63  }
0x51: {  	_ =	swait.ge [sflag:s30], $0x1000  }
0x52: {  	[sflag:s30] =	ssyncset.done $0x0  }
0x53: {  	s15 =	simm.s32 $0x11800;
	[sflag:s30] =	ssyncadd.s32 $0xFFFFF000  }
0x54: {  	[spmem:s2] =	stream.indirect.scatter.add.f32 [tilespmem:s29], [sflag:$0x2], $0x20, s15, s28, $0xb8;
	[tilespmem:$0x15000] =	vst v63  }
0x55: {  	_ =	swait.ge [sflag:s24], $0x1000  }
0x56: {  	s9 =	simm.s32 $0x80;
	s12 =	simm.s32 $0x400;
	[sflag:s24] =	ssyncset.done $0x0  }
.LBB2_4:
0x57: {  	s13 =	sadd.s32 $0xF000, s9  }
0x58: {  	[sflag:s24] =	ssyncadd.s32 $0xFFFFF000;
	s14 =	smov.u32 s12;
	s15 =	sadd.s32 $0x200, s12  }
0x59: {  	[tilespmem:s29], [sflag:$0x1] =	stream.indirect.gather [hbm4b:s7+s28], $0x20, s13, s28, $0xb8;
	[tilespmem:$0x15000] =	vst v63  }
0x5a: {  	p0 =	sne.s32 s12, $0x9E00;
	_ =	swait.ge [sflag:s30], $0x1000  }
.Ltmp1:
0x5b: {  	[sflag:s30] =	ssyncset.done $0x0;
	(pc) =	sbr.rel @p0 .LBB2_4-.Ltmp1, $4  }
0x5c: {  	s9 =	sadd.s32 $0x11800, s9;
	[sflag:s30] =	ssyncadd.s32 $0xFFFFF000  }
0x5d: {  	[spmem:s2] =	stream.indirect.scatter.add.f32 [tilespmem:s29], [sflag:$0x2], $0x20, s9, s28, $0xb8;
	[tilespmem:$0x15000] =	vst v63  }
0x5e: {  	_ =	swait.ge [sflag:s24], $0x1000  }
0x5f: {  	s12 =	smov.u32 s15;
	s9 =	sshra.s32 s14, $0x2;
	[sflag:s24] =	ssyncset.done $0x0  }
0x60: {  	s12 =	sadd.s32 $0xF000, s9;
	[sflag:s24] =	ssyncadd.s32 $0xFFFFF000  }
0x61: {  	[tilespmem:s29], [sflag:$0x1] =	stream.indirect.gather [hbm4b:s7+s28], $0x20, s12, s28, $0xb8;
	[tilespmem:$0x15000] =	vst v63  }
0x62: {  	_ =	swait.ge [sflag:s30], $0x1000  }
0x63: {  	[sflag:s30] =	ssyncset.done $0x0  }
0x64: {  	s12 =	sadd.s32 $0x11800, s9;
	[sflag:s30] =	ssyncadd.s32 $0xFFFFF000  }
0x65: {  	[spmem:s2] =	stream.indirect.scatter.add.f32 [tilespmem:s29], [sflag:$0x2], $0x20, s12, s28, $0xb8;
	[tilespmem:$0x15000] =	vst v63  }
0x66: {  	_ =	swait.ge [sflag:s24], $0x1000  }
0x67: {  	[sflag:s24] =	ssyncset.done $0x0  }
0x68: {  	s13 =	simm.s32 $0x0;
	[sflag:s24] =	ssyncadd.s32 $0xFFFFF000  }
0x69: {  	[tilespmem:s25], [sflag:$0x2] =	stream.linear.gather [hbm4b:s18+s13], $0x2800, $0x38;
	[tilespmem:$0x15000] =	vst v63  }
0x6a: {  	_ =	swait.ge [sflag:s24], $0x2800  }
0x6b: {  	[sflag:s24] =	ssyncset.done $0x0  }
0x6c: {  	[sflag:s24] =	ssyncadd.s32 $0xFFFFD800  }
0x6d: {  	[tilespmem:s26], [sflag:$0x2] =	stream.linear.gather [hbm4b:s19+s13], $0x2800, $0x38;
	[tilespmem:$0x15000] =	vst v63  }
0x6e: {  	_ =	swait.ge [sflag:s24], $0x2800  }
0x6f: {  	[sflag:s24] =	ssyncset.done $0x0  }
0x70: {  	s14 =	simm.s32 $0xF000;
	[sflag:s24] =	ssyncadd.s32 $0xFFFFD800  }
0x71: {  	[tilespmem:s29], [sflag:$0x1] =	stream.indirect.gather [hbm4b:s8+s28], $0x20, s14, s28, $0xb8;
	[tilespmem:$0x15000] =	vst v63  }
0x72: {  	_ =	swait.ge [sflag:s30], $0x1000  }
0x73: {  	[sflag:s30] =	ssyncset.done $0x0  }
0x74: {  	s15 =	simm.s32 $0x11800;
	[sflag:s30] =	ssyncadd.s32 $0xFFFFF000  }
0x75: {  	[spmem:s3] =	stream.indirect.scatter.add.f32 [tilespmem:s29], [sflag:$0x2], $0x20, s15, s28, $0xb8;
	[tilespmem:$0x15000] =	vst v63  }
0x76: {  	_ =	swait.ge [sflag:s24], $0x1000  }
0x77: {  	s9 =	simm.s32 $0x80;
	s12 =	simm.s32 $0x400;
	[sflag:s24] =	ssyncset.done $0x0  }
.LBB2_6:
0x78: {  	s13 =	sadd.s32 $0xF000, s9  }
0x79: {  	[sflag:s24] =	ssyncadd.s32 $0xFFFFF000;
	s14 =	smov.u32 s12;
	s15 =	sadd.s32 $0x200, s12  }
0x7a: {  	[tilespmem:s29], [sflag:$0x1] =	stream.indirect.gather [hbm4b:s8+s28], $0x20, s13, s28, $0xb8;
	[tilespmem:$0x15000] =	vst v63  }
0x7b: {  	p0 =	sne.s32 s12, $0x9E00;
	_ =	swait.ge [sflag:s30], $0x1000  }
.Ltmp2:
0x7c: {  	[sflag:s30] =	ssyncset.done $0x0;
	(pc) =	sbr.rel @p0 .LBB2_6-.Ltmp2, $4  }
0x7d: {  	s9 =	sadd.s32 $0x11800, s9;
	[sflag:s30] =	ssyncadd.s32 $0xFFFFF000  }
0x7e: {  	[spmem:s3] =	stream.indirect.scatter.add.f32 [tilespmem:s29], [sflag:$0x2], $0x20, s9, s28, $0xb8;
	[tilespmem:$0x15000] =	vst v63  }
0x7f: {  	_ =	swait.ge [sflag:s24], $0x1000  }
0x80: {  	s12 =	smov.u32 s15;
	s9 =	sshra.s32 s14, $0x2;
	[sflag:s24] =	ssyncset.done $0x0  }
0x81: {  	s12 =	sadd.s32 $0xF000, s9;
	[sflag:s24] =	ssyncadd.s32 $0xFFFFF000  }
0x82: {  	[tilespmem:s29], [sflag:$0x1] =	stream.indirect.gather [hbm4b:s8+s28], $0x20, s12, s28, $0xb8;
	[tilespmem:$0x15000] =	vst v63  }
0x83: {  	_ =	swait.ge [sflag:s30], $0x1000  }
0x84: {  	[sflag:s30] =	ssyncset.done $0x0  }
0x85: {  	s15 =	sadd.s32 $0x11800, s9;
	[sflag:s30] =	ssyncadd.s32 $0xFFFFF000  }
0x86: {  	[spmem:s3] =	stream.indirect.scatter.add.f32 [tilespmem:s29], [sflag:$0x2], $0x20, s15, s28, $0xb8;
	[tilespmem:$0x15000] =	vst v63  }
0x87: {  	_ =	swait.ge [sflag:s24], $0x1000  }
0x88: {  	[sflag:s24] =	ssyncset.done $0x0  }
0x89: {  	[sflag:s24] =	ssyncadd.s32 $0xFFFFF000  }
0x8a: {  	[bflag:$0x0] =	sbarrier.arrive $0xFFFF  }
0x8b: {  	[hbm:s20], [sflag:s11] =	dma.local [spmem:s0], $0xA00  }
0x8c: {  	_ =	swait.ge [sflag:s24], $0xA00  }
0x8d: {  	[sflag:s24] =	ssyncset.done $0x0  }
0x8e: {  	[sflag:s24] =	ssyncadd.s32 $0xFFFFF600  }
0x8f: {  	[hbm:s21], [sflag:s11] =	dma.local [spmem:s4], $0xA00  }
0x90: {  	s31 =	sadd.s32 $0x1, s31;
	_ =	swait.ge [sflag:s24], $0xA00  }
0x91: {  	p0 =	sne.s32 s31, s23;
	[sflag:s24] =	ssyncset.done $0x0  }
.Ltmp3:
0x92: {  	[sflag:s24] =	ssyncadd.s32 $0xFFFFF600;
	(pc) =	sbr.rel @p0 .LBB2_1-.Ltmp3, $4  }
0x93: {  	[hbm:s22], [sflag:s11] =	dma.local [spmem:s5], $0xA00  }
0x94: {  	_ =	swait.ge [sflag:s24], $0xA00  }
0x95: {  	[sflag:s24] =	ssyncset.done $0x0  }
0x96: {  	[sflag:s24] =	ssyncadd.s32 $0xFFFFF600  }
0x97: {  	_ =	sfence.sel $0x180000  }
0x98: {  	[bflag:$0x0] =	sbarrier.arrive $0xFFFF  }
0x99: {  	_ =	strace $0x9000004A  }
0x9a: {  	s0 =	stileid.u32;
	[bflag:$0x2] =	sbarrier.arrive $0xFFFF  }
0x9b: {  	p0 =	sne.s32 s0, $0x0;
	s0 =	rddreg [dreg:$0x4]  }
0x9c: {  	s0 =	sadd.s32 @!p0 $0x100000, s0  }
0x9d: {  	[sflag:s0] =	ssyncadd.tile.s32 @!p0 $0x1;
	_ =	shalt  }
.Lfunc_end2:
_tile_overlayer_lowered:
.L_overlay_start_2:
0x9e: {  	(tag) =	ssettag $0x2  }
0x9f: {  	s0 =	rddreg [dreg:$0x0];
	s2 =	stileid.u32  }
0xa0: {  	s1 =	rddreg [dreg:$0x1];
	p0 =	sne.s32 s2, $0x0  }
0xa1: {  	s3 =	rddreg [dreg:$0x2];
	[bflag:$0x3] =	sbarrier.arrive $0xFFFF;
	s2 =	simm.s32 @!p0 $0x1C02  }
0xa2: {  	[timem:s3], [sflag:s2] =	dma.local @!p0 [hbm:s0], s1  }
0xa3: {  	s0 =	simm.s32 @!p0 $0x2  }
0xa4: {  	_ =	swait.ge @!p0 [sflag:s0], s1  }
0xa5: {  	s1 =	ssub.s32 @!p0 $0x0, s1;
	[sflag:s0] =	ssyncset.done @!p0 $0x0  }
0xa6: {  	[sflag:s0] =	ssyncadd.s32 @!p0 s1  }
0xa7: {  	[bflag:$0x3] =	sbarrier.arrive $0xFFFF  }
0xa8: {  	_ =	shalt  }

// kernel: kernel.14.cloned.1.call-start
scs
__scs_entry_jumppad:
0x0: {  	(pc) =	sbr.rel $0x88, $3  }
0x1: {  	(tag) =	ssettag $0x0;
	lr =	simm.s32 $0x1  }
0x2: {  	[smem:$0x3F85] =	sst lr;
	_ =	strace $0xD0000000  }
0x3: {  	_ = 	snop  }
0x4: {  	_ = 	snop  }
0x5: {  	_ = 	snop  }
0x6: {  	_ = 	snop  }
0x7: {  	_ = 	snop  }
__scs_overlays_trampoline_lowered:
0x8: {  	[smem:$0x3F94] =	sst s0  }
0x9: {  	[smem:$0x3F95] =	sst s1  }
0xa: {  	[smem:$0x3F96] =	sst s2  }
0xb: {  	[smem:$0x3F97] =	sst s3  }
0xc: {  	[smem:$0x3F98] =	sst s4  }
0xd: {  	[smem:$0x3F99] =	sst s5  }
0xe: {  	[smem:$0x3F9A] =	sst s6  }
0xf: {  	[smem:$0x3F9B] =	sst s7  }
0x10: {  	[smem:$0x3F9C] =	sst s8  }
0x11: {  	[smem:$0x3F9D] =	sst s9;
	s0 =	simm.s32 @!p0 $0x0  }
0x12: {  	s1 =	sld [smem:$0x3F83];
	s0 =	simm.s32 @p0 $0x1  }
0x13: {  	[smem:$0x3F9E] =	sst s0;
	s0 =	simm.s32 @!p1 $0x0  }
0x14: {  	s2 =	sld [smem:$0x3F82];
	s0 =	simm.s32 @p1 $0x1  }
0x15: {  	[smem:$0x3F9F] =	sst s0;
	s0 =	simm.s32 @!p2 $0x0  }
0x16: {  	s3 =	sld [smem:$0x3FDB];
	s0 =	simm.s32 @p2 $0x1  }
0x17: {  	s4 =	simm.s32 $0x1BF5;
	[smem:$0x3FA1] =	sst s0  }
0x18: {  	s0 =	sld [smem:$0x3F84];
	_ =	swait.ge [sflag:s4], $0x0  }
0x19: {  	s7 =	sld [smem:$0x3F85]  }
0x1a: {  	s8 =	sadd.s32 $0xFFFFE003, lr  }
0x1b: {  	s9 =	sadd.s32 $0xFFFFFEF7, lr;
	s5 =	simm.s32 $0xFFFFFFFF;
	p2 =	slt.u32 s8, $0xFFFFF086  }
0x1c: {  	p1 =	slt.u32 s9, $0xF7A;
	s5 =	simm.s32 @!p2 $0x0  }
0x1d: {  	s5 =	simm.s32 @p1 $0x1;
	p0 =	seq.s32 s7, s2  }
0x1e: {  	s7 =	smul.u32 @!p0 $0xF7A, s2;
	p2 =	seq.s32 @!p0 s5, $0x0  }
0x1f: {  	s9 =	smul.u32 $0xF7A, s1;
	s8 =	simm.s32 @!p0 $0x1BF5;
	p2 =	por !p2, p0  }
0x20: {  	[sflag:s8] =	ssyncset.s32 @!p0 $0xFFFFF086;
	s6 =	sadd.s32 @!p0 s3, s7;
	s7 =	simm.s32 @!p0 $0x108  }
0x21: {  	s3 =	sadd.s32 s3, s9;
	s6 =	sadd.s32 @!p0 $0x88, s6;
	s7 =	simm.s32 @p2 $0x1082  }
0x22: {  	[simem:s7], [sflag:s8] =	dma.local @!p0 [hbm:s6], $0xF7A  }
0x23: {  	s9 =	sor.u32 $0xD0000000, s2;
	s6 =	simm.s32 $0x108;
	_ =	swait.ge @!p0 [sflag:s8], $0x0  }
0x24: {  	s3 =	sadd.s32 $0x88, s3;
	s6 =	simm.s32 @!p1 $0x1082;
	[sflag:s4] =	ssyncset.s32 $0xFFFFF086  }
0x25: {  	[simem:s6], [sflag:s4] =	dma.local [hbm:s3], $0xF7A  }
0x26: {  	[smem:$0x3F85] =	sst s1;
	(tag) =	ssettag s2;
	_ =	strace s9  }
0x27: {  	s1 =	sld [smem:$0x3F95]  }
0x28: {  	s2 =	sld [smem:$0x3F96]  }
0x29: {  	s4 =	sld [smem:$0x3F98]  }
0x2a: {  	p0 =	seq.s32 s5, $0x0;
	s5 =	sld [smem:$0x3F99]  }
0x2b: {  	s6 =	sld [smem:$0x3F9A]  }
0x2c: {  	s7 =	sld [smem:$0x3F9B]  }
0x2d: {  	s3 =	simm.s32 $0x108;
	s8 =	sld [smem:$0x3F9C]  }
0x2e: {  	s3 =	simm.s32 @!p0 $0x1082;
	s9 =	sld [smem:$0x3F9D]  }
0x2f: {  	lr =	sadd.s32 s0, s3;
	s0 =	sld [smem:$0x3F94]  }
0x30: {  	s3 =	sld [smem:$0x3F97]  }
0x31: {  	[smem:$0x3FA0] =	sst s10  }
0x32: {  	s10 =	sld [smem:$0x3F9E];
	_ =	sdelay $0x3  }
0x33: {  	p0 =	seq.s32 s10, $0x1;
	s10 =	sld [smem:$0x3FA0];
	_ =	sdelay $0x3  }
0x34: {  	[smem:$0x3FA0] =	sst s10  }
0x35: {  	s10 =	sld [smem:$0x3F9F];
	_ =	sdelay $0x3  }
0x36: {  	p1 =	seq.s32 s10, $0x1;
	s10 =	sld [smem:$0x3FA0];
	_ =	sdelay $0x3  }
0x37: {  	[smem:$0x3FA0] =	sst s10  }
0x38: {  	s10 =	sld [smem:$0x3FA1]  }
0x39: {  	_ = 	snop;
	(pc) =	sbr.ind lr, $3  }
0x3a: {  	_ = 	snop  }
0x3b: {  	_ = 	snop  }
0x3c: {  	p2 =	seq.s32 s10, $0x1;
	s10 =	sld [smem:$0x3FA0]  }
0x3d: {  	_ =	shalt  }
0x3e: {  	_ =	shalt  }
0x3f: {  	_ =	shalt  }
0x40: {  	_ =	shalt  }
0x41: {  	_ =	shalt  }
0x42: {  	_ =	shalt  }
0x43: {  	_ =	shalt  }
0x44: {  	_ =	shalt  }
0x45: {  	_ =	shalt  }
0x46: {  	_ =	shalt  }
0x47: {  	_ =	shalt  }
0x48: {  	_ =	shalt  }
0x49: {  	_ =	shalt  }
0x4a: {  	_ =	shalt  }
0x4b: {  	_ =	shalt  }
0x4c: {  	_ =	shalt  }
0x4d: {  	_ =	shalt  }
0x4e: {  	_ =	shalt  }
0x4f: {  	_ =	shalt  }
0x50: {  	_ =	shalt  }
0x51: {  	_ =	shalt  }
0x52: {  	_ =	shalt  }
0x53: {  	_ =	shalt  }
0x54: {  	_ =	shalt  }
0x55: {  	_ =	shalt  }
0x56: {  	_ =	shalt  }
0x57: {  	_ =	shalt  }
0x58: {  	_ =	shalt  }
0x59: {  	_ =	shalt  }
0x5a: {  	_ =	shalt  }
0x5b: {  	_ =	shalt  }
0x5c: {  	_ =	shalt  }
0x5d: {  	_ =	shalt  }
0x5e: {  	_ =	shalt  }
0x5f: {  	_ =	shalt  }
0x60: {  	_ =	shalt  }
0x61: {  	_ =	shalt  }
0x62: {  	_ =	shalt  }
0x63: {  	_ =	shalt  }
0x64: {  	_ =	shalt  }
0x65: {  	_ =	shalt  }
0x66: {  	_ =	shalt  }
0x67: {  	_ =	shalt  }
0x68: {  	_ =	shalt  }
0x69: {  	_ =	shalt  }
0x6a: {  	_ =	shalt  }
0x6b: {  	_ =	shalt  }
0x6c: {  	_ =	shalt  }
0x6d: {  	_ =	shalt  }
0x6e: {  	_ =	shalt  }
0x6f: {  	_ =	shalt  }
0x70: {  	_ =	shalt  }
0x71: {  	_ =	shalt  }
0x72: {  	_ =	shalt  }
0x73: {  	_ =	shalt  }
0x74: {  	_ =	shalt  }
0x75: {  	_ =	shalt  }
0x76: {  	_ =	shalt  }
0x77: {  	_ =	shalt  }
0x78: {  	_ =	shalt  }
0x79: {  	_ =	shalt  }
0x7a: {  	_ =	shalt  }
0x7b: {  	_ =	shalt  }
0x7c: {  	_ =	shalt  }
0x7d: {  	_ =	shalt  }
0x7e: {  	_ =	shalt  }
0x7f: {  	_ =	shalt  }
0x80: {  	_ =	shalt  }
0x81: {  	_ =	shalt  }
0x82: {  	_ =	shalt  }
0x83: {  	_ =	shalt  }
0x84: {  	_ =	shalt  }
0x85: {  	_ =	shalt  }
0x86: {  	_ =	shalt  }
0x87: {  	_ =	shalt  }
.Lfunc_end0:
.L_simem_size_0:
called_computation.2_lowered:
.L_overlay_start_0:
0x88: {  	s2 =	sld [smem:$0x3FD9]  }
0x89: {  	s3 =	sld [smem:$0x3FFE];
	_ =	sdelay $0x1  }
0x8a: {  	s1 =	srdreg.scid  }
0x8b: {  	s0 =	sand.u32 $0x1, s1  }
0x8c: {  	s16 =	sshll.u32 s0, $0xA;
	s2 =	sadd.s32 s3, s2  }
0x8d: {  	s2 =	sadd.s32 s2, s16  }
0x8e: {  	[smem:$0x3FAC] =	sst s2  }
0x8f: {  	_ = 	snop  }
0x90: {  	(tm) =	ssettm $0x1  }
0x91: {  	s17 =	sld [smem:$0x3FFB];
	_ =	sdelay $0x3  }
0x92: {  	_ =	strace s17  }
0x93: {  	s2 =	sld [smem:$0x3FFC];
	_ =	sdelay $0x3  }
0x94: {  	_ =	strace s2  }
0x95: {  	s2 =	sld [smem:$0x3FFD];
	_ =	sdelay $0x3  }
0x96: {  	_ =	strace s2  }
0x97: {  	_ =	strace $0x8FFFFFFF  }
0x98: {  	s18 =	sld [smem:$0x3FDB];
	_ =	sdelay $0x1  }
0x99: {  	s19 =	simm.s32 $_scs_section_size  }
0x9a: {  	s4 =	simm.s32 $_size__tile_overlayer_lowered;
	s5 =	simm.s32 $_tile_overlayer_lowered  }
0x9b: {  	s22 =	simm.s32 $0x1BFF;
	s21 =	sshll.u32 s5, $0x1;
	s2 =	sadd.s32 s19, s18  }
0x9c: {  	s6 =	simm.s32 $0x0;
	s20 =	sshll.u32 s4, $0x1;
	s4 =	sadd.s32 s21, s2  }
0x9d: {  	[timem:s6], [sflag:s22] =	dma.local [hbm:s4], s20  }
0x9e: {  	_ =	swait.ge [sflag:s22], s20  }
0x9f: {  	s3 =	ssub.s32 $0x0, s20;
	[sflag:s22] =	ssyncset.done $0x0  }
0xa0: {  	[sflag:s22] =	ssyncadd.s32 s3;
	_ =	sdelay $0x1  }
0xa1: {  	s23 =	simm.s32 $0x1B8B  }
0xa2: {  	_ =	swait.ge [sflag:s23], $0x1  }
0xa3: {  	[sflag:s23] =	ssyncset.done $0x0  }
0xa4: {  	s25 =	simm.s32 $0x1B8E;
	s24 =	sld [smem:$0x3FFE];
	[sflag:s23] =	ssyncadd.s32 $0xFFFFFFFF  }
0xa5: {  	s26 =	simm.s32 $execute0_lowered;
	[smem:$0x3FD2] =	sst s25  }
0xa6: {  	s4 =	sshll.u32 s26, $0x1;
	_ =	strace $0x8000004C;
	[dreg:$0x1] =	wrdreg $0xFFFFFFFF  }
0xa7: {  	s28 =	simm.s32 $_size_execute0_lowered;
	s2 =	sadd.s32 s2, s4;
	[dreg:$0x0] =	wrdreg $0x0  }
0xa8: {  	s4 =	sshll.u32 s28, $0x1;
	[dreg:$0x2] =	wrdreg s2  }
0xa9: {  	[dreg:$0x3] =	wrdreg s4  }
0xaa: {  	[dreg:$0x4] =	wrdreg $0xC0  }
0xab: {  	_ =	task [dreg:s6], $0x5FFFF  }
0xac: {  	[dreg:$0x1] =	wrdreg $0xFFFFFFFF  }
0xad: {  	[dreg:$0x0] =	wrdreg $0x60  }
0xae: {  	[dreg:$0x2] =	wrdreg s24  }
0xaf: {  	[dreg:$0x3] =	wrdreg $0x0  }
0xb0: {  	[dreg:$0x4] =	wrdreg $0x9  }
0xb1: {  	_ =	task.clear_ibuf [dreg:s6], $0x5FFFF;
	_ =	strace $0x9000004C  }
0xb2: {  	s29 =	simm.s32 $0x9;
	_ =	strace $0x8000004E  }
0xb3: {  	_ =	swait.ge [sflag:s29], $0x1  }
0xb4: {  	[sflag:s29] =	ssyncadd.s32 $0xFFFFFFFF  }
0xb5: {  	_ =	strace $0x9000004E  }
0xb6: {  	_ =	sfence  }
0xb7: {  	s30 =	sld [smem:$0x0];
	_ =	sdelay $0x2  }
0xb8: {  	s31 =	sshll.u32 s1, $0xD;
	s1 =	sshrl.u32 s1, $0x2  }
0xb9: {  	s3 =	sand.u32 $0x4000, s31;
	s1 =	sadd.s32 s1, s30  }
0xba: {  	s0 =	sor.u32 s3, s0;
	s1 =	sshll.u32 s1, $0x11  }
0xbb: {  	s0 =	sor.u32 s1, s0  }
0xbc: {  	s0 =	sadd.s32 $0x8F2B, s0  }
0xbd: {  	[sflag:s0] =	ssyncadd.remote.s32 $0x1  }
0xbe: {  	_ =	sfence.sel $0xFFFF  }
0xbf: {  	[dreg:$0x0] =	wrdreg $0xFFFFFFFF;
	(pc) =	sbr.abs _section_cstart, $3  }
0xc0: {  	[dreg:$0x1] =	wrdreg $0xFFFFFFFF  }
0xc1: {  	_ =	task.clear_ibuf [dreg:s6], $0x2FFFF;
	_ =	strace $0x9FFFFFFF  }
0xc2: {  	(tm) =	ssettm $0x7FFFFFFF  }
0xc3: {  	_ =	shalt  }
tec
execute0_lowered:
.L_overlay_start_1:
0x0: {  	(tag) =	ssettag $0x1  }
0x1: {  	s6 =	rddreg [dreg:$0x0]  }
0x2: {  	s0 =	srdreg.scid;
	s2 =	rddreg [dreg:$0x1];
	s3 =	simm.s32 $0x0  }
0x3: {  	s13 =	simm.s32 $0x5000;
	s14 =	simm.s32 $0x7800;
	s15 =	simm.s32 $0x80  }
0x4: {  	s16 =	simm.s32 $0xA000;
	s17 =	simm.s32 $0x1;
	s18 =	simm.s32 $0x0  }
0x5: {  	s5 =	sand.u32 $0x1, s0;
	s0 =	stileid.u32;
	[smem:$0x7FF] =	sst s3  }
0x6: {  	s4 =	sadd.s32 $0xA7200, s6;
	s1 =	sshll.u32 s5, $0x4;
	s8 =	smul.u32 $0x5000, s0  }
0x7: {  	s9 =	smul.u32 $0x50000, s5;
	s5 =	ssub.s32 $0x2, s5;
	s1 =	sor.u32 s0, s1  }
0x8: {  	s31 =	sshll.u32 s0, $0x6;
	s11 =	sshrl.u32 s5, $0x1;
	s7 =	smul.u32 $0x500, s1  }
0x9: {  	s1 =	rddreg [dreg:$0x2];
	_ =	strace $0x8000004D;
	s30 =	sshrl.u32 s8, $0x3  }
0xa: {  	s9 =	sadd.s32 s8, s9;
	s11 =	ssub.s32 s5, s11;
	s12 =	sadd.s32 s8, s2  }
0xb: {  	s9 =	sshrl.u32 s9, $0x3;
	s10 =	sadd.s32 s7, s6;
	s7 =	sadd.s32 s30, s6  }
0xc: {  	s9 =	sadd.s32 s9, s6;
	s6 =	sor.u32 $0x1C02, s31;
	s5 =	sadd.s32 $0xCF200, s7  }
0xd: {  	s7 =	sadd.s32 $0x7200, s10;
	s8 =	sadd.s32 $0x11200, s10;
	s9 =	sadd.s32 $0xB1200, s9  }
0xe: {  	s10 =	smax.u32 s11, $0x1;
	s11 =	sshrl.u32 s12, $0x3;
	s12 =	simm.s32 $0x2  }
.LBB2_1:
0xf: {  	[spmem:s11], [sflag:s6] =	dma.local [hbm:s5], $0xA00  }
0x10: {  	_ =	swait.ge [sflag:s12], $0xA00  }
0x11: {  	[sflag:s12] =	ssyncset.done $0x0  }
0x12: {  	[sflag:s12] =	ssyncadd.s32 $0xFFFFF600  }
0x13: {  	[bflag:$0x0] =	sbarrier.arrive $0xFFFF  }
0x14: {  	[tilespmem:s13], [sflag:$0x2] =	stream.linear.gather [hbm4b:s7+s3], $0x2800, $0x38;
	[tilespmem:$0xB000] =	vst v63  }
0x15: {  	_ =	swait.ge [sflag:s12], $0x2800  }
0x16: {  	[sflag:s12] =	ssyncset.done $0x0  }
0x17: {  	[sflag:s12] =	ssyncadd.s32 $0xFFFFD800  }
0x18: {  	[tilespmem:s14], [sflag:$0x2] =	stream.linear.gather [hbm4b:s8+s3], $0x2800, $0x38;
	[tilespmem:$0xB000] =	vst v63  }
0x19: {  	_ =	swait.ge [sflag:s12], $0x2800  }
0x1a: {  	[sflag:s12] =	ssyncset.done $0x0  }
0x1b: {  	s19 =	simm.s32 $0x5000;
	[sflag:s12] =	ssyncadd.s32 $0xFFFFD800  }
0x1c: {  	[tilespmem:s16], [sflag:$0x1] =	stream.indirect.gather [hbm4b:s4+s15], $0x20, s19, s15, $0xb8;
	[tilespmem:$0xB000] =	vst v63  }
0x1d: {  	_ =	swait.ge [sflag:s17], $0x1000  }
0x1e: {  	[sflag:s17] =	ssyncset.done $0x0  }
0x1f: {  	s31 =	simm.s32 $0x7800;
	[sflag:s17] =	ssyncadd.s32 $0xFFFFF000  }
0x20: {  	[spmem:s2] =	stream.indirect.scatter.add.f32 [tilespmem:s16], [sflag:$0x2], $0x20, s31, s15, $0xb8;
	[tilespmem:$0xB000] =	vst v63  }
0x21: {  	_ =	swait.ge [sflag:s12], $0x1000  }
0x22: {  	s20 =	simm.s32 $0x400;
	s19 =	simm.s32 $0x80;
	[sflag:s12] =	ssyncset.done $0x0  }
.LBB2_2:
0x23: {  	s21 =	sadd.s32 $0x5000, s19  }
0x24: {  	[sflag:s12] =	ssyncadd.s32 $0xFFFFF000;
	s22 =	smov.u32 s20;
	s23 =	sadd.s32 $0x200, s20  }
0x25: {  	[tilespmem:s16], [sflag:$0x1] =	stream.indirect.gather [hbm4b:s4+s15], $0x20, s21, s15, $0xb8;
	[tilespmem:$0xB000] =	vst v63  }
0x26: {  	p0 =	sne.s32 s20, $0x9E00;
	_ =	swait.ge [sflag:s17], $0x1000  }
.Ltmp0:
0x27: {  	[sflag:s17] =	ssyncset.done $0x0;
	(pc) =	sbr.rel @p0 .LBB2_2-.Ltmp0, $4  }
0x28: {  	s19 =	sadd.s32 $0x7800, s19;
	[sflag:s17] =	ssyncadd.s32 $0xFFFFF000  }
0x29: {  	[spmem:s2] =	stream.indirect.scatter.add.f32 [tilespmem:s16], [sflag:$0x2], $0x20, s19, s15, $0xb8;
	[tilespmem:$0xB000] =	vst v63  }
0x2a: {  	_ =	swait.ge [sflag:s12], $0x1000  }
0x2b: {  	s20 =	smov.u32 s23;
	s19 =	sshra.s32 s22, $0x2;
	[sflag:s12] =	ssyncset.done $0x0  }
0x2c: {  	s20 =	sadd.s32 $0x5000, s19;
	[sflag:s12] =	ssyncadd.s32 $0xFFFFF000  }
0x2d: {  	[tilespmem:s16], [sflag:$0x1] =	stream.indirect.gather [hbm4b:s4+s15], $0x20, s20, s15, $0xb8;
	[tilespmem:$0xB000] =	vst v63  }
0x2e: {  	_ =	swait.ge [sflag:s17], $0x1000  }
0x2f: {  	[sflag:s17] =	ssyncset.done $0x0  }
0x30: {  	s31 =	sadd.s32 $0x7800, s19;
	[sflag:s17] =	ssyncadd.s32 $0xFFFFF000  }
0x31: {  	[spmem:s2] =	stream.indirect.scatter.add.f32 [tilespmem:s16], [sflag:$0x2], $0x20, s31, s15, $0xb8;
	[tilespmem:$0xB000] =	vst v63  }
0x32: {  	_ =	swait.ge [sflag:s12], $0x1000  }
0x33: {  	s18 =	sadd.s32 $0x1, s18;
	[sflag:s12] =	ssyncset.done $0x0  }
0x34: {  	p0 =	sne.s32 s18, s10;
	[sflag:s12] =	ssyncadd.s32 $0xFFFFF000  }
.Ltmp1:
0x35: {  	[bflag:$0x0] =	sbarrier.arrive $0xFFFF;
	(pc) =	sbr.rel @p0 .LBB2_1-.Ltmp1, $4  }
0x36: {  	[hbm:s9], [sflag:s6] =	dma.local [spmem:s11], $0xA00  }
0x37: {  	_ =	swait.ge [sflag:s12], $0xA00  }
0x38: {  	[sflag:s12] =	ssyncset.done $0x0  }
0x39: {  	[sflag:s12] =	ssyncadd.s32 $0xFFFFF600  }
0x3a: {  	_ =	sfence.sel $0x180000  }
0x3b: {  	[bflag:$0x0] =	sbarrier.arrive $0xFFFF  }
0x3c: {  	p0 =	sne.s32 s0, $0x0;
	_ =	strace $0x9000004D  }
0x3d: {  	s0 =	sadd.s32 @!p0 $0x100000, s1;
	[bflag:$0x2] =	sbarrier.arrive $0xFFFF  }
0x3e: {  	[sflag:s0] =	ssyncadd.tile.s32 @!p0 $0x1;
	_ =	shalt  }
.Lfunc_end2:
_tile_overlayer_lowered:
.L_overlay_start_2:
0x3f: {  	(tag) =	ssettag $0x2  }
0x40: {  	s0 =	rddreg [dreg:$0x0];
	s2 =	stileid.u32  }
0x41: {  	s1 =	rddreg [dreg:$0x1];
	p0 =	sne.s32 s2, $0x0  }
0x42: {  	s3 =	rddreg [dreg:$0x2];
	[bflag:$0x3] =	sbarrier.arrive $0xFFFF;
	s2 =	simm.s32 @!p0 $0x1C02  }
0x43: {  	[timem:s3], [sflag:s2] =	dma.local @!p0 [hbm:s0], s1  }
0x44: {  	s0 =	simm.s32 @!p0 $0x2  }
0x45: {  	_ =	swait.ge @!p0 [sflag:s0], s1  }
0x46: {  	s1 =	ssub.s32 @!p0 $0x0, s1;
	[sflag:s0] =	ssyncset.done @!p0 $0x0  }
0x47: {  	[sflag:s0] =	ssyncadd.s32 @!p0 s1  }
0x48: {  	[bflag:$0x3] =	sbarrier.arrive $0xFFFF  }
0x49: {  	_ =	shalt  }

// kernel: kernel.8.cloned.1.call-start
scs
__scs_entry_jumppad:
0x0: {  	(pc) =	sbr.rel $0x88, $3  }
0x1: {  	(tag) =	ssettag $0x0;
	lr =	simm.s32 $0x1  }
0x2: {  	[smem:$0x3F85] =	sst lr;
	_ =	strace $0xD0000000  }
0x3: {  	_ = 	snop  }
0x4: {  	_ = 	snop  }
0x5: {  	_ = 	snop  }
0x6: {  	_ = 	snop  }
0x7: {  	_ = 	snop  }
__scs_overlays_trampoline_lowered:
0x8: {  	[smem:$0x3F94] =	sst s0  }
0x9: {  	[smem:$0x3F95] =	sst s1  }
0xa: {  	[smem:$0x3F96] =	sst s2  }
0xb: {  	[smem:$0x3F97] =	sst s3  }
0xc: {  	[smem:$0x3F98] =	sst s4  }
0xd: {  	[smem:$0x3F99] =	sst s5  }
0xe: {  	[smem:$0x3F9A] =	sst s6  }
0xf: {  	[smem:$0x3F9B] =	sst s7  }
0x10: {  	[smem:$0x3F9C] =	sst s8  }
0x11: {  	[smem:$0x3F9D] =	sst s9;
	s0 =	simm.s32 @!p0 $0x0  }
0x12: {  	s1 =	sld [smem:$0x3F83];
	s0 =	simm.s32 @p0 $0x1  }
0x13: {  	[smem:$0x3F9E] =	sst s0;
	s0 =	simm.s32 @!p1 $0x0  }
0x14: {  	s2 =	sld [smem:$0x3F82];
	s0 =	simm.s32 @p1 $0x1  }
0x15: {  	[smem:$0x3F9F] =	sst s0;
	s0 =	simm.s32 @!p2 $0x0  }
0x16: {  	s3 =	sld [smem:$0x3FDB];
	s0 =	simm.s32 @p2 $0x1  }
0x17: {  	s4 =	simm.s32 $0x1BF5;
	[smem:$0x3FA1] =	sst s0  }
0x18: {  	s0 =	sld [smem:$0x3F84];
	_ =	swait.ge [sflag:s4], $0x0  }
0x19: {  	s7 =	sld [smem:$0x3F85]  }
0x1a: {  	s8 =	sadd.s32 $0xFFFFE003, lr  }
0x1b: {  	s9 =	sadd.s32 $0xFFFFFEF7, lr;
	s5 =	simm.s32 $0xFFFFFFFF;
	p2 =	slt.u32 s8, $0xFFFFF086  }
0x1c: {  	p1 =	slt.u32 s9, $0xF7A;
	s5 =	simm.s32 @!p2 $0x0  }
0x1d: {  	s5 =	simm.s32 @p1 $0x1;
	p0 =	seq.s32 s7, s2  }
0x1e: {  	s7 =	smul.u32 @!p0 $0xF7A, s2;
	p2 =	seq.s32 @!p0 s5, $0x0  }
0x1f: {  	s9 =	smul.u32 $0xF7A, s1;
	s8 =	simm.s32 @!p0 $0x1BF5;
	p2 =	por !p2, p0  }
0x20: {  	[sflag:s8] =	ssyncset.s32 @!p0 $0xFFFFF086;
	s6 =	sadd.s32 @!p0 s3, s7;
	s7 =	simm.s32 @!p0 $0x108  }
0x21: {  	s3 =	sadd.s32 s3, s9;
	s6 =	sadd.s32 @!p0 $0x88, s6;
	s7 =	simm.s32 @p2 $0x1082  }
0x22: {  	[simem:s7], [sflag:s8] =	dma.local @!p0 [hbm:s6], $0xF7A  }
0x23: {  	s9 =	sor.u32 $0xD0000000, s2;
	s6 =	simm.s32 $0x108;
	_ =	swait.ge @!p0 [sflag:s8], $0x0  }
0x24: {  	s3 =	sadd.s32 $0x88, s3;
	s6 =	simm.s32 @!p1 $0x1082;
	[sflag:s4] =	ssyncset.s32 $0xFFFFF086  }
0x25: {  	[simem:s6], [sflag:s4] =	dma.local [hbm:s3], $0xF7A  }
0x26: {  	[smem:$0x3F85] =	sst s1;
	(tag) =	ssettag s2;
	_ =	strace s9  }
0x27: {  	s1 =	sld [smem:$0x3F95]  }
0x28: {  	s2 =	sld [smem:$0x3F96]  }
0x29: {  	s4 =	sld [smem:$0x3F98]  }
0x2a: {  	p0 =	seq.s32 s5, $0x0;
	s5 =	sld [smem:$0x3F99]  }
0x2b: {  	s6 =	sld [smem:$0x3F9A]  }
0x2c: {  	s7 =	sld [smem:$0x3F9B]  }
0x2d: {  	s3 =	simm.s32 $0x108;
	s8 =	sld [smem:$0x3F9C]  }
0x2e: {  	s3 =	simm.s32 @!p0 $0x1082;
	s9 =	sld [smem:$0x3F9D]  }
0x2f: {  	lr =	sadd.s32 s0, s3;
	s0 =	sld [smem:$0x3F94]  }
0x30: {  	s3 =	sld [smem:$0x3F97]  }
0x31: {  	[smem:$0x3FA0] =	sst s10  }
0x32: {  	s10 =	sld [smem:$0x3F9E];
	_ =	sdelay $0x3  }
0x33: {  	p0 =	seq.s32 s10, $0x1;
	s10 =	sld [smem:$0x3FA0];
	_ =	sdelay $0x3  }
0x34: {  	[smem:$0x3FA0] =	sst s10  }
0x35: {  	s10 =	sld [smem:$0x3F9F];
	_ =	sdelay $0x3  }
0x36: {  	p1 =	seq.s32 s10, $0x1;
	s10 =	sld [smem:$0x3FA0];
	_ =	sdelay $0x3  }
0x37: {  	[smem:$0x3FA0] =	sst s10  }
0x38: {  	s10 =	sld [smem:$0x3FA1]  }
0x39: {  	_ = 	snop;
	(pc) =	sbr.ind lr, $3  }
0x3a: {  	_ = 	snop  }
0x3b: {  	_ = 	snop  }
0x3c: {  	p2 =	seq.s32 s10, $0x1;
	s10 =	sld [smem:$0x3FA0]  }
0x3d: {  	_ =	shalt  }
0x3e: {  	_ =	shalt  }
0x3f: {  	_ =	shalt  }
0x40: {  	_ =	shalt  }
0x41: {  	_ =	shalt  }
0x42: {  	_ =	shalt  }
0x43: {  	_ =	shalt  }
0x44: {  	_ =	shalt  }
0x45: {  	_ =	shalt  }
0x46: {  	_ =	shalt  }
0x47: {  	_ =	shalt  }
0x48: {  	_ =	shalt  }
0x49: {  	_ =	shalt  }
0x4a: {  	_ =	shalt  }
0x4b: {  	_ =	shalt  }
0x4c: {  	_ =	shalt  }
0x4d: {  	_ =	shalt  }
0x4e: {  	_ =	shalt  }
0x4f: {  	_ =	shalt  }
0x50: {  	_ =	shalt  }
0x51: {  	_ =	shalt  }
0x52: {  	_ =	shalt  }
0x53: {  	_ =	shalt  }
0x54: {  	_ =	shalt  }
0x55: {  	_ =	shalt  }
0x56: {  	_ =	shalt  }
0x57: {  	_ =	shalt  }
0x58: {  	_ =	shalt  }
0x59: {  	_ =	shalt  }
0x5a: {  	_ =	shalt  }
0x5b: {  	_ =	shalt  }
0x5c: {  	_ =	shalt  }
0x5d: {  	_ =	shalt  }
0x5e: {  	_ =	shalt  }
0x5f: {  	_ =	shalt  }
0x60: {  	_ =	shalt  }
0x61: {  	_ =	shalt  }
0x62: {  	_ =	shalt  }
0x63: {  	_ =	shalt  }
0x64: {  	_ =	shalt  }
0x65: {  	_ =	shalt  }
0x66: {  	_ =	shalt  }
0x67: {  	_ =	shalt  }
0x68: {  	_ =	shalt  }
0x69: {  	_ =	shalt  }
0x6a: {  	_ =	shalt  }
0x6b: {  	_ =	shalt  }
0x6c: {  	_ =	shalt  }
0x6d: {  	_ =	shalt  }
0x6e: {  	_ =	shalt  }
0x6f: {  	_ =	shalt  }
0x70: {  	_ =	shalt  }
0x71: {  	_ =	shalt  }
0x72: {  	_ =	shalt  }
0x73: {  	_ =	shalt  }
0x74: {  	_ =	shalt  }
0x75: {  	_ =	shalt  }
0x76: {  	_ =	shalt  }
0x77: {  	_ =	shalt  }
0x78: {  	_ =	shalt  }
0x79: {  	_ =	shalt  }
0x7a: {  	_ =	shalt  }
0x7b: {  	_ =	shalt  }
0x7c: {  	_ =	shalt  }
0x7d: {  	_ =	shalt  }
0x7e: {  	_ =	shalt  }
0x7f: {  	_ =	shalt  }
0x80: {  	_ =	shalt  }
0x81: {  	_ =	shalt  }
0x82: {  	_ =	shalt  }
0x83: {  	_ =	shalt  }
0x84: {  	_ =	shalt  }
0x85: {  	_ =	shalt  }
0x86: {  	_ =	shalt  }
0x87: {  	_ =	shalt  }
.Lfunc_end0:
.L_simem_size_0:
called_computation_lowered:
.L_overlay_start_0:
0x88: {  	s2 =	sld [smem:$0x3FD9]  }
0x89: {  	s3 =	sld [smem:$0x3FFE];
	_ =	sdelay $0x1  }
0x8a: {  	s1 =	srdreg.scid  }
0x8b: {  	s0 =	sand.u32 $0x1, s1  }
0x8c: {  	s16 =	sshll.u32 s0, $0xA;
	s2 =	sadd.s32 s3, s2  }
0x8d: {  	s2 =	sadd.s32 s2, s16  }
0x8e: {  	[smem:$0x3FAC] =	sst s2  }
0x8f: {  	_ = 	snop  }
0x90: {  	(tm) =	ssettm $0x1  }
0x91: {  	s17 =	sld [smem:$0x3FFB];
	_ =	sdelay $0x3  }
0x92: {  	_ =	strace s17  }
0x93: {  	s2 =	sld [smem:$0x3FFC];
	_ =	sdelay $0x3  }
0x94: {  	_ =	strace s2  }
0x95: {  	s2 =	sld [smem:$0x3FFD];
	_ =	sdelay $0x3  }
0x96: {  	_ =	strace s2  }
0x97: {  	_ =	strace $0x8FFFFFFF  }
0x98: {  	s18 =	sld [smem:$0x3FDB];
	_ =	sdelay $0x1  }
0x99: {  	s19 =	simm.s32 $_scs_section_size  }
0x9a: {  	s4 =	simm.s32 $_size__tile_overlayer_lowered;
	s5 =	simm.s32 $_tile_overlayer_lowered  }
0x9b: {  	s22 =	simm.s32 $0x1BFF;
	s21 =	sshll.u32 s5, $0x1;
	s2 =	sadd.s32 s19, s18  }
0x9c: {  	s6 =	simm.s32 $0x0;
	s20 =	sshll.u32 s4, $0x1;
	s4 =	sadd.s32 s21, s2  }
0x9d: {  	[timem:s6], [sflag:s22] =	dma.local [hbm:s4], s20  }
0x9e: {  	_ =	swait.ge [sflag:s22], s20  }
0x9f: {  	s3 =	ssub.s32 $0x0, s20;
	[sflag:s22] =	ssyncset.done $0x0  }
0xa0: {  	[sflag:s22] =	ssyncadd.s32 s3;
	_ =	sdelay $0x1  }
0xa1: {  	s23 =	simm.s32 $0x1B8B  }
0xa2: {  	_ =	swait.ge [sflag:s23], $0x1  }
0xa3: {  	[sflag:s23] =	ssyncset.done $0x0  }
0xa4: {  	s25 =	simm.s32 $0x1B8E;
	s24 =	sld [smem:$0x3FFE];
	[sflag:s23] =	ssyncadd.s32 $0xFFFFFFFF  }
0xa5: {  	s26 =	simm.s32 $execute0_lowered;
	[smem:$0x3FD2] =	sst s25  }
0xa6: {  	s4 =	sshll.u32 s26, $0x1;
	_ =	strace $0x80000046;
	[dreg:$0x1] =	wrdreg $0xFFFFFFFF  }
0xa7: {  	s28 =	simm.s32 $_size_execute0_lowered;
	s2 =	sadd.s32 s2, s4;
	[dreg:$0x0] =	wrdreg $0x0  }
0xa8: {  	s4 =	sshll.u32 s28, $0x1;
	[dreg:$0x2] =	wrdreg s2  }
0xa9: {  	[dreg:$0x3] =	wrdreg s4  }
0xaa: {  	[dreg:$0x4] =	wrdreg $0xC0  }
0xab: {  	_ =	task [dreg:s6], $0x5FFFF  }
0xac: {  	[dreg:$0x1] =	wrdreg $0xFFFFFFFF  }
0xad: {  	[dreg:$0x0] =	wrdreg $0x60  }
0xae: {  	[dreg:$0x2] =	wrdreg s24  }
0xaf: {  	[dreg:$0x3] =	wrdreg $0x0  }
0xb0: {  	[dreg:$0x4] =	wrdreg $0x28000  }
0xb1: {  	[dreg:$0x5] =	wrdreg $0x50000  }
0xb2: {  	[dreg:$0x6] =	wrdreg $0x9  }
0xb3: {  	_ =	task.clear_ibuf [dreg:s6], $0x7FFFF;
	_ =	strace $0x90000046  }
0xb4: {  	s29 =	simm.s32 $0x9;
	_ =	strace $0x80000048  }
0xb5: {  	_ =	swait.ge [sflag:s29], $0x1  }
0xb6: {  	[sflag:s29] =	ssyncadd.s32 $0xFFFFFFFF  }
0xb7: {  	_ =	strace $0x90000048  }
0xb8: {  	_ =	sfence  }
0xb9: {  	s30 =	sld [smem:$0x0];
	_ =	sdelay $0x2  }
0xba: {  	s31 =	sshll.u32 s1, $0xD;
	s1 =	sshrl.u32 s1, $0x2  }
0xbb: {  	s3 =	sand.u32 $0x4000, s31;
	s1 =	sadd.s32 s1, s30  }
0xbc: {  	s0 =	sor.u32 s3, s0;
	s1 =	sshll.u32 s1, $0x11  }
0xbd: {  	s0 =	sor.u32 s1, s0  }
0xbe: {  	s0 =	sadd.s32 $0x8F2B, s0  }
0xbf: {  	[sflag:s0] =	ssyncadd.remote.s32 $0x1  }
0xc0: {  	_ =	sfence.sel $0xFFFF  }
0xc1: {  	[dreg:$0x0] =	wrdreg $0xFFFFFFFF;
	(pc) =	sbr.abs _section_cstart, $3  }
0xc2: {  	[dreg:$0x1] =	wrdreg $0xFFFFFFFF  }
0xc3: {  	_ =	task.clear_ibuf [dreg:s6], $0x2FFFF;
	_ =	strace $0x9FFFFFFF  }
0xc4: {  	(tm) =	ssettm $0x7FFFFFFF  }
0xc5: {  	_ =	shalt  }
tec
execute0_lowered:
.L_overlay_start_1:
0x0: {  	(tag) =	ssettag $0x1  }
0x1: {  	s0 =	rddreg [dreg:$0x0]  }
0x2: {  	s1 =	rddreg [dreg:$0x1]  }
0x3: {  	s3 =	rddreg [dreg:$0x2]  }
0x4: {  	s4 =	rddreg [dreg:$0x3]  }
0x5: {  	s5 =	simm.s32 $0x0;
	s11 =	stileid.u32;
	s2 =	srdreg.scid  }
0x6: {  	s22 =	simm.s32 $0x2;
	s28 =	simm.s32 $0x1;
	s29 =	simm.s32 $0x0  }
0x7: {  	[smem:$0x7FF] =	sst s5;
	s23 =	smul.u32 $0x2800, s11;
	s2 =	sand.u32 $0x1, s2  }
0x8: {  	s6 =	sadd.s32 $0x1B200, s0;
	s16 =	sadd.s32 $0x20200, s0;
	s17 =	sadd.s32 $0x3E200, s0  }
0x9: {  	s26 =	sshll.u32 s11, $0x6;
	_ =	strace $0x80000047;
	s7 =	smul.u32 $0x78000, s2  }
0xa: {  	s9 =	sshll.u32 s2, $0x4;
	s2 =	ssub.s32 $0x2, s2;
	s8 =	sshrl.u32 s23, $0x3  }
0xb: {  	s9 =	sor.u32 s11, s9;
	s24 =	sshrl.u32 s2, $0x1;
	s25 =	sadd.s32 s23, s1  }
0xc: {  	s30 =	sadd.s32 s23, s3;
	s5 =	sadd.s32 s23, s4;
	s8 =	sadd.s32 s8, s0  }
0xd: {  	s7 =	sadd.s32 s23, s7;
	s10 =	smul.u32 $0x2800, s9;
	[dreg:$0x5] =	wrdreg s25  }
0xe: {  	s2 =	ssub.s32 s2, s24;
	s9 =	sor.u32 $0x1C02, s26;
	[dreg:$0x6] =	wrdreg s30  }
0xf: {  	[dreg:$0x7] =	wrdreg s5;
	s23 =	simm.s32 $0x7800;
	s24 =	simm.s32 $0xA000  }
0x10: {  	s25 =	simm.s32 $0x80;
	s26 =	simm.s32 $0xC800;
	s7 =	sshrl.u32 s7, $0x3  }
0x11: {  	s8 =	sadd.s32 $0x5C200, s8;
	s21 =	smax.u32 s2, $0x1;
	s14 =	sshrl.u32 s10, $0x3  }
0x12: {  	s0 =	sadd.s32 s7, s0;
	s12 =	sadd.s32 s16, s14;
	s13 =	sadd.s32 s17, s14  }
0x13: {  	s31 =	sadd.s32 $0xA000, s14;
	s18 =	sadd.s32 $0x14000, s14;
	s19 =	sadd.s32 $0x66200, s0  }
0x14: {  	s20 =	sadd.s32 $0x6B200, s0;
	s14 =	sadd.s32 s16, s31;
	s15 =	sadd.s32 s17, s31  }
0x15: {  	s16 =	sadd.s32 s16, s18;
	s17 =	sadd.s32 s17, s18;
	s18 =	sadd.s32 $0x61200, s0  }
.LBB2_1:
0x16: {  	s0 =	rddreg [dreg:$0x5]  }
0x17: {  	s30 =	sshrl.u32 s0, $0x3  }
0x18: {  	[spmem:s30], [sflag:s9] =	dma.local [hbm:s8], $0x500  }
0x19: {  	_ =	swait.ge [sflag:s22], $0x500  }
0x1a: {  	[sflag:s22] =	ssyncset.done $0x0;
	s5 =	rddreg [dreg:$0x6]  }
0x1b: {  	[sflag:s22] =	ssyncadd.s32 $0xFFFFFB00;
	s31 =	sshrl.u32 s5, $0x3  }
0x1c: {  	[spmem:s31], [sflag:s9] =	dma.local [hbm:s8], $0x500  }
0x1d: {  	_ =	swait.ge [sflag:s22], $0x500  }
0x1e: {  	[sflag:s22] =	ssyncset.done $0x0;
	s7 =	rddreg [dreg:$0x7]  }
0x1f: {  	[sflag:s22] =	ssyncadd.s32 $0xFFFFFB00;
	s0 =	sshrl.u32 s7, $0x3  }
0x20: {  	[spmem:s0], [sflag:s9] =	dma.local [hbm:s8], $0x500  }
0x21: {  	_ =	swait.ge [sflag:s22], $0x500  }
0x22: {  	[sflag:s22] =	ssyncset.done $0x0  }
0x23: {  	[sflag:s22] =	ssyncadd.s32 $0xFFFFFB00  }
0x24: {  	s2 =	simm.s32 $0x0;
	[bflag:$0x0] =	sbarrier.arrive $0xFFFF  }
0x25: {  	[tilespmem:s23], [sflag:$0x2] =	stream.linear.gather [hbm4b:s12+s2], $0x2800, $0x38;
	[tilespmem:$0xD000] =	vst v63  }
0x26: {  	_ =	swait.ge [sflag:s22], $0x2800  }
0x27: {  	[sflag:s22] =	ssyncset.done $0x0  }
0x28: {  	[sflag:s22] =	ssyncadd.s32 $0xFFFFD800  }
0x29: {  	[tilespmem:s24], [sflag:$0x2] =	stream.linear.gather [hbm4b:s13+s2], $0x2800, $0x38;
	[tilespmem:$0xD000] =	vst v63  }
0x2a: {  	_ =	swait.ge [sflag:s22], $0x2800  }
0x2b: {  	[sflag:s22] =	ssyncset.done $0x0  }
0x2c: {  	s10 =	simm.s32 $0x7800;
	[sflag:s22] =	ssyncadd.s32 $0xFFFFD800  }
0x2d: {  	[tilespmem:s26], [sflag:$0x1] =	stream.indirect.gather [hbm4b:s6+s25], $0x10, s10, s25, $0xb8;
	[tilespmem:$0xD000] =	vst v63  }
0x2e: {  	_ =	swait.ge [sflag:s28], $0x800  }
0x2f: {  	[sflag:s28] =	ssyncset.done $0x0  }
0x30: {  	s11 =	simm.s32 $0xA000;
	[sflag:s28] =	ssyncadd.s32 $0xFFFFF800  }
0x31: {  	[spmem:s1] =	stream.indirect.scatter.add.f32 [tilespmem:s26], [sflag:$0x2], $0x10, s11, s25, $0xb8;
	[tilespmem:$0xD000] =	vst v63  }
0x32: {  	_ =	swait.ge [sflag:s22], $0x800  }
0x33: {  	s5 =	simm.s32 $0x400;
	s2 =	simm.s32 $0x80;
	[sflag:s22] =	ssyncset.done $0x0  }
.LBB2_2:
0x34: {  	s7 =	sadd.s32 $0x7800, s2  }
0x35: {  	[sflag:s22] =	ssyncadd.s32 $0xFFFFF800;
	s10 =	smov.u32 s5;
	s11 =	sadd.s32 $0x200, s5  }
0x36: {  	[tilespmem:s26], [sflag:$0x1] =	stream.indirect.gather [hbm4b:s6+s25], $0x10, s7, s25, $0xb8;
	[tilespmem:$0xD000] =	vst v63  }
0x37: {  	p0 =	sne.s32 s5, $0x9E00;
	_ =	swait.ge [sflag:s28], $0x800  }
.Ltmp0:
0x38: {  	[sflag:s28] =	ssyncset.done $0x0;
	(pc) =	sbr.rel @p0 .LBB2_2-.Ltmp0, $4  }
0x39: {  	s2 =	sadd.s32 $0xA000, s2;
	[sflag:s28] =	ssyncadd.s32 $0xFFFFF800  }
0x3a: {  	[spmem:s1] =	stream.indirect.scatter.add.f32 [tilespmem:s26], [sflag:$0x2], $0x10, s2, s25, $0xb8;
	[tilespmem:$0xD000] =	vst v63  }
0x3b: {  	_ =	swait.ge [sflag:s22], $0x800  }
0x3c: {  	s5 =	smov.u32 s11;
	s2 =	sshra.s32 s10, $0x2;
	[sflag:s22] =	ssyncset.done $0x0  }
0x3d: {  	s5 =	sadd.s32 $0x7800, s2;
	[sflag:s22] =	ssyncadd.s32 $0xFFFFF800  }
0x3e: {  	[tilespmem:s26], [sflag:$0x1] =	stream.indirect.gather [hbm4b:s6+s25], $0x10, s5, s25, $0xb8;
	[tilespmem:$0xD000] =	vst v63  }
0x3f: {  	_ =	swait.ge [sflag:s28], $0x800  }
0x40: {  	[sflag:s28] =	ssyncset.done $0x0  }
0x41: {  	s5 =	sadd.s32 $0xA000, s2;
	[sflag:s28] =	ssyncadd.s32 $0xFFFFF800  }
0x42: {  	[spmem:s1] =	stream.indirect.scatter.add.f32 [tilespmem:s26], [sflag:$0x2], $0x10, s5, s25, $0xb8;
	[tilespmem:$0xD000] =	vst v63  }
0x43: {  	_ =	swait.ge [sflag:s22], $0x800  }
0x44: {  	[sflag:s22] =	ssyncset.done $0x0  }
0x45: {  	s7 =	simm.s32 $0x0;
	[sflag:s22] =	ssyncadd.s32 $0xFFFFF800  }
0x46: {  	[tilespmem:s23], [sflag:$0x2] =	stream.linear.gather [hbm4b:s14+s7], $0x2800, $0x38;
	[tilespmem:$0xD000] =	vst v63  }
0x47: {  	_ =	swait.ge [sflag:s22], $0x2800  }
0x48: {  	[sflag:s22] =	ssyncset.done $0x0  }
0x49: {  	[sflag:s22] =	ssyncadd.s32 $0xFFFFD800  }
0x4a: {  	[tilespmem:s24], [sflag:$0x2] =	stream.linear.gather [hbm4b:s15+s7], $0x2800, $0x38;
	[tilespmem:$0xD000] =	vst v63  }
0x4b: {  	_ =	swait.ge [sflag:s22], $0x2800  }
0x4c: {  	[sflag:s22] =	ssyncset.done $0x0  }
0x4d: {  	s10 =	simm.s32 $0x7800;
	[sflag:s22] =	ssyncadd.s32 $0xFFFFD800  }
0x4e: {  	[tilespmem:s26], [sflag:$0x1] =	stream.indirect.gather [hbm4b:s6+s25], $0x10, s10, s25, $0xb8;
	[tilespmem:$0xD000] =	vst v63  }
0x4f: {  	_ =	swait.ge [sflag:s28], $0x800  }
0x50: {  	[sflag:s28] =	ssyncset.done $0x0  }
0x51: {  	s11 =	simm.s32 $0xA000;
	[sflag:s28] =	ssyncadd.s32 $0xFFFFF800  }
0x52: {  	[spmem:s3] =	stream.indirect.scatter.add.f32 [tilespmem:s26], [sflag:$0x2], $0x10, s11, s25, $0xb8;
	[tilespmem:$0xD000] =	vst v63  }
0x53: {  	_ =	swait.ge [sflag:s22], $0x800  }
0x54: {  	s2 =	simm.s32 $0x80;
	s5 =	simm.s32 $0x400;
	[sflag:s22] =	ssyncset.done $0x0  }
.LBB2_4:
0x55: {  	s7 =	sadd.s32 $0x7800, s2  }
0x56: {  	[sflag:s22] =	ssyncadd.s32 $0xFFFFF800;
	s10 =	smov.u32 s5;
	s11 =	sadd.s32 $0x200, s5  }
0x57: {  	[tilespmem:s26], [sflag:$0x1] =	stream.indirect.gather [hbm4b:s6+s25], $0x10, s7, s25, $0xb8;
	[tilespmem:$0xD000] =	vst v63  }
0x58: {  	p0 =	sne.s32 s5, $0x9E00;
	_ =	swait.ge [sflag:s28], $0x800  }
.Ltmp1:
0x59: {  	[sflag:s28] =	ssyncset.done $0x0;
	(pc) =	sbr.rel @p0 .LBB2_4-.Ltmp1, $4  }
0x5a: {  	s2 =	sadd.s32 $0xA000, s2;
	[sflag:s28] =	ssyncadd.s32 $0xFFFFF800  }
0x5b: {  	[spmem:s3] =	stream.indirect.scatter.add.f32 [tilespmem:s26], [sflag:$0x2], $0x10, s2, s25, $0xb8;
	[tilespmem:$0xD000] =	vst v63  }
0x5c: {  	_ =	swait.ge [sflag:s22], $0x800  }
0x5d: {  	s5 =	smov.u32 s11;
	s2 =	sshra.s32 s10, $0x2;
	[sflag:s22] =	ssyncset.done $0x0  }
0x5e: {  	s5 =	sadd.s32 $0x7800, s2;
	[sflag:s22] =	ssyncadd.s32 $0xFFFFF800  }
0x5f: {  	[tilespmem:s26], [sflag:$0x1] =	stream.indirect.gather [hbm4b:s6+s25], $0x10, s5, s25, $0xb8;
	[tilespmem:$0xD000] =	vst v63  }
0x60: {  	_ =	swait.ge [sflag:s28], $0x800  }
0x61: {  	[sflag:s28] =	ssyncset.done $0x0  }
0x62: {  	s5 =	sadd.s32 $0xA000, s2;
	[sflag:s28] =	ssyncadd.s32 $0xFFFFF800  }
0x63: {  	[spmem:s3] =	stream.indirect.scatter.add.f32 [tilespmem:s26], [sflag:$0x2], $0x10, s5, s25, $0xb8;
	[tilespmem:$0xD000] =	vst v63  }
0x64: {  	_ =	swait.ge [sflag:s22], $0x800  }
0x65: {  	[sflag:s22] =	ssyncset.done $0x0  }
0x66: {  	s7 =	simm.s32 $0x0;
	[sflag:s22] =	ssyncadd.s32 $0xFFFFF800  }
0x67: {  	[tilespmem:s23], [sflag:$0x2] =	stream.linear.gather [hbm4b:s16+s7], $0x2800, $0x38;
	[tilespmem:$0xD000] =	vst v63  }
0x68: {  	_ =	swait.ge [sflag:s22], $0x2800  }
0x69: {  	[sflag:s22] =	ssyncset.done $0x0  }
0x6a: {  	[sflag:s22] =	ssyncadd.s32 $0xFFFFD800  }
0x6b: {  	[tilespmem:s24], [sflag:$0x2] =	stream.linear.gather [hbm4b:s17+s7], $0x2800, $0x38;
	[tilespmem:$0xD000] =	vst v63  }
0x6c: {  	_ =	swait.ge [sflag:s22], $0x2800  }
0x6d: {  	[sflag:s22] =	ssyncset.done $0x0  }
0x6e: {  	s10 =	simm.s32 $0x7800;
	[sflag:s22] =	ssyncadd.s32 $0xFFFFD800  }
0x6f: {  	[tilespmem:s26], [sflag:$0x1] =	stream.indirect.gather [hbm4b:s6+s25], $0x10, s10, s25, $0xb8;
	[tilespmem:$0xD000] =	vst v63  }
0x70: {  	_ =	swait.ge [sflag:s28], $0x800  }
0x71: {  	[sflag:s28] =	ssyncset.done $0x0  }
0x72: {  	s11 =	simm.s32 $0xA000;
	[sflag:s28] =	ssyncadd.s32 $0xFFFFF800  }
0x73: {  	[spmem:s4] =	stream.indirect.scatter.add.f32 [tilespmem:s26], [sflag:$0x2], $0x10, s11, s25, $0xb8;
	[tilespmem:$0xD000] =	vst v63  }
0x74: {  	_ =	swait.ge [sflag:s22], $0x800  }
0x75: {  	s2 =	simm.s32 $0x80;
	s5 =	simm.s32 $0x400;
	[sflag:s22] =	ssyncset.done $0x0  }
.LBB2_6:
0x76: {  	s7 =	sadd.s32 $0x7800, s2  }
0x77: {  	[sflag:s22] =	ssyncadd.s32 $0xFFFFF800;
	s10 =	smov.u32 s5;
	s11 =	sadd.s32 $0x200, s5  }
0x78: {  	[tilespmem:s26], [sflag:$0x1] =	stream.indirect.gather [hbm4b:s6+s25], $0x10, s7, s25, $0xb8;
	[tilespmem:$0xD000] =	vst v63  }
0x79: {  	p0 =	sne.s32 s5, $0x9E00;
	_ =	swait.ge [sflag:s28], $0x800  }
.Ltmp2:
0x7a: {  	[sflag:s28] =	ssyncset.done $0x0;
	(pc) =	sbr.rel @p0 .LBB2_6-.Ltmp2, $4  }
0x7b: {  	s2 =	sadd.s32 $0xA000, s2;
	[sflag:s28] =	ssyncadd.s32 $0xFFFFF800  }
0x7c: {  	[spmem:s4] =	stream.indirect.scatter.add.f32 [tilespmem:s26], [sflag:$0x2], $0x10, s2, s25, $0xb8;
	[tilespmem:$0xD000] =	vst v63  }
0x7d: {  	_ =	swait.ge [sflag:s22], $0x800  }
0x7e: {  	s5 =	smov.u32 s11;
	s2 =	sshra.s32 s10, $0x2;
	[sflag:s22] =	ssyncset.done $0x0  }
0x7f: {  	s5 =	sadd.s32 $0x7800, s2;
	[sflag:s22] =	ssyncadd.s32 $0xFFFFF800  }
0x80: {  	[tilespmem:s26], [sflag:$0x1] =	stream.indirect.gather [hbm4b:s6+s25], $0x10, s5, s25, $0xb8;
	[tilespmem:$0xD000] =	vst v63  }
0x81: {  	_ =	swait.ge [sflag:s28], $0x800  }
0x82: {  	[sflag:s28] =	ssyncset.done $0x0  }
0x83: {  	s11 =	sadd.s32 $0xA000, s2;
	[sflag:s28] =	ssyncadd.s32 $0xFFFFF800  }
0x84: {  	[spmem:s4] =	stream.indirect.scatter.add.f32 [tilespmem:s26], [sflag:$0x2], $0x10, s11, s25, $0xb8;
	[tilespmem:$0xD000] =	vst v63  }
0x85: {  	_ =	swait.ge [sflag:s22], $0x800  }
0x86: {  	[sflag:s22] =	ssyncset.done $0x0  }
0x87: {  	[sflag:s22] =	ssyncadd.s32 $0xFFFFF800  }
0x88: {  	[bflag:$0x0] =	sbarrier.arrive $0xFFFF  }
0x89: {  	[hbm:s18], [sflag:s9] =	dma.local [spmem:s30], $0x500  }
0x8a: {  	_ =	swait.ge [sflag:s22], $0x500  }
0x8b: {  	[sflag:s22] =	ssyncset.done $0x0  }
0x8c: {  	[sflag:s22] =	ssyncadd.s32 $0xFFFFFB00  }
0x8d: {  	[hbm:s19], [sflag:s9] =	dma.local [spmem:s31], $0x500  }
0x8e: {  	s29 =	sadd.s32 $0x1, s29;
	_ =	swait.ge [sflag:s22], $0x500  }
0x8f: {  	p0 =	sne.s32 s29, s21;
	[sflag:s22] =	ssyncset.done $0x0  }
.Ltmp3:
0x90: {  	[sflag:s22] =	ssyncadd.s32 $0xFFFFFB00;
	(pc) =	sbr.rel @p0 .LBB2_1-.Ltmp3, $4  }
0x91: {  	[hbm:s20], [sflag:s9] =	dma.local [spmem:s0], $0x500  }
0x92: {  	_ =	swait.ge [sflag:s22], $0x500  }
0x93: {  	[sflag:s22] =	ssyncset.done $0x0  }
0x94: {  	[sflag:s22] =	ssyncadd.s32 $0xFFFFFB00  }
0x95: {  	_ =	sfence.sel $0x180000  }
0x96: {  	[bflag:$0x0] =	sbarrier.arrive $0xFFFF  }
0x97: {  	_ =	strace $0x90000047  }
0x98: {  	s0 =	stileid.u32;
	[bflag:$0x2] =	sbarrier.arrive $0xFFFF  }
0x99: {  	p0 =	sne.s32 s0, $0x0;
	s0 =	rddreg [dreg:$0x4]  }
0x9a: {  	s0 =	sadd.s32 @!p0 $0x100000, s0  }
0x9b: {  	[sflag:s0] =	ssyncadd.tile.s32 @!p0 $0x1;
	_ =	shalt  }
.Lfunc_end2:
_tile_overlayer_lowered:
.L_overlay_start_2:
0x9c: {  	(tag) =	ssettag $0x2  }
0x9d: {  	s0 =	rddreg [dreg:$0x0];
	s2 =	stileid.u32  }
0x9e: {  	s1 =	rddreg [dreg:$0x1];
	p0 =	sne.s32 s2, $0x0  }
0x9f: {  	s3 =	rddreg [dreg:$0x2];
	[bflag:$0x3] =	sbarrier.arrive $0xFFFF;
	s2 =	simm.s32 @!p0 $0x1C02  }
0xa0: {  	[timem:s3], [sflag:s2] =	dma.local @!p0 [hbm:s0], s1  }
0xa1: {  	s0 =	simm.s32 @!p0 $0x2  }
0xa2: {  	_ =	swait.ge @!p0 [sflag:s0], s1  }
0xa3: {  	s1 =	ssub.s32 @!p0 $0x0, s1;
	[sflag:s0] =	ssyncset.done @!p0 $0x0  }
0xa4: {  	[sflag:s0] =	ssyncadd.s32 @!p0 s1  }
0xa5: {  	[bflag:$0x3] =	sbarrier.arrive $0xFFFF  }
0xa6: {  	_ =	shalt  }

</sc_bundles>
